<compile_context>
chip_gen: v7x
topology: tpu7x:2x2x1
jax: 0.10.2.dev20260603
libtpu: 0.0.44.dev20260713+nightly
codegen_flags: <defaults>
</compile_context>

<pallas_src>
import functools

import jax
import jax.numpy as jnp
from jax import lax
from jax.experimental import pallas as pl
from jax.experimental.pallas import tpu as pltpu
from jax.experimental.pallas import tpu_sc as plsc

N = 10000
E = 320000
D = 128
HID = 128
NC = 2
NS = 16
NW = NC * NS
NP = 10240
EPW = E // NW
EPT = E // NS
CH = 80
NCHUNK = EPT // CH
SB = 50
NSB = NCHUNK // SB
ACCR = NP // NS
OUTR = N // NS
GATES = 4

_mesh = plsc.VectorSubcoreMesh(core_axis_name="c", subcore_axis_name="s")


@functools.partial(
    pl.kernel,
    out_type=jax.ShapeDtypeStruct((NW, NP), jnp.float32),
    mesh=_mesh,
    compiler_params=pltpu.CompilerParams(needs_layout_passes=False),
    scratch_types=[
        pltpu.VMEM((EPW,), jnp.int32),
        pltpu.VMEM((EPW,), jnp.float32),
        pltpu.VMEM((NP,), jnp.float32),
    ],
)
def _deg_kernel(row_hbm, ew_hbm, out_hbm, rowv, ewv, degv):
    cid = lax.axis_index("c")
    sid = lax.axis_index("s")
    wid = sid * NC + cid
    base = wid * EPW
    pltpu.sync_copy(row_hbm.at[pl.ds(base, EPW)], rowv)
    pltpu.sync_copy(ew_hbm.at[pl.ds(base, EPW)], ewv)
    zero = jnp.zeros((16,), jnp.float32)

    def zbody(i, carry):
        degv[pl.ds(i * 16, 16)] = zero
        return carry

    lax.fori_loop(0, NP // 16, zbody, 0)

    def body(i, carry):
        idx = rowv[pl.ds(i * 16, 16)]
        val = ewv[pl.ds(i * 16, 16)]
        plsc.addupdate_scatter(degv, [idx], val)
        return carry

    lax.fori_loop(0, EPW // 16, body, 0)
    pltpu.sync_copy(degv, out_hbm.at[wid])


def _dis_body(degp_ref, dis_ref):
    deg = jnp.sum(degp_ref[...], axis=0, keepdims=True)
    safe = jnp.where(deg > 0, deg, 1.0)
    dis_ref[...] = jnp.where(deg > 0, lax.rsqrt(safe), 0.0)


def _dis(degp):
    return pl.pallas_call(
        _dis_body,
        out_shape=jax.ShapeDtypeStruct((1, NP), jnp.float32),
    )(degp)


def _scale_body(x_ref, h_ref, dc_ref, y_ref):
    g = pl.program_id(0)
    d = dc_ref[...]
    y_ref[...] = jnp.where(g == 0, d * x_ref[...], d * h_ref[...])[None]


def _scale(x, h, dis_col):
    return pl.pallas_call(
        _scale_body,
        grid=(2, N // R),
        in_specs=[
            pl.BlockSpec((R, D), lambda g, i: (i, 0)),
            pl.BlockSpec((R, HID), lambda g, i: (i, 0)),
            pl.BlockSpec((R, 1), lambda g, i: (i, 0)),
        ],
        out_specs=pl.BlockSpec((1, R, D), lambda g, i: (g, i, 0)),
        out_shape=jax.ShapeDtypeStruct((2, N, D), jnp.float32),
    )(x, h, dis_col)


@functools.partial(
    pl.kernel,
    out_type=jax.ShapeDtypeStruct((2 * NP, D), jnp.float32),
    mesh=_mesh,
    compiler_params=pltpu.CompilerParams(needs_layout_passes=False),
    scratch_types=[
        pltpu.VMEM((SB, CH), jnp.int32),
        pltpu.VMEM((SB, CH), jnp.int32),
        pltpu.VMEM((SB * CH,), jnp.float32),
        pltpu.VMEM((CH, D), jnp.float32),
        pltpu.VMEM((CH, D), jnp.float32),
        pltpu.VMEM((CH, D), jnp.float32),
        pltpu.VMEM_SHARED((NP, D), jnp.float32),
        pltpu.SemaphoreType.DMA,
        pltpu.SemaphoreType.DMA,
        pltpu.SemaphoreType.DMA,
        pltpu.SemaphoreType.DMA,
        pltpu.SemaphoreType.DMA,
        pltpu.SemaphoreType.DMA,
        pltpu.SemaphoreType.DMA,
        pltpu.SemaphoreType.DMA,
        pltpu.SemaphoreType.DMA,
    ],
)
def _msg_kernel(row_hbm, col_hbm, ew_hbm, xh_hbm, axh_hbm,
                rowv, colv, ewv, bufa, bufb, bufc, acc,
                gsa, gsb, gsc, ssa, ssb, ssc, esr, esc, ese):
    cid = lax.axis_index("c")
    sid = lax.axis_index("s")

    zero = jnp.zeros((16,), jnp.float32)

    def zrow(r, carry):
        for k in range(D // 16):
            bufa[r, pl.ds(k * 16, 16)] = zero
        return carry

    lax.fori_loop(0, CH, zrow, 0)
    for b in range(ACCR // CH):
        pltpu.sync_copy(bufa, acc.at[pl.ds(sid * ACCR + b * CH, CH)])
    plsc.subcore_barrier()

    coff = jnp.full((16,), 1, jnp.int32) * (cid * N)
    KCH = CH // 16
    one16 = jnp.full((16,), 1, jnp.int32)

    def gather(jc, buf, sem):
        pltpu.async_copy(xh_hbm.at[rowv.at[jc]], buf, sem)

    def gwait(buf, sem):
        pltpu.make_async_copy(xh_hbm.at[rowv.at[0]], buf, sem).wait()

    def mult(jc, buf):
        def rbody(r, ivec):
            sval = plsc.load_gather(ewv, [ivec])
            for k in range(D // 16):
                buf[r, pl.ds(k * 16, 16)] = buf[r, pl.ds(k * 16, 16)] * sval
            return ivec + one16

        lax.fori_loop(0, CH, rbody, jnp.full((16,), jc * CH, jnp.int32),
                      unroll=2)

    def scat(jc, buf, sem):
        pltpu.async_copy(buf, acc.at[colv.at[jc]], sem, add=True)

    def swait(buf, sem):
        pltpu.make_async_copy(xh_hbm.at[rowv.at[0]], buf, sem).wait()

    def superchunk(q, carry):
        pltpu.make_async_copy(row_hbm.at[sid, 0], rowv, esr).wait()
        pltpu.make_async_copy(col_hbm.at[sid, 0], colv, esc).wait()
        pltpu.make_async_copy(ew_hbm.at[sid, 0], ewv, ese).wait()

        def sbody(t, carry0):
            j = t // KCH
            k = t % KCH
            rowv[j, pl.ds(k * 16, 16)] = rowv[j, pl.ds(k * 16, 16)] + coff
            return carry0

        lax.fori_loop(0, SB * KCH, sbody, 0, unroll=2)

        gather(0, bufa, gsa)
        gather(1, bufb, gsb)

        gwait(bufa, gsa)
        mult(0, bufa)
        scat(0, bufa, ssa)
        gather(2, bufc, gsc)

        def pipe(m, carry1):
            c0 = 3 * m + 1
            gwait(bufb, gsb)
            mult(c0, bufb)
            scat(c0, bufb, ssb)
            swait(bufa, ssa)
            gather(c0 + 2, bufa, gsa)
            gwait(bufc, gsc)
            mult(c0 + 1, bufc)
            scat(c0 + 1, bufc, ssc)
            swait(bufb, ssb)
            gather(c0 + 3, bufb, gsb)
            gwait(bufa, gsa)
            mult(c0 + 2, bufa)
            scat(c0 + 2, bufa, ssa)
            swait(bufc, ssc)
            gather(c0 + 4, bufc, gsc)
            return carry1

        lax.fori_loop(0, (SB - 5) // 3, pipe, 0)
        gwait(bufb, gsb)
        mult(SB - 4, bufb)
        scat(SB - 4, bufb, ssb)
        swait(bufa, ssa)
        gather(SB - 2, bufa, gsa)
        gwait(bufc, gsc)
        mult(SB - 3, bufc)
        scat(SB - 3, bufc, ssc)
        swait(bufb, ssb)
        gather(SB - 1, bufb, gsb)
        gwait(bufa, gsa)
        mult(SB - 2, bufa)
        scat(SB - 2, bufa, ssa)
        swait(bufc, ssc)
        gwait(bufb, gsb)
        mult(SB - 1, bufb)
        scat(SB - 1, bufb, ssb)
        swait(bufa, ssa)
        swait(bufb, ssb)
        pltpu.async_copy(row_hbm.at[sid, q + 1], rowv, esr)
        pltpu.async_copy(col_hbm.at[sid, q + 1], colv, esc)
        pltpu.async_copy(ew_hbm.at[sid, q + 1], ewv, ese)
        return carry

    pltpu.async_copy(row_hbm.at[sid, 0], rowv, esr)
    pltpu.async_copy(col_hbm.at[sid, 0], colv, esc)
    pltpu.async_copy(ew_hbm.at[sid, 0], ewv, ese)
    lax.fori_loop(0, NSB, superchunk, 0)
    pltpu.make_async_copy(row_hbm.at[sid, 0], rowv, esr).wait()
    pltpu.make_async_copy(col_hbm.at[sid, 0], colv, esc).wait()
    pltpu.make_async_copy(ew_hbm.at[sid, 0], ewv, ese).wait()
    plsc.subcore_barrier()
    pltpu.sync_copy(acc.at[pl.ds(sid * ACCR, ACCR)],
                    axh_hbm.at[pl.ds(cid * NP + sid * ACCR, ACCR)])


R = 1000


def _dense_body(x_ref, ax_ref, h_ref, ah_ref, dis_ref, c_ref, W_ref, b_ref,
                wc_ref, hw_ref, hb_ref, out_ref, hn_ref, cn_ref):
    nd = -dis_ref[...]
    inp = jnp.concatenate(
        [x_ref[...], nd * ax_ref[...], h_ref[...], nd * ah_ref[...]], axis=1)
    pre = jnp.dot(inp, W_ref[...], preferred_element_type=jnp.float32) + b_ref[...]
    cb = c_ref[...]
    gi = jax.nn.sigmoid(pre[:, 0:HID] + wc_ref[0:1, :] * cb)
    gf = jax.nn.sigmoid(pre[:, HID:2 * HID] + wc_ref[1:2, :] * cb)
    gt = jnp.tanh(pre[:, 2 * HID:3 * HID])
    cn = gf * cb + gi * gt
    go = jax.nn.sigmoid(pre[:, 3 * HID:4 * HID] + wc_ref[2:3, :] * cn)
    hn = go * jnp.tanh(cn)
    cn_ref[...] = cn
    hn_ref[...] = hn
    out_ref[...] = jnp.dot(hn, hw_ref[...],
                           preferred_element_type=jnp.float32) + hb_ref[...]


def _dense(x, ax, h, ah, dis_col, c, Wbig, bias, wc, head_w, head_b):
    grid = (N // R,)
    row_spec = pl.BlockSpec((R, HID), lambda i: (i, 0))
    full = lambda shape: pl.BlockSpec(shape, lambda i: (0, 0))
    return pl.pallas_call(
        _dense_body,
        grid=grid,
        in_specs=[
            row_spec, row_spec, row_spec, row_spec,
            pl.BlockSpec((R, 1), lambda i: (i, 0)),
            row_spec,
            full((4 * HID, GATES * HID)),
            full((1, GATES * HID)),
            full((3, HID)),
            full((HID, 1)),
            full((1, 1)),
        ],
        out_specs=[
            pl.BlockSpec((R, 1), lambda i: (i, 0)),
            row_spec, row_spec,
        ],
        out_shape=[
            jax.ShapeDtypeStruct((N, 1), jnp.float32),
            jax.ShapeDtypeStruct((N, HID), jnp.float32),
            jax.ShapeDtypeStruct((N, HID), jnp.float32),
        ],
    )(x, ax, h, ah, dis_col, c, Wbig, bias, wc, head_w, head_b)


def kernel(x, ei, ew, h, c, params):
    row = ei[0].astype(jnp.int32)
    col = ei[1].astype(jnp.int32)
    ew32 = ew.astype(jnp.float32)

    degp = _deg_kernel(row, ew32)
    dis_flat = _dis(degp).reshape(NP)
    dis_col = dis_flat[:N].reshape(N, 1)

    row3 = row.reshape(NS, NSB, SB, CH)
    col3 = col.reshape(NS, NSB, SB, CH)
    ew3 = ew32.reshape(NS, NSB, SB * CH)
    row4 = jnp.concatenate([row3, row3[:, :1]], axis=1)
    col4 = jnp.concatenate([col3, col3[:, :1]], axis=1)
    ew4 = jnp.concatenate([ew3, ew3[:, :1]], axis=1)
    y = _scale(x, h, dis_col).reshape(2 * N, D)
    axh = _msg_kernel(row4, col4, ew4, y)
    ax = axh[:N]
    ah = axh[NP:NP + N]

    p = params
    wcols = []
    bcols = []
    for g in ("i", "f", "c", "o"):
        wcols.append(jnp.concatenate(
            [p["Wx_" + g][0], p["Wx_" + g][1],
             p["Wh_" + g][0], p["Wh_" + g][1]], axis=0))
        bcols.append(p["bx_" + g] + p["bh_" + g] + p["b_" + g][0])
    Wbig = jnp.concatenate(wcols, axis=1)
    bias = jnp.concatenate(bcols).reshape(1, GATES * HID)
    wc = jnp.concatenate([p["wc_i"], p["wc_f"], p["wc_o"]], axis=0)
    head_b = p["head_b"].reshape(1, 1)

    return _dense(x, ax, h, ah, dis_col, c, Wbig, bias, wc,
                  p["head_W"], head_b)

# --- scband reference (transcript-rebuilt; emitter-appended) ---
"""Pipeline reference for scband-gclstm-11063835754564 (READ-ONLY COPY).

The authoritative reference and input builder live on the scoring server;
editing this copy changes nothing except your own understanding.
"""

import jax, jax.numpy as jnp
import numpy as np

N = 10000
E = 320000
D = 128
HID = 128


def setup_inputs(seed: int = 0) -> dict:
    key = jax.random.key(seed)
    ks = jax.random.split(key, 32)
    x = jax.random.normal(ks[0], (N, D), dtype=jnp.float32)
    ei = jax.random.randint(ks[1], (2, E), 0, N)
    ew = jax.random.uniform(ks[2], (E,), dtype=jnp.float32)
    h = jax.random.normal(ks[3], (N, HID), dtype=jnp.float32)
    c = jax.random.normal(ks[4], (N, HID), dtype=jnp.float32)
    params = {}
    idx = 5
    for g in ['i', 'f', 'c', 'o']:
        params['Wx_' + g] = jax.random.normal(ks[idx], (2, D, HID), dtype=jnp.float32) * 0.05; idx += 1
        params['bx_' + g] = jnp.zeros((HID,), dtype=jnp.float32)
        params['Wh_' + g] = jax.random.normal(ks[idx], (2, HID, HID), dtype=jnp.float32) * 0.05; idx += 1
        params['bh_' + g] = jnp.zeros((HID,), dtype=jnp.float32)
    for g in ['i', 'f', 'o']:
        params['wc_' + g] = jax.random.normal(ks[idx], (1, HID), dtype=jnp.float32) * 0.05; idx += 1
    for g in ['i', 'f', 'c', 'o']:
        params['b_' + g] = jnp.zeros((1, HID), dtype=jnp.float32)
    params['head_W'] = jax.random.normal(ks[idx], (HID, 1), dtype=jnp.float32) * 0.05; idx += 1
    params['head_b'] = jnp.zeros((1,), dtype=jnp.float32)
    return {'x': x, 'ei': ei, 'ew': ew, 'h': h, 'c': c, 'params': params}


def _lap_norm(row, col, ew, n):
    # ChebConv K=2, sym normalization, lambda_max=2 => L_hat = -D^{-1/2} A D^{-1/2}
    deg = jnp.zeros((n,), dtype=ew.dtype).at[row].add(ew)
    dis = jnp.where(deg > 0, 1.0 / jnp.sqrt(jnp.where(deg > 0, deg, 1.0)), 0.0)
    return -dis[row] * ew * dis[col]


def _cheb(xin, row, col, norm, W, b, n):
    Tx0 = xin
    msgs = xin[row] * norm[:, None]
    Tx1 = jnp.zeros((n, xin.shape[1]), dtype=xin.dtype).at[col].add(msgs)
    return Tx0 @ W[0] + Tx1 @ W[1] + b


def _forward(x, ei, ew, h, c, p):
    n = x.shape[0]
    row, col = ei[0], ei[1]
    norm = _lap_norm(row, col, ew, n)
    i = jax.nn.sigmoid(_cheb(x, row, col, norm, p['Wx_i'], p['bx_i'], n)
                       + _cheb(h, row, col, norm, p['Wh_i'], p['bh_i'], n)
                       + p['wc_i'] * c + p['b_i'])
    f = jax.nn.sigmoid(_cheb(x, row, col, norm, p['Wx_f'], p['bx_f'], n)
                       + _cheb(h, row, col, norm, p['Wh_f'], p['bh_f'], n)
                       + p['wc_f'] * c + p['b_f'])
    t = jnp.tanh(_cheb(x, row, col, norm, p['Wx_c'], p['bx_c'], n)
                 + _cheb(h, row, col, norm, p['Wh_c'], p['bh_c'], n)
                 + p['b_c'])
    c_new = f * c + i * t
    o = jax.nn.sigmoid(_cheb(x, row, col, norm, p['Wx_o'], p['bx_o'], n)
                       + _cheb(h, row, col, norm, p['Wh_o'], p['bh_o'], n)
                       + p['wc_o'] * c_new + p['b_o'])
    h_new = o * jnp.tanh(c_new)
    out = h_new @ p['head_W'] + p['head_b']
    return out, h_new, c_new


def reference(x, ei, ew, h, c, params):
    return _forward(x, ei, ew, h, c, params)

if __name__ == "__main__":
    import jax
    _d = setup_inputs()
    print(jax.jit(kernel)(*tuple(_d.values())))

</pallas_src>

<mosaic_0001>
#map = affine_map<(d0, d1) -> (0)>
#map1 = affine_map<(d0, d1) -> (0, 0)>
module attributes {stable_mosaic.version = 14 : i64} {
  func.func @_deg_kernel(%arg0: i32, %arg1: i32, %arg2: memref<320000xi32, #tpu.memory_space<hbm>>, %arg3: memref<320000xf32, #tpu.memory_space<hbm>>, %arg4: memref<32x10240xf32, #tpu.memory_space<hbm>>, %arg5: memref<10000xi32, #tpu.memory_space<vmem>>, %arg6: memref<10000xf32, #tpu.memory_space<vmem>>, %arg7: memref<10240xf32, #tpu.memory_space<vmem>>) attributes {dimension_semantics = [#tpu.dimension_semantics<core_parallel>, #tpu.dimension_semantics<subcore_parallel>], iteration_bounds = array<i64: 2, 16>, scalar_prefetch = 0 : i64, scratch_operands = 3 : i64, tpu.core_type = #tpu.core_type<sc_vector_subcore>, window_params = [{transform_indices = #map}, {transform_indices = #map}, {transform_indices = #map1}]} {
    %mul3A = arith.constant 2 : i32
    %mul3A_0 = arith.muli %arg1, %mul3A : i32
    %add3A = arith.addi %mul3A_0, %arg0 : i32
    %mul3A_1 = arith.constant 10000 : i32
    %mul3A_2 = arith.muli %add3A, %mul3A_1 : i32
    "tpu.region"() ({
      %run_scoped3A = tpu.sem_alloc : memref<!tpu.dma_semaphore, #tpu.memory_space<semaphore_mem>>
      %dma_start3A = tpu.memref_slice %arg2[%mul3A_2] : memref<320000xi32, #tpu.memory_space<hbm>> -> memref<10000xi32, #tpu.memory_space<hbm>>
      %dma_start3A_15 = tpu.memref_slice %arg2[%mul3A_2] : memref<320000xi32, #tpu.memory_space<hbm>> -> memref<10000xi32, #tpu.memory_space<hbm>>
      tpu.enqueue_dma source(%dma_start3A_15 : memref<10000xi32, #tpu.memory_space<hbm>>) target(%arg5 : memref<10000xi32, #tpu.memory_space<vmem>>) target_semaphore(%run_scoped3A : memref<!tpu.dma_semaphore, #tpu.memory_space<semaphore_mem>>)
      %dma_wait3A = tpu.memref_slice %arg2[%mul3A_2] : memref<320000xi32, #tpu.memory_space<hbm>> -> memref<10000xi32, #tpu.memory_space<hbm>>
      %dma_wait3A_16 = tpu.memref_slice %arg2[%mul3A_2] : memref<320000xi32, #tpu.memory_space<hbm>> -> memref<10000xi32, #tpu.memory_space<hbm>>
      tpu.wait_dma2 semaphore(%run_scoped3A : memref<!tpu.dma_semaphore, #tpu.memory_space<semaphore_mem>>) src(%dma_wait3A_16 : memref<10000xi32, #tpu.memory_space<hbm>>) dst(%arg5 : memref<10000xi32, #tpu.memory_space<vmem>>)
      tpu.yield
    }) : () -> ()
    "tpu.region"() ({
      %run_scoped3A = tpu.sem_alloc : memref<!tpu.dma_semaphore, #tpu.memory_space<semaphore_mem>>
      %dma_start3A = tpu.memref_slice %arg3[%mul3A_2] : memref<320000xf32, #tpu.memory_space<hbm>> -> memref<10000xf32, #tpu.memory_space<hbm>>
      %dma_start3A_15 = tpu.memref_slice %arg3[%mul3A_2] : memref<320000xf32, #tpu.memory_space<hbm>> -> memref<10000xf32, #tpu.memory_space<hbm>>
      tpu.enqueue_dma source(%dma_start3A_15 : memref<10000xf32, #tpu.memory_space<hbm>>) target(%arg6 : memref<10000xf32, #tpu.memory_space<vmem>>) target_semaphore(%run_scoped3A : memref<!tpu.dma_semaphore, #tpu.memory_space<semaphore_mem>>)
      %dma_wait3A = tpu.memref_slice %arg3[%mul3A_2] : memref<320000xf32, #tpu.memory_space<hbm>> -> memref<10000xf32, #tpu.memory_space<hbm>>
      %dma_wait3A_16 = tpu.memref_slice %arg3[%mul3A_2] : memref<320000xf32, #tpu.memory_space<hbm>> -> memref<10000xf32, #tpu.memory_space<hbm>>
      tpu.wait_dma2 semaphore(%run_scoped3A : memref<!tpu.dma_semaphore, #tpu.memory_space<semaphore_mem>>) src(%dma_wait3A_16 : memref<10000xf32, #tpu.memory_space<hbm>>) dst(%arg6 : memref<10000xf32, #tpu.memory_space<vmem>>)
      tpu.yield
    }) : () -> ()
    %broadcast_in_dim3A = arith.constant 0.000000e+00 : f32
    %broadcast_in_dim3A_3 = vector.broadcast %broadcast_in_dim3A : f32 to vector<16xf32>
    %scan3A = arith.constant 0 : i32
    %scan3A_4 = arith.constant 0 : i32
    %scan3A_5 = arith.constant 640 : i32
    %scan3A_6 = arith.addi %scan3A_4, %scan3A_5 : i32
    %scan3A_7 = arith.constant 1 : i32
    scf.for %scan3A_15 = %scan3A_4 to %scan3A_6 step %scan3A_7  : i32 {
      %mul3A_16 = arith.constant 16 : i32
      %mul3A_17 = arith.muli %scan3A_15, %mul3A_16 : i32
      %swap3A = arith.index_cast %mul3A_17 : i32 to index
      %swap3A_18 = tpu.vector_load %arg7[%swap3A] {strides = array<i32>} : memref<10240xf32, #tpu.memory_space<vmem>>, vector<16xf32>,
      tpu.vector_store %arg7[%swap3A], %broadcast_in_dim3A_3 {strides = array<i32>} : memref<10240xf32, #tpu.memory_space<vmem>>, vector<16xf32>,
    }
    %scan3A_8 = arith.constant 640 : i32
    %scan3A_9 = arith.constant 0 : i32
    %scan3A_10 = arith.constant 0 : i32
    %scan3A_11 = arith.constant 625 : i32
    %scan3A_12 = arith.addi %scan3A_10, %scan3A_11 : i32
    %scan3A_13 = arith.constant 1 : i32
    scf.for %scan3A_15 = %scan3A_10 to %scan3A_12 step %scan3A_13  : i32 {
      %mul3A_16 = arith.constant 16 : i32
      %mul3A_17 = arith.muli %scan3A_15, %mul3A_16 : i32
      %get3A = arith.index_cast %mul3A_17 : i32 to index
      %get3A_18 = tpu.vector_load %arg5[%get3A] {strides = array<i32>} : memref<10000xi32, #tpu.memory_space<vmem>>, vector<16xi32>,
      %mul3A_19 = arith.constant 16 : i32
      %mul3A_20 = arith.muli %scan3A_15, %mul3A_19 : i32
      %get3A_21 = arith.index_cast %mul3A_20 : i32 to index
      %get3A_22 = tpu.vector_load %arg6[%get3A_21] {strides = array<i32>} : memref<10000xf32, #tpu.memory_space<vmem>>, vector<16xf32>,
      tpu.vector_store_idx %arg7[%get3A_18], %get3A_22 {add = true} : memref<10240xf32, #tpu.memory_space<vmem>>[vector<16xi32>], vector<16xf32>,
    }
    %scan3A_14 = arith.constant 625 : i32
    "tpu.region"() ({
      %run_scoped3A = tpu.sem_alloc : memref<!tpu.dma_semaphore, #tpu.memory_space<semaphore_mem>>
      %dma_start3A = arith.constant 0 : i32
      %dma_start3A_15 = tpu.memref_slice %arg4[%add3A, %dma_start3A] : memref<32x10240xf32, #tpu.memory_space<hbm>> -> memref<1x10240xf32, #tpu.memory_space<hbm>>
      %dma_start3A_16 = tpu.memref_squeeze %dma_start3A_15 : memref<1x10240xf32, #tpu.memory_space<hbm>> -> memref<10240xf32, #tpu.memory_space<hbm>>
      %dma_start3A_17 = arith.constant 0 : i32
      %dma_start3A_18 = tpu.memref_slice %arg4[%add3A, %dma_start3A_17] : memref<32x10240xf32, #tpu.memory_space<hbm>> -> memref<1x10240xf32, #tpu.memory_space<hbm>>
      %dma_start3A_19 = tpu.memref_squeeze %dma_start3A_18 : memref<1x10240xf32, #tpu.memory_space<hbm>> -> memref<10240xf32, #tpu.memory_space<hbm>>
      tpu.enqueue_dma source(%arg7 : memref<10240xf32, #tpu.memory_space<vmem>>) target(%dma_start3A_19 : memref<10240xf32, #tpu.memory_space<hbm>>) target_semaphore(%run_scoped3A : memref<!tpu.dma_semaphore, #tpu.memory_space<semaphore_mem>>)
      %dma_wait3A = arith.constant 0 : i32
      %dma_wait3A_20 = tpu.memref_slice %arg4[%add3A, %dma_wait3A] : memref<32x10240xf32, #tpu.memory_space<hbm>> -> memref<1x10240xf32, #tpu.memory_space<hbm>>
      %dma_wait3A_21 = tpu.memref_squeeze %dma_wait3A_20 : memref<1x10240xf32, #tpu.memory_space<hbm>> -> memref<10240xf32, #tpu.memory_space<hbm>>
      %dma_wait3A_22 = arith.constant 0 : i32
      %dma_wait3A_23 = tpu.memref_slice %arg4[%add3A, %dma_wait3A_22] : memref<32x10240xf32, #tpu.memory_space<hbm>> -> memref<1x10240xf32, #tpu.memory_space<hbm>>
      %dma_wait3A_24 = tpu.memref_squeeze %dma_wait3A_23 : memref<1x10240xf32, #tpu.memory_space<hbm>> -> memref<10240xf32, #tpu.memory_space<hbm>>
      tpu.wait_dma2 semaphore(%run_scoped3A : memref<!tpu.dma_semaphore, #tpu.memory_space<semaphore_mem>>) src(%arg7 : memref<10240xf32, #tpu.memory_space<vmem>>) dst(%dma_wait3A_24 : memref<10240xf32, #tpu.memory_space<hbm>>)
      tpu.yield
    }) : () -> ()
    return
  }
}

#map = affine_map<(d0, d1) -> (0, 0, 0, 0)>
#map1 = affine_map<(d0, d1) -> (0, 0, 0)>
#map2 = affine_map<(d0, d1) -> (0, 0)>
module attributes {stable_mosaic.version = 14 : i64} {
  func.func @_msg_kernel(%arg0: i32, %arg1: i32, %arg2: memref<16x6x50x80xi32, #tpu.memory_space<hbm>>, %arg3: memref<16x6x50x80xi32, #tpu.memory_space<hbm>>, %arg4: memref<16x6x4000xf32, #tpu.memory_space<hbm>>, %arg5: memref<20000x128xf32, #tpu.memory_space<hbm>>, %arg6: memref<20480x128xf32, #tpu.memory_space<hbm>>, %arg7: memref<50x80xi32, #tpu.memory_space<vmem>>, %arg8: memref<50x80xi32, #tpu.memory_space<vmem>>, %arg9: memref<4000xf32, #tpu.memory_space<vmem>>, %arg10: memref<80x128xf32, #tpu.memory_space<vmem>>, %arg11: memref<80x128xf32, #tpu.memory_space<vmem>>, %arg12: memref<80x128xf32, #tpu.memory_space<vmem>>, %arg13: memref<10240x128xf32, #tpu.memory_space<vmem_shared>>, %arg14: memref<!tpu.dma_semaphore, #tpu.memory_space<semaphore_mem>>, %arg15: memref<!tpu.dma_semaphore, #tpu.memory_space<semaphore_mem>>, %arg16: memref<!tpu.dma_semaphore, #tpu.memory_space<semaphore_mem>>, %arg17: memref<!tpu.dma_semaphore, #tpu.memory_space<semaphore_mem>>, %arg18: memref<!tpu.dma_semaphore, #tpu.memory_space<semaphore_mem>>, %arg19: memref<!tpu.dma_semaphore, #tpu.memory_space<semaphore_mem>>, %arg20: memref<!tpu.dma_semaphore, #tpu.memory_space<semaphore_mem>>, %arg21: memref<!tpu.dma_semaphore, #tpu.memory_space<semaphore_mem>>, %arg22: memref<!tpu.dma_semaphore, #tpu.memory_space<semaphore_mem>>) attributes {dimension_semantics = [#tpu.dimension_semantics<core_parallel>, #tpu.dimension_semantics<subcore_parallel>], iteration_bounds = array<i64: 2, 16>, scalar_prefetch = 0 : i64, scratch_operands = 16 : i64, tpu.core_type = #tpu.core_type<sc_vector_subcore>, window_params = [{transform_indices = #map}, {transform_indices = #map}, {transform_indices = #map1}, {transform_indices = #map2}, {transform_indices = #map2}]} {
    %broadcast_in_dim3A = arith.constant 0.000000e+00 : f32
    %broadcast_in_dim3A_0 = vector.broadcast %broadcast_in_dim3A : f32 to vector<16xf32>
    %scan3A = arith.constant 0 : i32
    %scan3A_1 = arith.constant 0 : i32
    %scan3A_2 = arith.constant 80 : i32
    %scan3A_3 = arith.addi %scan3A_1, %scan3A_2 : i32
    %scan3A_4 = arith.constant 1 : i32
    scf.for %scan3A_106 = %scan3A_1 to %scan3A_3 step %scan3A_4  : i32 {
      %swap3A = arith.index_cast %scan3A_106 : i32 to index
      %swap3A_107 = arith.constant 0 : index
      %swap3A_108 = tpu.vector_load %arg10[%swap3A, %swap3A_107] {strides = array<i32>} : memref<80x128xf32, #tpu.memory_space<vmem>>, vector<16xf32>,
      tpu.vector_store %arg10[%swap3A, %swap3A_107], %broadcast_in_dim3A_0 {strides = array<i32>} : memref<80x128xf32, #tpu.memory_space<vmem>>, vector<16xf32>,
      %swap3A_109 = arith.index_cast %scan3A_106 : i32 to index
      %swap3A_110 = arith.constant 16 : index
      %swap3A_111 = tpu.vector_load %arg10[%swap3A_109, %swap3A_110] {strides = array<i32>} : memref<80x128xf32, #tpu.memory_space<vmem>>, vector<16xf32>,
      tpu.vector_store %arg10[%swap3A_109, %swap3A_110], %broadcast_in_dim3A_0 {strides = array<i32>} : memref<80x128xf32, #tpu.memory_space<vmem>>, vector<16xf32>,
      %swap3A_112 = arith.index_cast %scan3A_106 : i32 to index
      %swap3A_113 = arith.constant 32 : index
      %swap3A_114 = tpu.vector_load %arg10[%swap3A_112, %swap3A_113] {strides = array<i32>} : memref<80x128xf32, #tpu.memory_space<vmem>>, vector<16xf32>,
      tpu.vector_store %arg10[%swap3A_112, %swap3A_113], %broadcast_in_dim3A_0 {strides = array<i32>} : memref<80x128xf32, #tpu.memory_space<vmem>>, vector<16xf32>,
      %swap3A_115 = arith.index_cast %scan3A_106 : i32 to index
      %swap3A_116 = arith.constant 48 : index
      %swap3A_117 = tpu.vector_load %arg10[%swap3A_115, %swap3A_116] {strides = array<i32>} : memref<80x128xf32, #tpu.memory_space<vmem>>, vector<16xf32>,
      tpu.vector_store %arg10[%swap3A_115, %swap3A_116], %broadcast_in_dim3A_0 {strides = array<i32>} : memref<80x128xf32, #tpu.memory_space<vmem>>, vector<16xf32>,
      %swap3A_118 = arith.index_cast %scan3A_106 : i32 to index
      %swap3A_119 = arith.constant 64 : index
      %swap3A_120 = tpu.vector_load %arg10[%swap3A_118, %swap3A_119] {strides = array<i32>} : memref<80x128xf32, #tpu.memory_space<vmem>>, vector<16xf32>,
      tpu.vector_store %arg10[%swap3A_118, %swap3A_119], %broadcast_in_dim3A_0 {strides = array<i32>} : memref<80x128xf32, #tpu.memory_space<vmem>>, vector<16xf32>,
      %swap3A_121 = arith.index_cast %scan3A_106 : i32 to index
      %swap3A_122 = arith.constant 80 : index
      %swap3A_123 = tpu.vector_load %arg10[%swap3A_121, %swap3A_122] {strides = array<i32>} : memref<80x128xf32, #tpu.memory_space<vmem>>, vector<16xf32>,
      tpu.vector_store %arg10[%swap3A_121, %swap3A_122], %broadcast_in_dim3A_0 {strides = array<i32>} : memref<80x128xf32, #tpu.memory_space<vmem>>, vector<16xf32>,
      %swap3A_124 = arith.index_cast %scan3A_106 : i32 to index
      %swap3A_125 = arith.constant 96 : index
      %swap3A_126 = tpu.vector_load %arg10[%swap3A_124, %swap3A_125] {strides = array<i32>} : memref<80x128xf32, #tpu.memory_space<vmem>>, vector<16xf32>,
      tpu.vector_store %arg10[%swap3A_124, %swap3A_125], %broadcast_in_dim3A_0 {strides = array<i32>} : memref<80x128xf32, #tpu.memory_space<vmem>>, vector<16xf32>,
      %swap3A_127 = arith.index_cast %scan3A_106 : i32 to index
      %swap3A_128 = arith.constant 112 : index
      %swap3A_129 = tpu.vector_load %arg10[%swap3A_127, %swap3A_128] {strides = array<i32>} : memref<80x128xf32, #tpu.memory_space<vmem>>, vector<16xf32>,
      tpu.vector_store %arg10[%swap3A_127, %swap3A_128], %broadcast_in_dim3A_0 {strides = array<i32>} : memref<80x128xf32, #tpu.memory_space<vmem>>, vector<16xf32>,
    }
    %scan3A_5 = arith.constant 80 : i32
    %mul3A = arith.constant 640 : i32
    %mul3A_6 = arith.muli %arg1, %mul3A : i32
    %add3A = arith.constant 0 : i32
    %add3A_7 = arith.addi %mul3A_6, %add3A : i32
    "tpu.region"() ({
      %run_scoped3A = tpu.sem_alloc : memref<!tpu.dma_semaphore, #tpu.memory_space<semaphore_mem>>
      %dma_start3A_106 = arith.constant 0 : i32
      %dma_start3A_107 = tpu.memref_slice %arg13[%add3A_7, %dma_start3A_106] : memref<10240x128xf32, #tpu.memory_space<vmem_shared>> -> memref<80x128xf32, #tpu.memory_space<vmem_shared>>
      %dma_start3A_108 = arith.constant 0 : i32
      %dma_start3A_109 = tpu.memref_slice %arg13[%add3A_7, %dma_start3A_108] : memref<10240x128xf32, #tpu.memory_space<vmem_shared>> -> memref<80x128xf32, #tpu.memory_space<vmem_shared>>
      tpu.enqueue_dma source(%arg10 : memref<80x128xf32, #tpu.memory_space<vmem>>) target(%dma_start3A_109 : memref<80x128xf32, #tpu.memory_space<vmem_shared>>) target_semaphore(%run_scoped3A : memref<!tpu.dma_semaphore, #tpu.memory_space<semaphore_mem>>)
      %dma_wait3A_110 = arith.constant 0 : i32
      %dma_wait3A_111 = tpu.memref_slice %arg13[%add3A_7, %dma_wait3A_110] : memref<10240x128xf32, #tpu.memory_space<vmem_shared>> -> memref<80x128xf32, #tpu.memory_space<vmem_shared>>
      %dma_wait3A_112 = arith.constant 0 : i32
      %dma_wait3A_113 = tpu.memref_slice %arg13[%add3A_7, %dma_wait3A_112] : memref<10240x128xf32, #tpu.memory_space<vmem_shared>> -> memref<80x128xf32, #tpu.memory_space<vmem_shared>>
      tpu.wait_dma2 semaphore(%run_scoped3A : memref<!tpu.dma_semaphore, #tpu.memory_space<semaphore_mem>>) src(%arg10 : memref<80x128xf32, #tpu.memory_space<vmem>>) dst(%dma_wait3A_113 : memref<80x128xf32, #tpu.memory_space<vmem_shared>>)
      tpu.yield
    }) : () -> ()
    %mul3A_8 = arith.constant 640 : i32
    %mul3A_9 = arith.muli %arg1, %mul3A_8 : i32
    %add3A_10 = arith.constant 80 : i32
    %add3A_11 = arith.addi %mul3A_9, %add3A_10 : i32
    "tpu.region"() ({
      %run_scoped3A = tpu.sem_alloc : memref<!tpu.dma_semaphore, #tpu.memory_space<semaphore_mem>>
      %dma_start3A_106 = arith.constant 0 : i32
      %dma_start3A_107 = tpu.memref_slice %arg13[%add3A_11, %dma_start3A_106] : memref<10240x128xf32, #tpu.memory_space<vmem_shared>> -> memref<80x128xf32, #tpu.memory_space<vmem_shared>>
      %dma_start3A_108 = arith.constant 0 : i32
      %dma_start3A_109 = tpu.memref_slice %arg13[%add3A_11, %dma_start3A_108] : memref<10240x128xf32, #tpu.memory_space<vmem_shared>> -> memref<80x128xf32, #tpu.memory_space<vmem_shared>>
      tpu.enqueue_dma source(%arg10 : memref<80x128xf32, #tpu.memory_space<vmem>>) target(%dma_start3A_109 : memref<80x128xf32, #tpu.memory_space<vmem_shared>>) target_semaphore(%run_scoped3A : memref<!tpu.dma_semaphore, #tpu.memory_space<semaphore_mem>>)
      %dma_wait3A_110 = arith.constant 0 : i32
      %dma_wait3A_111 = tpu.memref_slice %arg13[%add3A_11, %dma_wait3A_110] : memref<10240x128xf32, #tpu.memory_space<vmem_shared>> -> memref<80x128xf32, #tpu.memory_space<vmem_shared>>
      %dma_wait3A_112 = arith.constant 0 : i32
      %dma_wait3A_113 = tpu.memref_slice %arg13[%add3A_11, %dma_wait3A_112] : memref<10240x128xf32, #tpu.memory_space<vmem_shared>> -> memref<80x128xf32, #tpu.memory_space<vmem_shared>>
      tpu.wait_dma2 semaphore(%run_scoped3A : memref<!tpu.dma_semaphore, #tpu.memory_space<semaphore_mem>>) src(%arg10 : memref<80x128xf32, #tpu.memory_space<vmem>>) dst(%dma_wait3A_113 : memref<80x128xf32, #tpu.memory_space<vmem_shared>>)
      tpu.yield
    }) : () -> ()
    %mul3A_12 = arith.constant 640 : i32
    %mul3A_13 = arith.muli %arg1, %mul3A_12 : i32
    %add3A_14 = arith.constant 160 : i32
    %add3A_15 = arith.addi %mul3A_13, %add3A_14 : i32
    "tpu.region"() ({
      %run_scoped3A = tpu.sem_alloc : memref<!tpu.dma_semaphore, #tpu.memory_space<semaphore_mem>>
      %dma_start3A_106 = arith.constant 0 : i32
      %dma_start3A_107 = tpu.memref_slice %arg13[%add3A_15, %dma_start3A_106] : memref<10240x128xf32, #tpu.memory_space<vmem_shared>> -> memref<80x128xf32, #tpu.memory_space<vmem_shared>>
      %dma_start3A_108 = arith.constant 0 : i32
      %dma_start3A_109 = tpu.memref_slice %arg13[%add3A_15, %dma_start3A_108] : memref<10240x128xf32, #tpu.memory_space<vmem_shared>> -> memref<80x128xf32, #tpu.memory_space<vmem_shared>>
      tpu.enqueue_dma source(%arg10 : memref<80x128xf32, #tpu.memory_space<vmem>>) target(%dma_start3A_109 : memref<80x128xf32, #tpu.memory_space<vmem_shared>>) target_semaphore(%run_scoped3A : memref<!tpu.dma_semaphore, #tpu.memory_space<semaphore_mem>>)
      %dma_wait3A_110 = arith.constant 0 : i32
      %dma_wait3A_111 = tpu.memref_slice %arg13[%add3A_15, %dma_wait3A_110] : memref<10240x128xf32, #tpu.memory_space<vmem_shared>> -> memref<80x128xf32, #tpu.memory_space<vmem_shared>>
      %dma_wait3A_112 = arith.constant 0 : i32
      %dma_wait3A_113 = tpu.memref_slice %arg13[%add3A_15, %dma_wait3A_112] : memref<10240x128xf32, #tpu.memory_space<vmem_shared>> -> memref<80x128xf32, #tpu.memory_space<vmem_shared>>
      tpu.wait_dma2 semaphore(%run_scoped3A : memref<!tpu.dma_semaphore, #tpu.memory_space<semaphore_mem>>) src(%arg10 : memref<80x128xf32, #tpu.memory_space<vmem>>) dst(%dma_wait3A_113 : memref<80x128xf32, #tpu.memory_space<vmem_shared>>)
      tpu.yield
    }) : () -> ()
    %mul3A_16 = arith.constant 640 : i32
    %mul3A_17 = arith.muli %arg1, %mul3A_16 : i32
    %add3A_18 = arith.constant 240 : i32
    %add3A_19 = arith.addi %mul3A_17, %add3A_18 : i32
    "tpu.region"() ({
      %run_scoped3A = tpu.sem_alloc : memref<!tpu.dma_semaphore, #tpu.memory_space<semaphore_mem>>
      %dma_start3A_106 = arith.constant 0 : i32
      %dma_start3A_107 = tpu.memref_slice %arg13[%add3A_19, %dma_start3A_106] : memref<10240x128xf32, #tpu.memory_space<vmem_shared>> -> memref<80x128xf32, #tpu.memory_space<vmem_shared>>
      %dma_start3A_108 = arith.constant 0 : i32
      %dma_start3A_109 = tpu.memref_slice %arg13[%add3A_19, %dma_start3A_108] : memref<10240x128xf32, #tpu.memory_space<vmem_shared>> -> memref<80x128xf32, #tpu.memory_space<vmem_shared>>
      tpu.enqueue_dma source(%arg10 : memref<80x128xf32, #tpu.memory_space<vmem>>) target(%dma_start3A_109 : memref<80x128xf32, #tpu.memory_space<vmem_shared>>) target_semaphore(%run_scoped3A : memref<!tpu.dma_semaphore, #tpu.memory_space<semaphore_mem>>)
      %dma_wait3A_110 = arith.constant 0 : i32
      %dma_wait3A_111 = tpu.memref_slice %arg13[%add3A_19, %dma_wait3A_110] : memref<10240x128xf32, #tpu.memory_space<vmem_shared>> -> memref<80x128xf32, #tpu.memory_space<vmem_shared>>
      %dma_wait3A_112 = arith.constant 0 : i32
      %dma_wait3A_113 = tpu.memref_slice %arg13[%add3A_19, %dma_wait3A_112] : memref<10240x128xf32, #tpu.memory_space<vmem_shared>> -> memref<80x128xf32, #tpu.memory_space<vmem_shared>>
      tpu.wait_dma2 semaphore(%run_scoped3A : memref<!tpu.dma_semaphore, #tpu.memory_space<semaphore_mem>>) src(%arg10 : memref<80x128xf32, #tpu.memory_space<vmem>>) dst(%dma_wait3A_113 : memref<80x128xf32, #tpu.memory_space<vmem_shared>>)
      tpu.yield
    }) : () -> ()
    %mul3A_20 = arith.constant 640 : i32
    %mul3A_21 = arith.muli %arg1, %mul3A_20 : i32
    %add3A_22 = arith.constant 320 : i32
    %add3A_23 = arith.addi %mul3A_21, %add3A_22 : i32
    "tpu.region"() ({
      %run_scoped3A = tpu.sem_alloc : memref<!tpu.dma_semaphore, #tpu.memory_space<semaphore_mem>>
      %dma_start3A_106 = arith.constant 0 : i32
      %dma_start3A_107 = tpu.memref_slice %arg13[%add3A_23, %dma_start3A_106] : memref<10240x128xf32, #tpu.memory_space<vmem_shared>> -> memref<80x128xf32, #tpu.memory_space<vmem_shared>>
      %dma_start3A_108 = arith.constant 0 : i32
      %dma_start3A_109 = tpu.memref_slice %arg13[%add3A_23, %dma_start3A_108] : memref<10240x128xf32, #tpu.memory_space<vmem_shared>> -> memref<80x128xf32, #tpu.memory_space<vmem_shared>>
      tpu.enqueue_dma source(%arg10 : memref<80x128xf32, #tpu.memory_space<vmem>>) target(%dma_start3A_109 : memref<80x128xf32, #tpu.memory_space<vmem_shared>>) target_semaphore(%run_scoped3A : memref<!tpu.dma_semaphore, #tpu.memory_space<semaphore_mem>>)
      %dma_wait3A_110 = arith.constant 0 : i32
      %dma_wait3A_111 = tpu.memref_slice %arg13[%add3A_23, %dma_wait3A_110] : memref<10240x128xf32, #tpu.memory_space<vmem_shared>> -> memref<80x128xf32, #tpu.memory_space<vmem_shared>>
      %dma_wait3A_112 = arith.constant 0 : i32
      %dma_wait3A_113 = tpu.memref_slice %arg13[%add3A_23, %dma_wait3A_112] : memref<10240x128xf32, #tpu.memory_space<vmem_shared>> -> memref<80x128xf32, #tpu.memory_space<vmem_shared>>
      tpu.wait_dma2 semaphore(%run_scoped3A : memref<!tpu.dma_semaphore, #tpu.memory_space<semaphore_mem>>) src(%arg10 : memref<80x128xf32, #tpu.memory_space<vmem>>) dst(%dma_wait3A_113 : memref<80x128xf32, #tpu.memory_space<vmem_shared>>)
      tpu.yield
    }) : () -> ()
    %mul3A_24 = arith.constant 640 : i32
    %mul3A_25 = arith.muli %arg1, %mul3A_24 : i32
    %add3A_26 = arith.constant 400 : i32
    %add3A_27 = arith.addi %mul3A_25, %add3A_26 : i32
    "tpu.region"() ({
      %run_scoped3A = tpu.sem_alloc : memref<!tpu.dma_semaphore, #tpu.memory_space<semaphore_mem>>
      %dma_start3A_106 = arith.constant 0 : i32
      %dma_start3A_107 = tpu.memref_slice %arg13[%add3A_27, %dma_start3A_106] : memref<10240x128xf32, #tpu.memory_space<vmem_shared>> -> memref<80x128xf32, #tpu.memory_space<vmem_shared>>
      %dma_start3A_108 = arith.constant 0 : i32
      %dma_start3A_109 = tpu.memref_slice %arg13[%add3A_27, %dma_start3A_108] : memref<10240x128xf32, #tpu.memory_space<vmem_shared>> -> memref<80x128xf32, #tpu.memory_space<vmem_shared>>
      tpu.enqueue_dma source(%arg10 : memref<80x128xf32, #tpu.memory_space<vmem>>) target(%dma_start3A_109 : memref<80x128xf32, #tpu.memory_space<vmem_shared>>) target_semaphore(%run_scoped3A : memref<!tpu.dma_semaphore, #tpu.memory_space<semaphore_mem>>)
      %dma_wait3A_110 = arith.constant 0 : i32
      %dma_wait3A_111 = tpu.memref_slice %arg13[%add3A_27, %dma_wait3A_110] : memref<10240x128xf32, #tpu.memory_space<vmem_shared>> -> memref<80x128xf32, #tpu.memory_space<vmem_shared>>
      %dma_wait3A_112 = arith.constant 0 : i32
      %dma_wait3A_113 = tpu.memref_slice %arg13[%add3A_27, %dma_wait3A_112] : memref<10240x128xf32, #tpu.memory_space<vmem_shared>> -> memref<80x128xf32, #tpu.memory_space<vmem_shared>>
      tpu.wait_dma2 semaphore(%run_scoped3A : memref<!tpu.dma_semaphore, #tpu.memory_space<semaphore_mem>>) src(%arg10 : memref<80x128xf32, #tpu.memory_space<vmem>>) dst(%dma_wait3A_113 : memref<80x128xf32, #tpu.memory_space<vmem_shared>>)
      tpu.yield
    }) : () -> ()
    %mul3A_28 = arith.constant 640 : i32
    %mul3A_29 = arith.muli %arg1, %mul3A_28 : i32
    %add3A_30 = arith.constant 480 : i32
    %add3A_31 = arith.addi %mul3A_29, %add3A_30 : i32
    "tpu.region"() ({
      %run_scoped3A = tpu.sem_alloc : memref<!tpu.dma_semaphore, #tpu.memory_space<semaphore_mem>>
      %dma_start3A_106 = arith.constant 0 : i32
      %dma_start3A_107 = tpu.memref_slice %arg13[%add3A_31, %dma_start3A_106] : memref<10240x128xf32, #tpu.memory_space<vmem_shared>> -> memref<80x128xf32, #tpu.memory_space<vmem_shared>>
      %dma_start3A_108 = arith.constant 0 : i32
      %dma_start3A_109 = tpu.memref_slice %arg13[%add3A_31, %dma_start3A_108] : memref<10240x128xf32, #tpu.memory_space<vmem_shared>> -> memref<80x128xf32, #tpu.memory_space<vmem_shared>>
      tpu.enqueue_dma source(%arg10 : memref<80x128xf32, #tpu.memory_space<vmem>>) target(%dma_start3A_109 : memref<80x128xf32, #tpu.memory_space<vmem_shared>>) target_semaphore(%run_scoped3A : memref<!tpu.dma_semaphore, #tpu.memory_space<semaphore_mem>>)
      %dma_wait3A_110 = arith.constant 0 : i32
      %dma_wait3A_111 = tpu.memref_slice %arg13[%add3A_31, %dma_wait3A_110] : memref<10240x128xf32, #tpu.memory_space<vmem_shared>> -> memref<80x128xf32, #tpu.memory_space<vmem_shared>>
      %dma_wait3A_112 = arith.constant 0 : i32
      %dma_wait3A_113 = tpu.memref_slice %arg13[%add3A_31, %dma_wait3A_112] : memref<10240x128xf32, #tpu.memory_space<vmem_shared>> -> memref<80x128xf32, #tpu.memory_space<vmem_shared>>
      tpu.wait_dma2 semaphore(%run_scoped3A : memref<!tpu.dma_semaphore, #tpu.memory_space<semaphore_mem>>) src(%arg10 : memref<80x128xf32, #tpu.memory_space<vmem>>) dst(%dma_wait3A_113 : memref<80x128xf32, #tpu.memory_space<vmem_shared>>)
      tpu.yield
    }) : () -> ()
    %mul3A_32 = arith.constant 640 : i32
    %mul3A_33 = arith.muli %arg1, %mul3A_32 : i32
    %add3A_34 = arith.constant 560 : i32
    %add3A_35 = arith.addi %mul3A_33, %add3A_34 : i32
    "tpu.region"() ({
      %run_scoped3A = tpu.sem_alloc : memref<!tpu.dma_semaphore, #tpu.memory_space<semaphore_mem>>
      %dma_start3A_106 = arith.constant 0 : i32
      %dma_start3A_107 = tpu.memref_slice %arg13[%add3A_35, %dma_start3A_106] : memref<10240x128xf32, #tpu.memory_space<vmem_shared>> -> memref<80x128xf32, #tpu.memory_space<vmem_shared>>
      %dma_start3A_108 = arith.constant 0 : i32
      %dma_start3A_109 = tpu.memref_slice %arg13[%add3A_35, %dma_start3A_108] : memref<10240x128xf32, #tpu.memory_space<vmem_shared>> -> memref<80x128xf32, #tpu.memory_space<vmem_shared>>
      tpu.enqueue_dma source(%arg10 : memref<80x128xf32, #tpu.memory_space<vmem>>) target(%dma_start3A_109 : memref<80x128xf32, #tpu.memory_space<vmem_shared>>) target_semaphore(%run_scoped3A : memref<!tpu.dma_semaphore, #tpu.memory_space<semaphore_mem>>)
      %dma_wait3A_110 = arith.constant 0 : i32
      %dma_wait3A_111 = tpu.memref_slice %arg13[%add3A_35, %dma_wait3A_110] : memref<10240x128xf32, #tpu.memory_space<vmem_shared>> -> memref<80x128xf32, #tpu.memory_space<vmem_shared>>
      %dma_wait3A_112 = arith.constant 0 : i32
      %dma_wait3A_113 = tpu.memref_slice %arg13[%add3A_35, %dma_wait3A_112] : memref<10240x128xf32, #tpu.memory_space<vmem_shared>> -> memref<80x128xf32, #tpu.memory_space<vmem_shared>>
      tpu.wait_dma2 semaphore(%run_scoped3A : memref<!tpu.dma_semaphore, #tpu.memory_space<semaphore_mem>>) src(%arg10 : memref<80x128xf32, #tpu.memory_space<vmem>>) dst(%dma_wait3A_113 : memref<80x128xf32, #tpu.memory_space<vmem_shared>>)
      tpu.yield
    }) : () -> ()
    %barrier3A = arith.constant 0 : index
    tpu.barrier barrier_id(%barrier3A)
    %broadcast_in_dim3A_36 = arith.constant 1 : i32
    %broadcast_in_dim3A_37 = vector.broadcast %broadcast_in_dim3A_36 : i32 to vector<16xi32>
    %mul3A_38 = arith.constant 10000 : i32
    %mul3A_39 = arith.muli %arg0, %mul3A_38 : i32
    %mul3A_40 = vector.broadcast %mul3A_39 : i32 to vector<16xi32>
    %mul3A_41 = arith.muli %broadcast_in_dim3A_37, %mul3A_40 : vector<16xi32>
    %broadcast_in_dim3A_42 = arith.constant 1 : i32
    %broadcast_in_dim3A_43 = vector.broadcast %broadcast_in_dim3A_42 : i32 to vector<16xi32>
    %dma_start3A = arith.constant 0 : i32
    %dma_start3A_44 = arith.constant 0 : i32
    %dma_start3A_45 = arith.constant 0 : i32
    %dma_start3A_46 = tpu.memref_slice %arg2[%arg1, %dma_start3A, %dma_start3A_44, %dma_start3A_45] : memref<16x6x50x80xi32, #tpu.memory_space<hbm>> -> memref<1x1x50x80xi32, #tpu.memory_space<hbm>>
    %dma_start3A_47 = tpu.memref_squeeze %dma_start3A_46 : memref<1x1x50x80xi32, #tpu.memory_space<hbm>> -> memref<50x80xi32, #tpu.memory_space<hbm>>
    %dma_start3A_48 = arith.constant 0 : i32
    %dma_start3A_49 = arith.constant 0 : i32
    %dma_start3A_50 = tpu.memref_slice %arg2[%arg1, %dma_start3A, %dma_start3A_48, %dma_start3A_49] : memref<16x6x50x80xi32, #tpu.memory_space<hbm>> -> memref<1x1x50x80xi32, #tpu.memory_space<hbm>>
    %dma_start3A_51 = tpu.memref_squeeze %dma_start3A_50 : memref<1x1x50x80xi32, #tpu.memory_space<hbm>> -> memref<50x80xi32, #tpu.memory_space<hbm>>
    tpu.enqueue_dma source(%dma_start3A_51 : memref<50x80xi32, #tpu.memory_space<hbm>>) target(%arg7 : memref<50x80xi32, #tpu.memory_space<vmem>>) target_semaphore(%arg20 : memref<!tpu.dma_semaphore, #tpu.memory_space<semaphore_mem>>)
    %dma_start3A_52 = arith.constant 0 : i32
    %dma_start3A_53 = arith.constant 0 : i32
    %dma_start3A_54 = arith.constant 0 : i32
    %dma_start3A_55 = tpu.memref_slice %arg3[%arg1, %dma_start3A_52, %dma_start3A_53, %dma_start3A_54] : memref<16x6x50x80xi32, #tpu.memory_space<hbm>> -> memref<1x1x50x80xi32, #tpu.memory_space<hbm>>
    %dma_start3A_56 = tpu.memref_squeeze %dma_start3A_55 : memref<1x1x50x80xi32, #tpu.memory_space<hbm>> -> memref<50x80xi32, #tpu.memory_space<hbm>>
    %dma_start3A_57 = arith.constant 0 : i32
    %dma_start3A_58 = arith.constant 0 : i32
    %dma_start3A_59 = tpu.memref_slice %arg3[%arg1, %dma_start3A_52, %dma_start3A_57, %dma_start3A_58] : memref<16x6x50x80xi32, #tpu.memory_space<hbm>> -> memref<1x1x50x80xi32, #tpu.memory_space<hbm>>
    %dma_start3A_60 = tpu.memref_squeeze %dma_start3A_59 : memref<1x1x50x80xi32, #tpu.memory_space<hbm>> -> memref<50x80xi32, #tpu.memory_space<hbm>>
    tpu.enqueue_dma source(%dma_start3A_60 : memref<50x80xi32, #tpu.memory_space<hbm>>) target(%arg8 : memref<50x80xi32, #tpu.memory_space<vmem>>) target_semaphore(%arg21 : memref<!tpu.dma_semaphore, #tpu.memory_space<semaphore_mem>>)
    %dma_start3A_61 = arith.constant 0 : i32
    %dma_start3A_62 = arith.constant 0 : i32
    %dma_start3A_63 = tpu.memref_slice %arg4[%arg1, %dma_start3A_61, %dma_start3A_62] : memref<16x6x4000xf32, #tpu.memory_space<hbm>> -> memref<1x1x4000xf32, #tpu.memory_space<hbm>>
    %dma_start3A_64 = tpu.memref_squeeze %dma_start3A_63 : memref<1x1x4000xf32, #tpu.memory_space<hbm>> -> memref<4000xf32, #tpu.memory_space<hbm>>
    %dma_start3A_65 = arith.constant 0 : i32
    %dma_start3A_66 = tpu.memref_slice %arg4[%arg1, %dma_start3A_61, %dma_start3A_65] : memref<16x6x4000xf32, #tpu.memory_space<hbm>> -> memref<1x1x4000xf32, #tpu.memory_space<hbm>>
    %dma_start3A_67 = tpu.memref_squeeze %dma_start3A_66 : memref<1x1x4000xf32, #tpu.memory_space<hbm>> -> memref<4000xf32, #tpu.memory_space<hbm>>
    tpu.enqueue_dma source(%dma_start3A_67 : memref<4000xf32, #tpu.memory_space<hbm>>) target(%arg9 : memref<4000xf32, #tpu.memory_space<vmem>>) target_semaphore(%arg22 : memref<!tpu.dma_semaphore, #tpu.memory_space<semaphore_mem>>)
    %scan3A_68 = arith.constant 0 : i32
    %scan3A_69 = arith.constant 0 : i32
    %scan3A_70 = arith.constant 5 : i32
    %scan3A_71 = arith.addi %scan3A_69, %scan3A_70 : i32
    %scan3A_72 = arith.constant 1 : i32
    scf.for %scan3A_106 = %scan3A_69 to %scan3A_71 step %scan3A_72  : i32 {
      %dma_wait3A_107 = arith.constant 0 : i32
      %dma_wait3A_108 = arith.constant 0 : i32
      %dma_wait3A_109 = arith.constant 0 : i32
      %dma_wait3A_110 = tpu.memref_slice %arg2[%arg1, %dma_wait3A_107, %dma_wait3A_108, %dma_wait3A_109] : memref<16x6x50x80xi32, #tpu.memory_space<hbm>> -> memref<1x1x50x80xi32, #tpu.memory_space<hbm>>
      %dma_wait3A_111 = tpu.memref_squeeze %dma_wait3A_110 : memref<1x1x50x80xi32, #tpu.memory_space<hbm>> -> memref<50x80xi32, #tpu.memory_space<hbm>>
      %dma_wait3A_112 = arith.constant 0 : i32
      %dma_wait3A_113 = arith.constant 0 : i32
      %dma_wait3A_114 = tpu.memref_slice %arg2[%arg1, %dma_wait3A_107, %dma_wait3A_112, %dma_wait3A_113] : memref<16x6x50x80xi32, #tpu.memory_space<hbm>> -> memref<1x1x50x80xi32, #tpu.memory_space<hbm>>
      %dma_wait3A_115 = tpu.memref_squeeze %dma_wait3A_114 : memref<1x1x50x80xi32, #tpu.memory_space<hbm>> -> memref<50x80xi32, #tpu.memory_space<hbm>>
      tpu.wait_dma2 semaphore(%arg20 : memref<!tpu.dma_semaphore, #tpu.memory_space<semaphore_mem>>) src(%dma_wait3A_115 : memref<50x80xi32, #tpu.memory_space<hbm>>) dst(%arg7 : memref<50x80xi32, #tpu.memory_space<vmem>>)
      %dma_wait3A_116 = arith.constant 0 : i32
      %dma_wait3A_117 = arith.constant 0 : i32
      %dma_wait3A_118 = arith.constant 0 : i32
      %dma_wait3A_119 = tpu.memref_slice %arg3[%arg1, %dma_wait3A_116, %dma_wait3A_117, %dma_wait3A_118] : memref<16x6x50x80xi32, #tpu.memory_space<hbm>> -> memref<1x1x50x80xi32, #tpu.memory_space<hbm>>
      %dma_wait3A_120 = tpu.memref_squeeze %dma_wait3A_119 : memref<1x1x50x80xi32, #tpu.memory_space<hbm>> -> memref<50x80xi32, #tpu.memory_space<hbm>>
      %dma_wait3A_121 = arith.constant 0 : i32
      %dma_wait3A_122 = arith.constant 0 : i32
      %dma_wait3A_123 = tpu.memref_slice %arg3[%arg1, %dma_wait3A_116, %dma_wait3A_121, %dma_wait3A_122] : memref<16x6x50x80xi32, #tpu.memory_space<hbm>> -> memref<1x1x50x80xi32, #tpu.memory_space<hbm>>
      %dma_wait3A_124 = tpu.memref_squeeze %dma_wait3A_123 : memref<1x1x50x80xi32, #tpu.memory_space<hbm>> -> memref<50x80xi32, #tpu.memory_space<hbm>>
      tpu.wait_dma2 semaphore(%arg21 : memref<!tpu.dma_semaphore, #tpu.memory_space<semaphore_mem>>) src(%dma_wait3A_124 : memref<50x80xi32, #tpu.memory_space<hbm>>) dst(%arg8 : memref<50x80xi32, #tpu.memory_space<vmem>>)
      %dma_wait3A_125 = arith.constant 0 : i32
      %dma_wait3A_126 = arith.constant 0 : i32
      %dma_wait3A_127 = tpu.memref_slice %arg4[%arg1, %dma_wait3A_125, %dma_wait3A_126] : memref<16x6x4000xf32, #tpu.memory_space<hbm>> -> memref<1x1x4000xf32, #tpu.memory_space<hbm>>
      %dma_wait3A_128 = tpu.memref_squeeze %dma_wait3A_127 : memref<1x1x4000xf32, #tpu.memory_space<hbm>> -> memref<4000xf32, #tpu.memory_space<hbm>>
      %dma_wait3A_129 = arith.constant 0 : i32
      %dma_wait3A_130 = tpu.memref_slice %arg4[%arg1, %dma_wait3A_125, %dma_wait3A_129] : memref<16x6x4000xf32, #tpu.memory_space<hbm>> -> memref<1x1x4000xf32, #tpu.memory_space<hbm>>
      %dma_wait3A_131 = tpu.memref_squeeze %dma_wait3A_130 : memref<1x1x4000xf32, #tpu.memory_space<hbm>> -> memref<4000xf32, #tpu.memory_space<hbm>>
      tpu.wait_dma2 semaphore(%arg22 : memref<!tpu.dma_semaphore, #tpu.memory_space<semaphore_mem>>) src(%dma_wait3A_131 : memref<4000xf32, #tpu.memory_space<hbm>>) dst(%arg9 : memref<4000xf32, #tpu.memory_space<vmem>>)
      %scan3A_132 = arith.constant 0 : i32
      %scan3A_133 = arith.constant 0 : i32
      %scan3A_134 = arith.constant 250 : i32
      %scan3A_135 = arith.addi %scan3A_133, %scan3A_134 : i32
      %scan3A_136 = arith.constant 2 : i32
      scf.for %scan3A_352 = %scan3A_133 to %scan3A_135 step %scan3A_136  : i32 {
        %jit3A = arith.constant 5 : i32
        %div3A = arith.divsi %scan3A_352, %jit3A : i32
        %sign3A = arith.constant 0 : i32
        %sign3A_353 = arith.cmpi sgt, %scan3A_352, %sign3A : i32
        %sign3A_354 = arith.extui %sign3A_353 : i1 to i32
        %sign3A_355 = arith.constant 0 : i32
        %sign3A_356 = arith.cmpi slt, %scan3A_352, %sign3A_355 : i32
        %sign3A_357 = arith.extui %sign3A_356 : i1 to i32
        %sign3A_358 = arith.subi %sign3A_354, %sign3A_357 : i32
        %sign3A_359 = arith.constant 0 : i32
        %sign3A_360 = arith.cmpi sgt, %jit3A, %sign3A_359 : i32
        %sign3A_361 = arith.extui %sign3A_360 : i1 to i32
        %sign3A_362 = arith.constant 0 : i32
        %sign3A_363 = arith.cmpi slt, %jit3A, %sign3A_362 : i32
        %sign3A_364 = arith.extui %sign3A_363 : i1 to i32
        %sign3A_365 = arith.subi %sign3A_361, %sign3A_364 : i32
        %ne3A = arith.cmpi ne, %sign3A_358, %sign3A_365 : i32
        %rem3A = arith.remsi %scan3A_352, %jit3A : i32
        %ne3A_366 = arith.constant 0 : i32
        %ne3A_367 = arith.cmpi ne, %rem3A, %ne3A_366 : i32
        %and3A = arith.andi %ne3A, %ne3A_367 : i1
        %sub3A = arith.constant 1 : i32
        %sub3A_368 = arith.subi %div3A, %sub3A : i32
        %select_n3A = arith.select %and3A, %sub3A_368, %div3A : i32
        %jit3A_369 = arith.constant 5 : i32
        %eq3A = arith.constant 0 : i32
        %eq3A_370 = arith.cmpi eq, %jit3A_369, %eq3A : i32
        %jit3A_371 = arith.constant 1 : i32
        %select_n3A_372 = arith.select %eq3A_370, %jit3A_371, %jit3A_369 : i32
        %rem3A_373 = arith.remsi %scan3A_352, %select_n3A_372 : i32
        %ne3A_374 = arith.constant 0 : i32
        %ne3A_375 = arith.cmpi ne, %rem3A_373, %ne3A_374 : i32
        %lt3A = arith.constant 0 : i32
        %lt3A_376 = arith.cmpi slt, %rem3A_373, %lt3A : i32
        %lt3A_377 = arith.constant 0 : i32
        %lt3A_378 = arith.cmpi slt, %select_n3A_372, %lt3A_377 : i32
        %ne3A_379 = arith.xori %lt3A_376, %lt3A_378 : i1
        %and3A_380 = arith.andi %ne3A_379, %ne3A_375 : i1
        %add3A_381 = arith.addi %rem3A_373, %select_n3A_372 : i32
        %select_n3A_382 = arith.select %and3A_380, %add3A_381, %rem3A_373 : i32
        %mul3A_383 = arith.constant 16 : i32
        %mul3A_384 = arith.muli %select_n3A_382, %mul3A_383 : i32
        %get3A = arith.index_cast %select_n3A : i32 to index
        %get3A_385 = arith.index_cast %mul3A_384 : i32 to index
        %get3A_386 = tpu.vector_load %arg7[%get3A, %get3A_385] {strides = array<i32>} : memref<50x80xi32, #tpu.memory_space<vmem>>, vector<16xi32>,
        %add3A_387 = arith.addi %get3A_386, %mul3A_41 : vector<16xi32>
        %mul3A_388 = arith.constant 16 : i32
        %mul3A_389 = arith.muli %select_n3A_382, %mul3A_388 : i32
        %swap3A = arith.index_cast %select_n3A : i32 to index
        %swap3A_390 = arith.index_cast %mul3A_389 : i32 to index
        %swap3A_391 = tpu.vector_load %arg7[%swap3A, %swap3A_390] {strides = array<i32>} : memref<50x80xi32, #tpu.memory_space<vmem>>, vector<16xi32>,
        tpu.vector_store %arg7[%swap3A, %swap3A_390], %add3A_387 {strides = array<i32>} : memref<50x80xi32, #tpu.memory_space<vmem>>, vector<16xi32>,
        %scan3A_392 = arith.constant 1 : i32
        %scan3A_393 = arith.addi %scan3A_352, %scan3A_392 : i32
        %jit3A_394 = arith.constant 5 : i32
        %div3A_395 = arith.divsi %scan3A_393, %jit3A_394 : i32
        %sign3A_396 = arith.constant 0 : i32
        %sign3A_397 = arith.cmpi sgt, %scan3A_393, %sign3A_396 : i32
        %sign3A_398 = arith.extui %sign3A_397 : i1 to i32
        %sign3A_399 = arith.constant 0 : i32
        %sign3A_400 = arith.cmpi slt, %scan3A_393, %sign3A_399 : i32
        %sign3A_401 = arith.extui %sign3A_400 : i1 to i32
        %sign3A_402 = arith.subi %sign3A_398, %sign3A_401 : i32
        %sign3A_403 = arith.constant 0 : i32
        %sign3A_404 = arith.cmpi sgt, %jit3A_394, %sign3A_403 : i32
        %sign3A_405 = arith.extui %sign3A_404 : i1 to i32
        %sign3A_406 = arith.constant 0 : i32
        %sign3A_407 = arith.cmpi slt, %jit3A_394, %sign3A_406 : i32
        %sign3A_408 = arith.extui %sign3A_407 : i1 to i32
        %sign3A_409 = arith.subi %sign3A_405, %sign3A_408 : i32
        %ne3A_410 = arith.cmpi ne, %sign3A_402, %sign3A_409 : i32
        %rem3A_411 = arith.remsi %scan3A_393, %jit3A_394 : i32
        %ne3A_412 = arith.constant 0 : i32
        %ne3A_413 = arith.cmpi ne, %rem3A_411, %ne3A_412 : i32
        %and3A_414 = arith.andi %ne3A_410, %ne3A_413 : i1
        %sub3A_415 = arith.constant 1 : i32
        %sub3A_416 = arith.subi %div3A_395, %sub3A_415 : i32
        %select_n3A_417 = arith.select %and3A_414, %sub3A_416, %div3A_395 : i32
        %jit3A_418 = arith.constant 5 : i32
        %eq3A_419 = arith.constant 0 : i32
        %eq3A_420 = arith.cmpi eq, %jit3A_418, %eq3A_419 : i32
        %jit3A_421 = arith.constant 1 : i32
        %select_n3A_422 = arith.select %eq3A_420, %jit3A_421, %jit3A_418 : i32
        %rem3A_423 = arith.remsi %scan3A_393, %select_n3A_422 : i32
        %ne3A_424 = arith.constant 0 : i32
        %ne3A_425 = arith.cmpi ne, %rem3A_423, %ne3A_424 : i32
        %lt3A_426 = arith.constant 0 : i32
        %lt3A_427 = arith.cmpi slt, %rem3A_423, %lt3A_426 : i32
        %lt3A_428 = arith.constant 0 : i32
        %lt3A_429 = arith.cmpi slt, %select_n3A_422, %lt3A_428 : i32
        %ne3A_430 = arith.xori %lt3A_427, %lt3A_429 : i1
        %and3A_431 = arith.andi %ne3A_430, %ne3A_425 : i1
        %add3A_432 = arith.addi %rem3A_423, %select_n3A_422 : i32
        %select_n3A_433 = arith.select %and3A_431, %add3A_432, %rem3A_423 : i32
        %mul3A_434 = arith.constant 16 : i32
        %mul3A_435 = arith.muli %select_n3A_433, %mul3A_434 : i32
        %get3A_436 = arith.index_cast %select_n3A_417 : i32 to index
        %get3A_437 = arith.index_cast %mul3A_435 : i32 to index
        %get3A_438 = tpu.vector_load %arg7[%get3A_436, %get3A_437] {strides = array<i32>} : memref<50x80xi32, #tpu.memory_space<vmem>>, vector<16xi32>,
        %add3A_439 = arith.addi %get3A_438, %mul3A_41 : vector<16xi32>
        %mul3A_440 = arith.constant 16 : i32
        %mul3A_441 = arith.muli %select_n3A_433, %mul3A_440 : i32
        %swap3A_442 = arith.index_cast %select_n3A_417 : i32 to index
        %swap3A_443 = arith.index_cast %mul3A_441 : i32 to index
        %swap3A_444 = tpu.vector_load %arg7[%swap3A_442, %swap3A_443] {strides = array<i32>} : memref<50x80xi32, #tpu.memory_space<vmem>>, vector<16xi32>,
        tpu.vector_store %arg7[%swap3A_442, %swap3A_443], %add3A_439 {strides = array<i32>} : memref<50x80xi32, #tpu.memory_space<vmem>>, vector<16xi32>,
      }
      %scan3A_137 = arith.constant 250 : i32
      %dma_start3A_138 = arith.constant 0 : i32
      %dma_start3A_139 = arith.constant 0 : i32
      %dma_start3A_140 = tpu.memref_slice %arg7[%dma_start3A_138, %dma_start3A_139] : memref<50x80xi32, #tpu.memory_space<vmem>> -> memref<1x80xi32, #tpu.memory_space<vmem>>
      %dma_start3A_141 = tpu.memref_squeeze %dma_start3A_140 : memref<1x80xi32, #tpu.memory_space<vmem>> -> memref<80xi32, #tpu.memory_space<vmem>>
      %dma_start3A_142 = arith.constant 0 : i32
      %dma_start3A_143 = arith.constant 0 : i32
      %dma_start3A_144 = tpu.memref_slice %arg5[%dma_start3A_142, %dma_start3A_143] : memref<20000x128xf32, #tpu.memory_space<hbm>> -> memref<20000x128xf32, #tpu.memory_space<hbm>>
      tpu.enqueue_indirect_dma source(%dma_start3A_144 : memref<20000x128xf32, #tpu.memory_space<hbm>>) target(%arg10 : memref<80x128xf32, #tpu.memory_space<vmem>>) offsets(%dma_start3A_141 : memref<80xi32, #tpu.memory_space<vmem>>) semaphore(%arg14 : memref<!tpu.dma_semaphore, #tpu.memory_space<semaphore_mem>>)
      %dma_start3A_145 = arith.constant 1 : i32
      %dma_start3A_146 = arith.constant 0 : i32
      %dma_start3A_147 = tpu.memref_slice %arg7[%dma_start3A_145, %dma_start3A_146] : memref<50x80xi32, #tpu.memory_space<vmem>> -> memref<1x80xi32, #tpu.memory_space<vmem>>
      %dma_start3A_148 = tpu.memref_squeeze %dma_start3A_147 : memref<1x80xi32, #tpu.memory_space<vmem>> -> memref<80xi32, #tpu.memory_space<vmem>>
      %dma_start3A_149 = arith.constant 0 : i32
      %dma_start3A_150 = arith.constant 0 : i32
      %dma_start3A_151 = tpu.memref_slice %arg5[%dma_start3A_149, %dma_start3A_150] : memref<20000x128xf32, #tpu.memory_space<hbm>> -> memref<20000x128xf32, #tpu.memory_space<hbm>>
      tpu.enqueue_indirect_dma source(%dma_start3A_151 : memref<20000x128xf32, #tpu.memory_space<hbm>>) target(%arg11 : memref<80x128xf32, #tpu.memory_space<vmem>>) offsets(%dma_start3A_148 : memref<80xi32, #tpu.memory_space<vmem>>) semaphore(%arg15 : memref<!tpu.dma_semaphore, #tpu.memory_space<semaphore_mem>>)
      %dma_wait3A_152 = arith.constant 0 : i32
      %dma_wait3A_153 = arith.constant 0 : i32
      %dma_wait3A_154 = tpu.memref_slice %arg7[%dma_wait3A_152, %dma_wait3A_153] : memref<50x80xi32, #tpu.memory_space<vmem>> -> memref<1x80xi32, #tpu.memory_space<vmem>>
      %dma_wait3A_155 = tpu.memref_squeeze %dma_wait3A_154 : memref<1x80xi32, #tpu.memory_space<vmem>> -> memref<80xi32, #tpu.memory_space<vmem>>
      %dma_wait3A_156 = arith.constant 0 : i32
      %dma_wait3A_157 = arith.constant 0 : i32
      %dma_wait3A_158 = tpu.memref_slice %arg5[%dma_wait3A_156, %dma_wait3A_157] : memref<20000x128xf32, #tpu.memory_space<hbm>> -> memref<20000x128xf32, #tpu.memory_space<hbm>>
      tpu.wait_indirect_dma semaphore(%arg14 : memref<!tpu.dma_semaphore, #tpu.memory_space<semaphore_mem>>) src(%dma_wait3A_158 : memref<20000x128xf32, #tpu.memory_space<hbm>>) dst(%arg10 : memref<80x128xf32, #tpu.memory_space<vmem>>)
      %broadcast_in_dim3A_159 = arith.constant 0 : i32
      %broadcast_in_dim3A_160 = vector.broadcast %broadcast_in_dim3A_159 : i32 to vector<16xi32>
      %scan3A_161 = arith.constant 0 : i32
      %scan3A_162 = arith.constant 80 : i32
      %scan3A_163 = arith.addi %scan3A_161, %scan3A_162 : i32
      %scan3A_164 = arith.constant 2 : i32
      %scan3A_165 = scf.for %scan3A_352 = %scan3A_161 to %scan3A_163 step %scan3A_164 iter_args(%scan3A_353 = %broadcast_in_dim3A_160) -> (vector<16xi32>)  : i32 {
        %gather3A = tpu.vector_load_idx %arg9[%scan3A_353] : memref<4000xf32, #tpu.memory_space<vmem>>[vector<16xi32>], vector<16xf32>,
        %get3A = arith.index_cast %scan3A_352 : i32 to index
        %get3A_354 = arith.constant 0 : index
        %get3A_355 = tpu.vector_load %arg10[%get3A, %get3A_354] {strides = array<i32>} : memref<80x128xf32, #tpu.memory_space<vmem>>, vector<16xf32>,
        %mul3A_356 = arith.mulf %get3A_355, %gather3A : vector<16xf32>
        %swap3A = arith.index_cast %scan3A_352 : i32 to index
        %swap3A_357 = arith.constant 0 : index
        %swap3A_358 = tpu.vector_load %arg10[%swap3A, %swap3A_357] {strides = array<i32>} : memref<80x128xf32, #tpu.memory_space<vmem>>, vector<16xf32>,
        tpu.vector_store %arg10[%swap3A, %swap3A_357], %mul3A_356 {strides = array<i32>} : memref<80x128xf32, #tpu.memory_space<vmem>>, vector<16xf32>,
        %get3A_359 = arith.index_cast %scan3A_352 : i32 to index
        %get3A_360 = arith.constant 16 : index
        %get3A_361 = tpu.vector_load %arg10[%get3A_359, %get3A_360] {strides = array<i32>} : memref<80x128xf32, #tpu.memory_space<vmem>>, vector<16xf32>,
        %mul3A_362 = arith.mulf %get3A_361, %gather3A : vector<16xf32>
        %swap3A_363 = arith.index_cast %scan3A_352 : i32 to index
        %swap3A_364 = arith.constant 16 : index
        %swap3A_365 = tpu.vector_load %arg10[%swap3A_363, %swap3A_364] {strides = array<i32>} : memref<80x128xf32, #tpu.memory_space<vmem>>, vector<16xf32>,
        tpu.vector_store %arg10[%swap3A_363, %swap3A_364], %mul3A_362 {strides = array<i32>} : memref<80x128xf32, #tpu.memory_space<vmem>>, vector<16xf32>,
        %get3A_366 = arith.index_cast %scan3A_352 : i32 to index
        %get3A_367 = arith.constant 32 : index
        %get3A_368 = tpu.vector_load %arg10[%get3A_366, %get3A_367] {strides = array<i32>} : memref<80x128xf32, #tpu.memory_space<vmem>>, vector<16xf32>,
        %mul3A_369 = arith.mulf %get3A_368, %gather3A : vector<16xf32>
        %swap3A_370 = arith.index_cast %scan3A_352 : i32 to index
        %swap3A_371 = arith.constant 32 : index
        %swap3A_372 = tpu.vector_load %arg10[%swap3A_370, %swap3A_371] {strides = array<i32>} : memref<80x128xf32, #tpu.memory_space<vmem>>, vector<16xf32>,
        tpu.vector_store %arg10[%swap3A_370, %swap3A_371], %mul3A_369 {strides = array<i32>} : memref<80x128xf32, #tpu.memory_space<vmem>>, vector<16xf32>,
        %get3A_373 = arith.index_cast %scan3A_352 : i32 to index
        %get3A_374 = arith.constant 48 : index
        %get3A_375 = tpu.vector_load %arg10[%get3A_373, %get3A_374] {strides = array<i32>} : memref<80x128xf32, #tpu.memory_space<vmem>>, vector<16xf32>,
        %mul3A_376 = arith.mulf %get3A_375, %gather3A : vector<16xf32>
        %swap3A_377 = arith.index_cast %scan3A_352 : i32 to index
        %swap3A_378 = arith.constant 48 : index
        %swap3A_379 = tpu.vector_load %arg10[%swap3A_377, %swap3A_378] {strides = array<i32>} : memref<80x128xf32, #tpu.memory_space<vmem>>, vector<16xf32>,
        tpu.vector_store %arg10[%swap3A_377, %swap3A_378], %mul3A_376 {strides = array<i32>} : memref<80x128xf32, #tpu.memory_space<vmem>>, vector<16xf32>,
        %get3A_380 = arith.index_cast %scan3A_352 : i32 to index
        %get3A_381 = arith.constant 64 : index
        %get3A_382 = tpu.vector_load %arg10[%get3A_380, %get3A_381] {strides = array<i32>} : memref<80x128xf32, #tpu.memory_space<vmem>>, vector<16xf32>,
        %mul3A_383 = arith.mulf %get3A_382, %gather3A : vector<16xf32>
        %swap3A_384 = arith.index_cast %scan3A_352 : i32 to index
        %swap3A_385 = arith.constant 64 : index
        %swap3A_386 = tpu.vector_load %arg10[%swap3A_384, %swap3A_385] {strides = array<i32>} : memref<80x128xf32, #tpu.memory_space<vmem>>, vector<16xf32>,
        tpu.vector_store %arg10[%swap3A_384, %swap3A_385], %mul3A_383 {strides = array<i32>} : memref<80x128xf32, #tpu.memory_space<vmem>>, vector<16xf32>,
        %get3A_387 = arith.index_cast %scan3A_352 : i32 to index
        %get3A_388 = arith.constant 80 : index
        %get3A_389 = tpu.vector_load %arg10[%get3A_387, %get3A_388] {strides = array<i32>} : memref<80x128xf32, #tpu.memory_space<vmem>>, vector<16xf32>,
        %mul3A_390 = arith.mulf %get3A_389, %gather3A : vector<16xf32>
        %swap3A_391 = arith.index_cast %scan3A_352 : i32 to index
        %swap3A_392 = arith.constant 80 : index
        %swap3A_393 = tpu.vector_load %arg10[%swap3A_391, %swap3A_392] {strides = array<i32>} : memref<80x128xf32, #tpu.memory_space<vmem>>, vector<16xf32>,
        tpu.vector_store %arg10[%swap3A_391, %swap3A_392], %mul3A_390 {strides = array<i32>} : memref<80x128xf32, #tpu.memory_space<vmem>>, vector<16xf32>,
        %get3A_394 = arith.index_cast %scan3A_352 : i32 to index
        %get3A_395 = arith.constant 96 : index
        %get3A_396 = tpu.vector_load %arg10[%get3A_394, %get3A_395] {strides = array<i32>} : memref<80x128xf32, #tpu.memory_space<vmem>>, vector<16xf32>,
        %mul3A_397 = arith.mulf %get3A_396, %gather3A : vector<16xf32>
        %swap3A_398 = arith.index_cast %scan3A_352 : i32 to index
        %swap3A_399 = arith.constant 96 : index
        %swap3A_400 = tpu.vector_load %arg10[%swap3A_398, %swap3A_399] {strides = array<i32>} : memref<80x128xf32, #tpu.memory_space<vmem>>, vector<16xf32>,
        tpu.vector_store %arg10[%swap3A_398, %swap3A_399], %mul3A_397 {strides = array<i32>} : memref<80x128xf32, #tpu.memory_space<vmem>>, vector<16xf32>,
        %get3A_401 = arith.index_cast %scan3A_352 : i32 to index
        %get3A_402 = arith.constant 112 : index
        %get3A_403 = tpu.vector_load %arg10[%get3A_401, %get3A_402] {strides = array<i32>} : memref<80x128xf32, #tpu.memory_space<vmem>>, vector<16xf32>,
        %mul3A_404 = arith.mulf %get3A_403, %gather3A : vector<16xf32>
        %swap3A_405 = arith.index_cast %scan3A_352 : i32 to index
        %swap3A_406 = arith.constant 112 : index
        %swap3A_407 = tpu.vector_load %arg10[%swap3A_405, %swap3A_406] {strides = array<i32>} : memref<80x128xf32, #tpu.memory_space<vmem>>, vector<16xf32>,
        tpu.vector_store %arg10[%swap3A_405, %swap3A_406], %mul3A_404 {strides = array<i32>} : memref<80x128xf32, #tpu.memory_space<vmem>>, vector<16xf32>,
        %add3A_408 = arith.addi %scan3A_353, %broadcast_in_dim3A_43 : vector<16xi32>
        %scan3A_409 = arith.constant 1 : i32
        %scan3A_410 = arith.addi %scan3A_352, %scan3A_409 : i32
        %gather3A_411 = tpu.vector_load_idx %arg9[%add3A_408] : memref<4000xf32, #tpu.memory_space<vmem>>[vector<16xi32>], vector<16xf32>,
        %get3A_412 = arith.index_cast %scan3A_410 : i32 to index
        %get3A_413 = arith.constant 0 : index
        %get3A_414 = tpu.vector_load %arg10[%get3A_412, %get3A_413] {strides = array<i32>} : memref<80x128xf32, #tpu.memory_space<vmem>>, vector<16xf32>,
        %mul3A_415 = arith.mulf %get3A_414, %gather3A_411 : vector<16xf32>
        %swap3A_416 = arith.index_cast %scan3A_410 : i32 to index
        %swap3A_417 = arith.constant 0 : index
        %swap3A_418 = tpu.vector_load %arg10[%swap3A_416, %swap3A_417] {strides = array<i32>} : memref<80x128xf32, #tpu.memory_space<vmem>>, vector<16xf32>,
        tpu.vector_store %arg10[%swap3A_416, %swap3A_417], %mul3A_415 {strides = array<i32>} : memref<80x128xf32, #tpu.memory_space<vmem>>, vector<16xf32>,
        %get3A_419 = arith.index_cast %scan3A_410 : i32 to index
        %get3A_420 = arith.constant 16 : index
        %get3A_421 = tpu.vector_load %arg10[%get3A_419, %get3A_420] {strides = array<i32>} : memref<80x128xf32, #tpu.memory_space<vmem>>, vector<16xf32>,
        %mul3A_422 = arith.mulf %get3A_421, %gather3A_411 : vector<16xf32>
        %swap3A_423 = arith.index_cast %scan3A_410 : i32 to index
        %swap3A_424 = arith.constant 16 : index
        %swap3A_425 = tpu.vector_load %arg10[%swap3A_423, %swap3A_424] {strides = array<i32>} : memref<80x128xf32, #tpu.memory_space<vmem>>, vector<16xf32>,
        tpu.vector_store %arg10[%swap3A_423, %swap3A_424], %mul3A_422 {strides = array<i32>} : memref<80x128xf32, #tpu.memory_space<vmem>>, vector<16xf32>,
        %get3A_426 = arith.index_cast %scan3A_410 : i32 to index
        %get3A_427 = arith.constant 32 : index
        %get3A_428 = tpu.vector_load %arg10[%get3A_426, %get3A_427] {strides = array<i32>} : memref<80x128xf32, #tpu.memory_space<vmem>>, vector<16xf32>,
        %mul3A_429 = arith.mulf %get3A_428, %gather3A_411 : vector<16xf32>
        %swap3A_430 = arith.index_cast %scan3A_410 : i32 to index
        %swap3A_431 = arith.constant 32 : index
        %swap3A_432 = tpu.vector_load %arg10[%swap3A_430, %swap3A_431] {strides = array<i32>} : memref<80x128xf32, #tpu.memory_space<vmem>>, vector<16xf32>,
        tpu.vector_store %arg10[%swap3A_430, %swap3A_431], %mul3A_429 {strides = array<i32>} : memref<80x128xf32, #tpu.memory_space<vmem>>, vector<16xf32>,
        %get3A_433 = arith.index_cast %scan3A_410 : i32 to index
        %get3A_434 = arith.constant 48 : index
        %get3A_435 = tpu.vector_load %arg10[%get3A_433, %get3A_434] {strides = array<i32>} : memref<80x128xf32, #tpu.memory_space<vmem>>, vector<16xf32>,
        %mul3A_436 = arith.mulf %get3A_435, %gather3A_411 : vector<16xf32>
        %swap3A_437 = arith.index_cast %scan3A_410 : i32 to index
        %swap3A_438 = arith.constant 48 : index
        %swap3A_439 = tpu.vector_load %arg10[%swap3A_437, %swap3A_438] {strides = array<i32>} : memref<80x128xf32, #tpu.memory_space<vmem>>, vector<16xf32>,
        tpu.vector_store %arg10[%swap3A_437, %swap3A_438], %mul3A_436 {strides = array<i32>} : memref<80x128xf32, #tpu.memory_space<vmem>>, vector<16xf32>,
        %get3A_440 = arith.index_cast %scan3A_410 : i32 to index
        %get3A_441 = arith.constant 64 : index
        %get3A_442 = tpu.vector_load %arg10[%get3A_440, %get3A_441] {strides = array<i32>} : memref<80x128xf32, #tpu.memory_space<vmem>>, vector<16xf32>,
        %mul3A_443 = arith.mulf %get3A_442, %gather3A_411 : vector<16xf32>
        %swap3A_444 = arith.index_cast %scan3A_410 : i32 to index
        %swap3A_445 = arith.constant 64 : index
        %swap3A_446 = tpu.vector_load %arg10[%swap3A_444, %swap3A_445] {strides = array<i32>} : memref<80x128xf32, #tpu.memory_space<vmem>>, vector<16xf32>,
        tpu.vector_store %arg10[%swap3A_444, %swap3A_445], %mul3A_443 {strides = array<i32>} : memref<80x128xf32, #tpu.memory_space<vmem>>, vector<16xf32>,
        %get3A_447 = arith.index_cast %scan3A_410 : i32 to index
        %get3A_448 = arith.constant 80 : index
        %get3A_449 = tpu.vector_load %arg10[%get3A_447, %get3A_448] {strides = array<i32>} : memref<80x128xf32, #tpu.memory_space<vmem>>, vector<16xf32>,
        %mul3A_450 = arith.mulf %get3A_449, %gather3A_411 : vector<16xf32>
        %swap3A_451 = arith.index_cast %scan3A_410 : i32 to index
        %swap3A_452 = arith.constant 80 : index
        %swap3A_453 = tpu.vector_load %arg10[%swap3A_451, %swap3A_452] {strides = array<i32>} : memref<80x128xf32, #tpu.memory_space<vmem>>, vector<16xf32>,
        tpu.vector_store %arg10[%swap3A_451, %swap3A_452], %mul3A_450 {strides = array<i32>} : memref<80x128xf32, #tpu.memory_space<vmem>>, vector<16xf32>,
        %get3A_454 = arith.index_cast %scan3A_410 : i32 to index
        %get3A_455 = arith.constant 96 : index
        %get3A_456 = tpu.vector_load %arg10[%get3A_454, %get3A_455] {strides = array<i32>} : memref<80x128xf32, #tpu.memory_space<vmem>>, vector<16xf32>,
        %mul3A_457 = arith.mulf %get3A_456, %gather3A_411 : vector<16xf32>
        %swap3A_458 = arith.index_cast %scan3A_410 : i32 to index
        %swap3A_459 = arith.constant 96 : index
        %swap3A_460 = tpu.vector_load %arg10[%swap3A_458, %swap3A_459] {strides = array<i32>} : memref<80x128xf32, #tpu.memory_space<vmem>>, vector<16xf32>,
        tpu.vector_store %arg10[%swap3A_458, %swap3A_459], %mul3A_457 {strides = array<i32>} : memref<80x128xf32, #tpu.memory_space<vmem>>, vector<16xf32>,
        %get3A_461 = arith.index_cast %scan3A_410 : i32 to index
        %get3A_462 = arith.constant 112 : index
        %get3A_463 = tpu.vector_load %arg10[%get3A_461, %get3A_462] {strides = array<i32>} : memref<80x128xf32, #tpu.memory_space<vmem>>, vector<16xf32>,
        %mul3A_464 = arith.mulf %get3A_463, %gather3A_411 : vector<16xf32>
        %swap3A_465 = arith.index_cast %scan3A_410 : i32 to index
        %swap3A_466 = arith.constant 112 : index
        %swap3A_467 = tpu.vector_load %arg10[%swap3A_465, %swap3A_466] {strides = array<i32>} : memref<80x128xf32, #tpu.memory_space<vmem>>, vector<16xf32>,
        tpu.vector_store %arg10[%swap3A_465, %swap3A_466], %mul3A_464 {strides = array<i32>} : memref<80x128xf32, #tpu.memory_space<vmem>>, vector<16xf32>,
        %add3A_468 = arith.addi %add3A_408, %broadcast_in_dim3A_43 : vector<16xi32>
        scf.yield %add3A_468 : vector<16xi32>
      }
      %scan3A_166 = arith.constant 80 : i32
      %dma_start3A_167 = arith.constant 0 : i32
      %dma_start3A_168 = arith.constant 0 : i32
      %dma_start3A_169 = tpu.memref_slice %arg8[%dma_start3A_167, %dma_start3A_168] : memref<50x80xi32, #tpu.memory_space<vmem>> -> memref<1x80xi32, #tpu.memory_space<vmem>>
      %dma_start3A_170 = tpu.memref_squeeze %dma_start3A_169 : memref<1x80xi32, #tpu.memory_space<vmem>> -> memref<80xi32, #tpu.memory_space<vmem>>
      %dma_start3A_171 = arith.constant 0 : i32
      %dma_start3A_172 = arith.constant 0 : i32
      %dma_start3A_173 = tpu.memref_slice %arg13[%dma_start3A_171, %dma_start3A_172] : memref<10240x128xf32, #tpu.memory_space<vmem_shared>> -> memref<10240x128xf32, #tpu.memory_space<vmem_shared>>
      tpu.enqueue_indirect_dma source(%arg10 : memref<80x128xf32, #tpu.memory_space<vmem>>) target(%dma_start3A_173 : memref<10240x128xf32, #tpu.memory_space<vmem_shared>>) offsets(%dma_start3A_170 : memref<80xi32, #tpu.memory_space<vmem>>) semaphore(%arg17 : memref<!tpu.dma_semaphore, #tpu.memory_space<semaphore_mem>>) {add = true}
      %dma_start3A_174 = arith.constant 2 : i32
      %dma_start3A_175 = arith.constant 0 : i32
      %dma_start3A_176 = tpu.memref_slice %arg7[%dma_start3A_174, %dma_start3A_175] : memref<50x80xi32, #tpu.memory_space<vmem>> -> memref<1x80xi32, #tpu.memory_space<vmem>>
      %dma_start3A_177 = tpu.memref_squeeze %dma_start3A_176 : memref<1x80xi32, #tpu.memory_space<vmem>> -> memref<80xi32, #tpu.memory_space<vmem>>
      %dma_start3A_178 = arith.constant 0 : i32
      %dma_start3A_179 = arith.constant 0 : i32
      %dma_start3A_180 = tpu.memref_slice %arg5[%dma_start3A_178, %dma_start3A_179] : memref<20000x128xf32, #tpu.memory_space<hbm>> -> memref<20000x128xf32, #tpu.memory_space<hbm>>
      tpu.enqueue_indirect_dma source(%dma_start3A_180 : memref<20000x128xf32, #tpu.memory_space<hbm>>) target(%arg12 : memref<80x128xf32, #tpu.memory_space<vmem>>) offsets(%dma_start3A_177 : memref<80xi32, #tpu.memory_space<vmem>>) semaphore(%arg16 : memref<!tpu.dma_semaphore, #tpu.memory_space<semaphore_mem>>)
      %scan3A_181 = arith.constant 0 : i32
      %scan3A_182 = arith.constant 0 : i32
      %scan3A_183 = arith.constant 15 : i32
      %scan3A_184 = arith.addi %scan3A_182, %scan3A_183 : i32
      %scan3A_185 = arith.constant 1 : i32
      scf.for %scan3A_352 = %scan3A_182 to %scan3A_184 step %scan3A_185  : i32 {
        %mul3A_353 = arith.constant 3 : i32
        %mul3A_354 = arith.muli %mul3A_353, %scan3A_352 : i32
        %add3A_355 = arith.constant 1 : i32
        %add3A_356 = arith.addi %mul3A_354, %add3A_355 : i32
        %dma_wait3A_357 = arith.constant 0 : i32
        %dma_wait3A_358 = arith.constant 0 : i32
        %dma_wait3A_359 = tpu.memref_slice %arg7[%dma_wait3A_357, %dma_wait3A_358] : memref<50x80xi32, #tpu.memory_space<vmem>> -> memref<1x80xi32, #tpu.memory_space<vmem>>
        %dma_wait3A_360 = tpu.memref_squeeze %dma_wait3A_359 : memref<1x80xi32, #tpu.memory_space<vmem>> -> memref<80xi32, #tpu.memory_space<vmem>>
        %dma_wait3A_361 = arith.constant 0 : i32
        %dma_wait3A_362 = arith.constant 0 : i32
        %dma_wait3A_363 = tpu.memref_slice %arg5[%dma_wait3A_361, %dma_wait3A_362] : memref<20000x128xf32, #tpu.memory_space<hbm>> -> memref<20000x128xf32, #tpu.memory_space<hbm>>
        tpu.wait_indirect_dma semaphore(%arg15 : memref<!tpu.dma_semaphore, #tpu.memory_space<semaphore_mem>>) src(%dma_wait3A_363 : memref<20000x128xf32, #tpu.memory_space<hbm>>) dst(%arg11 : memref<80x128xf32, #tpu.memory_space<vmem>>)
        %mul3A_364 = arith.constant 80 : i32
        %mul3A_365 = arith.muli %add3A_356, %mul3A_364 : i32
        %broadcast_in_dim3A_366 = vector.broadcast %mul3A_365 : i32 to vector<16xi32>
        %scan3A_367 = arith.constant 0 : i32
        %scan3A_368 = arith.constant 80 : i32
        %scan3A_369 = arith.addi %scan3A_367, %scan3A_368 : i32
        %scan3A_370 = arith.constant 2 : i32
        %scan3A_371 = scf.for %scan3A_476 = %scan3A_367 to %scan3A_369 step %scan3A_370 iter_args(%scan3A_477 = %broadcast_in_dim3A_366) -> (vector<16xi32>)  : i32 {
          %gather3A = tpu.vector_load_idx %arg9[%scan3A_477] : memref<4000xf32, #tpu.memory_space<vmem>>[vector<16xi32>], vector<16xf32>,
          %get3A = arith.index_cast %scan3A_476 : i32 to index
          %get3A_478 = arith.constant 0 : index
          %get3A_479 = tpu.vector_load %arg11[%get3A, %get3A_478] {strides = array<i32>} : memref<80x128xf32, #tpu.memory_space<vmem>>, vector<16xf32>,
          %mul3A_480 = arith.mulf %get3A_479, %gather3A : vector<16xf32>
          %swap3A = arith.index_cast %scan3A_476 : i32 to index
          %swap3A_481 = arith.constant 0 : index
          %swap3A_482 = tpu.vector_load %arg11[%swap3A, %swap3A_481] {strides = array<i32>} : memref<80x128xf32, #tpu.memory_space<vmem>>, vector<16xf32>,
          tpu.vector_store %arg11[%swap3A, %swap3A_481], %mul3A_480 {strides = array<i32>} : memref<80x128xf32, #tpu.memory_space<vmem>>, vector<16xf32>,
          %get3A_483 = arith.index_cast %scan3A_476 : i32 to index
          %get3A_484 = arith.constant 16 : index
          %get3A_485 = tpu.vector_load %arg11[%get3A_483, %get3A_484] {strides = array<i32>} : memref<80x128xf32, #tpu.memory_space<vmem>>, vector<16xf32>,
          %mul3A_486 = arith.mulf %get3A_485, %gather3A : vector<16xf32>
          %swap3A_487 = arith.index_cast %scan3A_476 : i32 to index
          %swap3A_488 = arith.constant 16 : index
          %swap3A_489 = tpu.vector_load %arg11[%swap3A_487, %swap3A_488] {strides = array<i32>} : memref<80x128xf32, #tpu.memory_space<vmem>>, vector<16xf32>,
          tpu.vector_store %arg11[%swap3A_487, %swap3A_488], %mul3A_486 {strides = array<i32>} : memref<80x128xf32, #tpu.memory_space<vmem>>, vector<16xf32>,
          %get3A_490 = arith.index_cast %scan3A_476 : i32 to index
          %get3A_491 = arith.constant 32 : index
          %get3A_492 = tpu.vector_load %arg11[%get3A_490, %get3A_491] {strides = array<i32>} : memref<80x128xf32, #tpu.memory_space<vmem>>, vector<16xf32>,
          %mul3A_493 = arith.mulf %get3A_492, %gather3A : vector<16xf32>
          %swap3A_494 = arith.index_cast %scan3A_476 : i32 to index
          %swap3A_495 = arith.constant 32 : index
          %swap3A_496 = tpu.vector_load %arg11[%swap3A_494, %swap3A_495] {strides = array<i32>} : memref<80x128xf32, #tpu.memory_space<vmem>>, vector<16xf32>,
          tpu.vector_store %arg11[%swap3A_494, %swap3A_495], %mul3A_493 {strides = array<i32>} : memref<80x128xf32, #tpu.memory_space<vmem>>, vector<16xf32>,
          %get3A_497 = arith.index_cast %scan3A_476 : i32 to index
          %get3A_498 = arith.constant 48 : index
          %get3A_499 = tpu.vector_load %arg11[%get3A_497, %get3A_498] {strides = array<i32>} : memref<80x128xf32, #tpu.memory_space<vmem>>, vector<16xf32>,
          %mul3A_500 = arith.mulf %get3A_499, %gather3A : vector<16xf32>
          %swap3A_501 = arith.index_cast %scan3A_476 : i32 to index
          %swap3A_502 = arith.constant 48 : index
          %swap3A_503 = tpu.vector_load %arg11[%swap3A_501, %swap3A_502] {strides = array<i32>} : memref<80x128xf32, #tpu.memory_space<vmem>>, vector<16xf32>,
          tpu.vector_store %arg11[%swap3A_501, %swap3A_502], %mul3A_500 {strides = array<i32>} : memref<80x128xf32, #tpu.memory_space<vmem>>, vector<16xf32>,
          %get3A_504 = arith.index_cast %scan3A_476 : i32 to index
          %get3A_505 = arith.constant 64 : index
          %get3A_506 = tpu.vector_load %arg11[%get3A_504, %get3A_505] {strides = array<i32>} : memref<80x128xf32, #tpu.memory_space<vmem>>, vector<16xf32>,
          %mul3A_507 = arith.mulf %get3A_506, %gather3A : vector<16xf32>
          %swap3A_508 = arith.index_cast %scan3A_476 : i32 to index
          %swap3A_509 = arith.constant 64 : index
          %swap3A_510 = tpu.vector_load %arg11[%swap3A_508, %swap3A_509] {strides = array<i32>} : memref<80x128xf32, #tpu.memory_space<vmem>>, vector<16xf32>,
          tpu.vector_store %arg11[%swap3A_508, %swap3A_509], %mul3A_507 {strides = array<i32>} : memref<80x128xf32, #tpu.memory_space<vmem>>, vector<16xf32>,
          %get3A_511 = arith.index_cast %scan3A_476 : i32 to index
          %get3A_512 = arith.constant 80 : index
          %get3A_513 = tpu.vector_load %arg11[%get3A_511, %get3A_512] {strides = array<i32>} : memref<80x128xf32, #tpu.memory_space<vmem>>, vector<16xf32>,
          %mul3A_514 = arith.mulf %get3A_513, %gather3A : vector<16xf32>
          %swap3A_515 = arith.index_cast %scan3A_476 : i32 to index
          %swap3A_516 = arith.constant 80 : index
          %swap3A_517 = tpu.vector_load %arg11[%swap3A_515, %swap3A_516] {strides = array<i32>} : memref<80x128xf32, #tpu.memory_space<vmem>>, vector<16xf32>,
          tpu.vector_store %arg11[%swap3A_515, %swap3A_516], %mul3A_514 {strides = array<i32>} : memref<80x128xf32, #tpu.memory_space<vmem>>, vector<16xf32>,
          %get3A_518 = arith.index_cast %scan3A_476 : i32 to index
          %get3A_519 = arith.constant 96 : index
          %get3A_520 = tpu.vector_load %arg11[%get3A_518, %get3A_519] {strides = array<i32>} : memref<80x128xf32, #tpu.memory_space<vmem>>, vector<16xf32>,
          %mul3A_521 = arith.mulf %get3A_520, %gather3A : vector<16xf32>
          %swap3A_522 = arith.index_cast %scan3A_476 : i32 to index
          %swap3A_523 = arith.constant 96 : index
          %swap3A_524 = tpu.vector_load %arg11[%swap3A_522, %swap3A_523] {strides = array<i32>} : memref<80x128xf32, #tpu.memory_space<vmem>>, vector<16xf32>,
          tpu.vector_store %arg11[%swap3A_522, %swap3A_523], %mul3A_521 {strides = array<i32>} : memref<80x128xf32, #tpu.memory_space<vmem>>, vector<16xf32>,
          %get3A_525 = arith.index_cast %scan3A_476 : i32 to index
          %get3A_526 = arith.constant 112 : index
          %get3A_527 = tpu.vector_load %arg11[%get3A_525, %get3A_526] {strides = array<i32>} : memref<80x128xf32, #tpu.memory_space<vmem>>, vector<16xf32>,
          %mul3A_528 = arith.mulf %get3A_527, %gather3A : vector<16xf32>
          %swap3A_529 = arith.index_cast %scan3A_476 : i32 to index
          %swap3A_530 = arith.constant 112 : index
          %swap3A_531 = tpu.vector_load %arg11[%swap3A_529, %swap3A_530] {strides = array<i32>} : memref<80x128xf32, #tpu.memory_space<vmem>>, vector<16xf32>,
          tpu.vector_store %arg11[%swap3A_529, %swap3A_530], %mul3A_528 {strides = array<i32>} : memref<80x128xf32, #tpu.memory_space<vmem>>, vector<16xf32>,
          %add3A_532 = arith.addi %scan3A_477, %broadcast_in_dim3A_43 : vector<16xi32>
          %scan3A_533 = arith.constant 1 : i32
          %scan3A_534 = arith.addi %scan3A_476, %scan3A_533 : i32
          %gather3A_535 = tpu.vector_load_idx %arg9[%add3A_532] : memref<4000xf32, #tpu.memory_space<vmem>>[vector<16xi32>], vector<16xf32>,
          %get3A_536 = arith.index_cast %scan3A_534 : i32 to index
          %get3A_537 = arith.constant 0 : index
          %get3A_538 = tpu.vector_load %arg11[%get3A_536, %get3A_537] {strides = array<i32>} : memref<80x128xf32, #tpu.memory_space<vmem>>, vector<16xf32>,
          %mul3A_539 = arith.mulf %get3A_538, %gather3A_535 : vector<16xf32>
          %swap3A_540 = arith.index_cast %scan3A_534 : i32 to index
          %swap3A_541 = arith.constant 0 : index
          %swap3A_542 = tpu.vector_load %arg11[%swap3A_540, %swap3A_541] {strides = array<i32>} : memref<80x128xf32, #tpu.memory_space<vmem>>, vector<16xf32>,
          tpu.vector_store %arg11[%swap3A_540, %swap3A_541], %mul3A_539 {strides = array<i32>} : memref<80x128xf32, #tpu.memory_space<vmem>>, vector<16xf32>,
          %get3A_543 = arith.index_cast %scan3A_534 : i32 to index
          %get3A_544 = arith.constant 16 : index
          %get3A_545 = tpu.vector_load %arg11[%get3A_543, %get3A_544] {strides = array<i32>} : memref<80x128xf32, #tpu.memory_space<vmem>>, vector<16xf32>,
          %mul3A_546 = arith.mulf %get3A_545, %gather3A_535 : vector<16xf32>
          %swap3A_547 = arith.index_cast %scan3A_534 : i32 to index
          %swap3A_548 = arith.constant 16 : index
          %swap3A_549 = tpu.vector_load %arg11[%swap3A_547, %swap3A_548] {strides = array<i32>} : memref<80x128xf32, #tpu.memory_space<vmem>>, vector<16xf32>,
          tpu.vector_store %arg11[%swap3A_547, %swap3A_548], %mul3A_546 {strides = array<i32>} : memref<80x128xf32, #tpu.memory_space<vmem>>, vector<16xf32>,
          %get3A_550 = arith.index_cast %scan3A_534 : i32 to index
          %get3A_551 = arith.constant 32 : index
          %get3A_552 = tpu.vector_load %arg11[%get3A_550, %get3A_551] {strides = array<i32>} : memref<80x128xf32, #tpu.memory_space<vmem>>, vector<16xf32>,
          %mul3A_553 = arith.mulf %get3A_552, %gather3A_535 : vector<16xf32>
          %swap3A_554 = arith.index_cast %scan3A_534 : i32 to index
          %swap3A_555 = arith.constant 32 : index
          %swap3A_556 = tpu.vector_load %arg11[%swap3A_554, %swap3A_555] {strides = array<i32>} : memref<80x128xf32, #tpu.memory_space<vmem>>, vector<16xf32>,
          tpu.vector_store %arg11[%swap3A_554, %swap3A_555], %mul3A_553 {strides = array<i32>} : memref<80x128xf32, #tpu.memory_space<vmem>>, vector<16xf32>,
          %get3A_557 = arith.index_cast %scan3A_534 : i32 to index
          %get3A_558 = arith.constant 48 : index
          %get3A_559 = tpu.vector_load %arg11[%get3A_557, %get3A_558] {strides = array<i32>} : memref<80x128xf32, #tpu.memory_space<vmem>>, vector<16xf32>,
          %mul3A_560 = arith.mulf %get3A_559, %gather3A_535 : vector<16xf32>
          %swap3A_561 = arith.index_cast %scan3A_534 : i32 to index
          %swap3A_562 = arith.constant 48 : index
          %swap3A_563 = tpu.vector_load %arg11[%swap3A_561, %swap3A_562] {strides = array<i32>} : memref<80x128xf32, #tpu.memory_space<vmem>>, vector<16xf32>,
          tpu.vector_store %arg11[%swap3A_561, %swap3A_562], %mul3A_560 {strides = array<i32>} : memref<80x128xf32, #tpu.memory_space<vmem>>, vector<16xf32>,
          %get3A_564 = arith.index_cast %scan3A_534 : i32 to index
          %get3A_565 = arith.constant 64 : index
          %get3A_566 = tpu.vector_load %arg11[%get3A_564, %get3A_565] {strides = array<i32>} : memref<80x128xf32, #tpu.memory_space<vmem>>, vector<16xf32>,
          %mul3A_567 = arith.mulf %get3A_566, %gather3A_535 : vector<16xf32>
          %swap3A_568 = arith.index_cast %scan3A_534 : i32 to index
          %swap3A_569 = arith.constant 64 : index
          %swap3A_570 = tpu.vector_load %arg11[%swap3A_568, %swap3A_569] {strides = array<i32>} : memref<80x128xf32, #tpu.memory_space<vmem>>, vector<16xf32>,
          tpu.vector_store %arg11[%swap3A_568, %swap3A_569], %mul3A_567 {strides = array<i32>} : memref<80x128xf32, #tpu.memory_space<vmem>>, vector<16xf32>,
          %get3A_571 = arith.index_cast %scan3A_534 : i32 to index
          %get3A_572 = arith.constant 80 : index
          %get3A_573 = tpu.vector_load %arg11[%get3A_571, %get3A_572] {strides = array<i32>} : memref<80x128xf32, #tpu.memory_space<vmem>>, vector<16xf32>,
          %mul3A_574 = arith.mulf %get3A_573, %gather3A_535 : vector<16xf32>
          %swap3A_575 = arith.index_cast %scan3A_534 : i32 to index
          %swap3A_576 = arith.constant 80 : index
          %swap3A_577 = tpu.vector_load %arg11[%swap3A_575, %swap3A_576] {strides = array<i32>} : memref<80x128xf32, #tpu.memory_space<vmem>>, vector<16xf32>,
          tpu.vector_store %arg11[%swap3A_575, %swap3A_576], %mul3A_574 {strides = array<i32>} : memref<80x128xf32, #tpu.memory_space<vmem>>, vector<16xf32>,
          %get3A_578 = arith.index_cast %scan3A_534 : i32 to index
          %get3A_579 = arith.constant 96 : index
          %get3A_580 = tpu.vector_load %arg11[%get3A_578, %get3A_579] {strides = array<i32>} : memref<80x128xf32, #tpu.memory_space<vmem>>, vector<16xf32>,
          %mul3A_581 = arith.mulf %get3A_580, %gather3A_535 : vector<16xf32>
          %swap3A_582 = arith.index_cast %scan3A_534 : i32 to index
          %swap3A_583 = arith.constant 96 : index
          %swap3A_584 = tpu.vector_load %arg11[%swap3A_582, %swap3A_583] {strides = array<i32>} : memref<80x128xf32, #tpu.memory_space<vmem>>, vector<16xf32>,
          tpu.vector_store %arg11[%swap3A_582, %swap3A_583], %mul3A_581 {strides = array<i32>} : memref<80x128xf32, #tpu.memory_space<vmem>>, vector<16xf32>,
          %get3A_585 = arith.index_cast %scan3A_534 : i32 to index
          %get3A_586 = arith.constant 112 : index
          %get3A_587 = tpu.vector_load %arg11[%get3A_585, %get3A_586] {strides = array<i32>} : memref<80x128xf32, #tpu.memory_space<vmem>>, vector<16xf32>,
          %mul3A_588 = arith.mulf %get3A_587, %gather3A_535 : vector<16xf32>
          %swap3A_589 = arith.index_cast %scan3A_534 : i32 to index
          %swap3A_590 = arith.constant 112 : index
          %swap3A_591 = tpu.vector_load %arg11[%swap3A_589, %swap3A_590] {strides = array<i32>} : memref<80x128xf32, #tpu.memory_space<vmem>>, vector<16xf32>,
          tpu.vector_store %arg11[%swap3A_589, %swap3A_590], %mul3A_588 {strides = array<i32>} : memref<80x128xf32, #tpu.memory_space<vmem>>, vector<16xf32>,
          %add3A_592 = arith.addi %add3A_532, %broadcast_in_dim3A_43 : vector<16xi32>
          scf.yield %add3A_592 : vector<16xi32>
        }
        %scan3A_372 = arith.constant 80 : i32
        %dma_start3A_373 = arith.constant 0 : i32
        %dma_start3A_374 = tpu.memref_slice %arg8[%add3A_356, %dma_start3A_373] : memref<50x80xi32, #tpu.memory_space<vmem>> -> memref<1x80xi32, #tpu.memory_space<vmem>>
        %dma_start3A_375 = tpu.memref_squeeze %dma_start3A_374 : memref<1x80xi32, #tpu.memory_space<vmem>> -> memref<80xi32, #tpu.memory_space<vmem>>
        %dma_start3A_376 = arith.constant 0 : i32
        %dma_start3A_377 = arith.constant 0 : i32
        %dma_start3A_378 = tpu.memref_slice %arg13[%dma_start3A_376, %dma_start3A_377] : memref<10240x128xf32, #tpu.memory_space<vmem_shared>> -> memref<10240x128xf32, #tpu.memory_space<vmem_shared>>
        tpu.enqueue_indirect_dma source(%arg11 : memref<80x128xf32, #tpu.memory_space<vmem>>) target(%dma_start3A_378 : memref<10240x128xf32, #tpu.memory_space<vmem_shared>>) offsets(%dma_start3A_375 : memref<80xi32, #tpu.memory_space<vmem>>) semaphore(%arg18 : memref<!tpu.dma_semaphore, #tpu.memory_space<semaphore_mem>>) {add = true}
        %dma_wait3A_379 = arith.constant 0 : i32
        %dma_wait3A_380 = arith.constant 0 : i32
        %dma_wait3A_381 = tpu.memref_slice %arg7[%dma_wait3A_379, %dma_wait3A_380] : memref<50x80xi32, #tpu.memory_space<vmem>> -> memref<1x80xi32, #tpu.memory_space<vmem>>
        %dma_wait3A_382 = tpu.memref_squeeze %dma_wait3A_381 : memref<1x80xi32, #tpu.memory_space<vmem>> -> memref<80xi32, #tpu.memory_space<vmem>>
        %dma_wait3A_383 = arith.constant 0 : i32
        %dma_wait3A_384 = arith.constant 0 : i32
        %dma_wait3A_385 = tpu.memref_slice %arg5[%dma_wait3A_383, %dma_wait3A_384] : memref<20000x128xf32, #tpu.memory_space<hbm>> -> memref<20000x128xf32, #tpu.memory_space<hbm>>
        tpu.wait_indirect_dma semaphore(%arg17 : memref<!tpu.dma_semaphore, #tpu.memory_space<semaphore_mem>>) src(%dma_wait3A_385 : memref<20000x128xf32, #tpu.memory_space<hbm>>) dst(%arg10 : memref<80x128xf32, #tpu.memory_space<vmem>>)
        %add3A_386 = arith.constant 2 : i32
        %add3A_387 = arith.addi %add3A_356, %add3A_386 : i32
        %dma_start3A_388 = arith.constant 0 : i32
        %dma_start3A_389 = tpu.memref_slice %arg7[%add3A_387, %dma_start3A_388] : memref<50x80xi32, #tpu.memory_space<vmem>> -> memref<1x80xi32, #tpu.memory_space<vmem>>
        %dma_start3A_390 = tpu.memref_squeeze %dma_start3A_389 : memref<1x80xi32, #tpu.memory_space<vmem>> -> memref<80xi32, #tpu.memory_space<vmem>>
        %dma_start3A_391 = arith.constant 0 : i32
        %dma_start3A_392 = arith.constant 0 : i32
        %dma_start3A_393 = tpu.memref_slice %arg5[%dma_start3A_391, %dma_start3A_392] : memref<20000x128xf32, #tpu.memory_space<hbm>> -> memref<20000x128xf32, #tpu.memory_space<hbm>>
        tpu.enqueue_indirect_dma source(%dma_start3A_393 : memref<20000x128xf32, #tpu.memory_space<hbm>>) target(%arg10 : memref<80x128xf32, #tpu.memory_space<vmem>>) offsets(%dma_start3A_390 : memref<80xi32, #tpu.memory_space<vmem>>) semaphore(%arg14 : memref<!tpu.dma_semaphore, #tpu.memory_space<semaphore_mem>>)
        %dma_wait3A_394 = arith.constant 0 : i32
        %dma_wait3A_395 = arith.constant 0 : i32
        %dma_wait3A_396 = tpu.memref_slice %arg7[%dma_wait3A_394, %dma_wait3A_395] : memref<50x80xi32, #tpu.memory_space<vmem>> -> memref<1x80xi32, #tpu.memory_space<vmem>>
        %dma_wait3A_397 = tpu.memref_squeeze %dma_wait3A_396 : memref<1x80xi32, #tpu.memory_space<vmem>> -> memref<80xi32, #tpu.memory_space<vmem>>
        %dma_wait3A_398 = arith.constant 0 : i32
        %dma_wait3A_399 = arith.constant 0 : i32
        %dma_wait3A_400 = tpu.memref_slice %arg5[%dma_wait3A_398, %dma_wait3A_399] : memref<20000x128xf32, #tpu.memory_space<hbm>> -> memref<20000x128xf32, #tpu.memory_space<hbm>>
        tpu.wait_indirect_dma semaphore(%arg16 : memref<!tpu.dma_semaphore, #tpu.memory_space<semaphore_mem>>) src(%dma_wait3A_400 : memref<20000x128xf32, #tpu.memory_space<hbm>>) dst(%arg12 : memref<80x128xf32, #tpu.memory_space<vmem>>)
        %add3A_401 = arith.constant 1 : i32
        %add3A_402 = arith.addi %add3A_356, %add3A_401 : i32
        %mul3A_403 = arith.constant 80 : i32
        %mul3A_404 = arith.muli %add3A_402, %mul3A_403 : i32
        %broadcast_in_dim3A_405 = vector.broadcast %mul3A_404 : i32 to vector<16xi32>
        %scan3A_406 = arith.constant 0 : i32
        %scan3A_407 = arith.constant 80 : i32
        %scan3A_408 = arith.addi %scan3A_406, %scan3A_407 : i32
        %scan3A_409 = arith.constant 2 : i32
        %scan3A_410 = scf.for %scan3A_476 = %scan3A_406 to %scan3A_408 step %scan3A_409 iter_args(%scan3A_477 = %broadcast_in_dim3A_405) -> (vector<16xi32>)  : i32 {
          %gather3A = tpu.vector_load_idx %arg9[%scan3A_477] : memref<4000xf32, #tpu.memory_space<vmem>>[vector<16xi32>], vector<16xf32>,
          %get3A = arith.index_cast %scan3A_476 : i32 to index
          %get3A_478 = arith.constant 0 : index
          %get3A_479 = tpu.vector_load %arg12[%get3A, %get3A_478] {strides = array<i32>} : memref<80x128xf32, #tpu.memory_space<vmem>>, vector<16xf32>,
          %mul3A_480 = arith.mulf %get3A_479, %gather3A : vector<16xf32>
          %swap3A = arith.index_cast %scan3A_476 : i32 to index
          %swap3A_481 = arith.constant 0 : index
          %swap3A_482 = tpu.vector_load %arg12[%swap3A, %swap3A_481] {strides = array<i32>} : memref<80x128xf32, #tpu.memory_space<vmem>>, vector<16xf32>,
          tpu.vector_store %arg12[%swap3A, %swap3A_481], %mul3A_480 {strides = array<i32>} : memref<80x128xf32, #tpu.memory_space<vmem>>, vector<16xf32>,
          %get3A_483 = arith.index_cast %scan3A_476 : i32 to index
          %get3A_484 = arith.constant 16 : index
          %get3A_485 = tpu.vector_load %arg12[%get3A_483, %get3A_484] {strides = array<i32>} : memref<80x128xf32, #tpu.memory_space<vmem>>, vector<16xf32>,
          %mul3A_486 = arith.mulf %get3A_485, %gather3A : vector<16xf32>
          %swap3A_487 = arith.index_cast %scan3A_476 : i32 to index
          %swap3A_488 = arith.constant 16 : index
          %swap3A_489 = tpu.vector_load %arg12[%swap3A_487, %swap3A_488] {strides = array<i32>} : memref<80x128xf32, #tpu.memory_space<vmem>>, vector<16xf32>,
          tpu.vector_store %arg12[%swap3A_487, %swap3A_488], %mul3A_486 {strides = array<i32>} : memref<80x128xf32, #tpu.memory_space<vmem>>, vector<16xf32>,
          %get3A_490 = arith.index_cast %scan3A_476 : i32 to index
          %get3A_491 = arith.constant 32 : index
          %get3A_492 = tpu.vector_load %arg12[%get3A_490, %get3A_491] {strides = array<i32>} : memref<80x128xf32, #tpu.memory_space<vmem>>, vector<16xf32>,
          %mul3A_493 = arith.mulf %get3A_492, %gather3A : vector<16xf32>
          %swap3A_494 = arith.index_cast %scan3A_476 : i32 to index
          %swap3A_495 = arith.constant 32 : index
          %swap3A_496 = tpu.vector_load %arg12[%swap3A_494, %swap3A_495] {strides = array<i32>} : memref<80x128xf32, #tpu.memory_space<vmem>>, vector<16xf32>,
          tpu.vector_store %arg12[%swap3A_494, %swap3A_495], %mul3A_493 {strides = array<i32>} : memref<80x128xf32, #tpu.memory_space<vmem>>, vector<16xf32>,
          %get3A_497 = arith.index_cast %scan3A_476 : i32 to index
          %get3A_498 = arith.constant 48 : index
          %get3A_499 = tpu.vector_load %arg12[%get3A_497, %get3A_498] {strides = array<i32>} : memref<80x128xf32, #tpu.memory_space<vmem>>, vector<16xf32>,
          %mul3A_500 = arith.mulf %get3A_499, %gather3A : vector<16xf32>
          %swap3A_501 = arith.index_cast %scan3A_476 : i32 to index
          %swap3A_502 = arith.constant 48 : index
          %swap3A_503 = tpu.vector_load %arg12[%swap3A_501, %swap3A_502] {strides = array<i32>} : memref<80x128xf32, #tpu.memory_space<vmem>>, vector<16xf32>,
          tpu.vector_store %arg12[%swap3A_501, %swap3A_502], %mul3A_500 {strides = array<i32>} : memref<80x128xf32, #tpu.memory_space<vmem>>, vector<16xf32>,
          %get3A_504 = arith.index_cast %scan3A_476 : i32 to index
          %get3A_505 = arith.constant 64 : index
          %get3A_506 = tpu.vector_load %arg12[%get3A_504, %get3A_505] {strides = array<i32>} : memref<80x128xf32, #tpu.memory_space<vmem>>, vector<16xf32>,
          %mul3A_507 = arith.mulf %get3A_506, %gather3A : vector<16xf32>
          %swap3A_508 = arith.index_cast %scan3A_476 : i32 to index
          %swap3A_509 = arith.constant 64 : index
          %swap3A_510 = tpu.vector_load %arg12[%swap3A_508, %swap3A_509] {strides = array<i32>} : memref<80x128xf32, #tpu.memory_space<vmem>>, vector<16xf32>,
          tpu.vector_store %arg12[%swap3A_508, %swap3A_509], %mul3A_507 {strides = array<i32>} : memref<80x128xf32, #tpu.memory_space<vmem>>, vector<16xf32>,
          %get3A_511 = arith.index_cast %scan3A_476 : i32 to index
          %get3A_512 = arith.constant 80 : index
          %get3A_513 = tpu.vector_load %arg12[%get3A_511, %get3A_512] {strides = array<i32>} : memref<80x128xf32, #tpu.memory_space<vmem>>, vector<16xf32>,
          %mul3A_514 = arith.mulf %get3A_513, %gather3A : vector<16xf32>
          %swap3A_515 = arith.index_cast %scan3A_476 : i32 to index
          %swap3A_516 = arith.constant 80 : index
          %swap3A_517 = tpu.vector_load %arg12[%swap3A_515, %swap3A_516] {strides = array<i32>} : memref<80x128xf32, #tpu.memory_space<vmem>>, vector<16xf32>,
          tpu.vector_store %arg12[%swap3A_515, %swap3A_516], %mul3A_514 {strides = array<i32>} : memref<80x128xf32, #tpu.memory_space<vmem>>, vector<16xf32>,
          %get3A_518 = arith.index_cast %scan3A_476 : i32 to index
          %get3A_519 = arith.constant 96 : index
          %get3A_520 = tpu.vector_load %arg12[%get3A_518, %get3A_519] {strides = array<i32>} : memref<80x128xf32, #tpu.memory_space<vmem>>, vector<16xf32>,
          %mul3A_521 = arith.mulf %get3A_520, %gather3A : vector<16xf32>
          %swap3A_522 = arith.index_cast %scan3A_476 : i32 to index
          %swap3A_523 = arith.constant 96 : index
          %swap3A_524 = tpu.vector_load %arg12[%swap3A_522, %swap3A_523] {strides = array<i32>} : memref<80x128xf32, #tpu.memory_space<vmem>>, vector<16xf32>,
          tpu.vector_store %arg12[%swap3A_522, %swap3A_523], %mul3A_521 {strides = array<i32>} : memref<80x128xf32, #tpu.memory_space<vmem>>, vector<16xf32>,
          %get3A_525 = arith.index_cast %scan3A_476 : i32 to index
          %get3A_526 = arith.constant 112 : index
          %get3A_527 = tpu.vector_load %arg12[%get3A_525, %get3A_526] {strides = array<i32>} : memref<80x128xf32, #tpu.memory_space<vmem>>, vector<16xf32>,
          %mul3A_528 = arith.mulf %get3A_527, %gather3A : vector<16xf32>
          %swap3A_529 = arith.index_cast %scan3A_476 : i32 to index
          %swap3A_530 = arith.constant 112 : index
          %swap3A_531 = tpu.vector_load %arg12[%swap3A_529, %swap3A_530] {strides = array<i32>} : memref<80x128xf32, #tpu.memory_space<vmem>>, vector<16xf32>,
          tpu.vector_store %arg12[%swap3A_529, %swap3A_530], %mul3A_528 {strides = array<i32>} : memref<80x128xf32, #tpu.memory_space<vmem>>, vector<16xf32>,
          %add3A_532 = arith.addi %scan3A_477, %broadcast_in_dim3A_43 : vector<16xi32>
          %scan3A_533 = arith.constant 1 : i32
          %scan3A_534 = arith.addi %scan3A_476, %scan3A_533 : i32
          %gather3A_535 = tpu.vector_load_idx %arg9[%add3A_532] : memref<4000xf32, #tpu.memory_space<vmem>>[vector<16xi32>], vector<16xf32>,
          %get3A_536 = arith.index_cast %scan3A_534 : i32 to index
          %get3A_537 = arith.constant 0 : index
          %get3A_538 = tpu.vector_load %arg12[%get3A_536, %get3A_537] {strides = array<i32>} : memref<80x128xf32, #tpu.memory_space<vmem>>, vector<16xf32>,
          %mul3A_539 = arith.mulf %get3A_538, %gather3A_535 : vector<16xf32>
          %swap3A_540 = arith.index_cast %scan3A_534 : i32 to index
          %swap3A_541 = arith.constant 0 : index
          %swap3A_542 = tpu.vector_load %arg12[%swap3A_540, %swap3A_541] {strides = array<i32>} : memref<80x128xf32, #tpu.memory_space<vmem>>, vector<16xf32>,
          tpu.vector_store %arg12[%swap3A_540, %swap3A_541], %mul3A_539 {strides = array<i32>} : memref<80x128xf32, #tpu.memory_space<vmem>>, vector<16xf32>,
          %get3A_543 = arith.index_cast %scan3A_534 : i32 to index
          %get3A_544 = arith.constant 16 : index
          %get3A_545 = tpu.vector_load %arg12[%get3A_543, %get3A_544] {strides = array<i32>} : memref<80x128xf32, #tpu.memory_space<vmem>>, vector<16xf32>,
          %mul3A_546 = arith.mulf %get3A_545, %gather3A_535 : vector<16xf32>
          %swap3A_547 = arith.index_cast %scan3A_534 : i32 to index
          %swap3A_548 = arith.constant 16 : index
          %swap3A_549 = tpu.vector_load %arg12[%swap3A_547, %swap3A_548] {strides = array<i32>} : memref<80x128xf32, #tpu.memory_space<vmem>>, vector<16xf32>,
          tpu.vector_store %arg12[%swap3A_547, %swap3A_548], %mul3A_546 {strides = array<i32>} : memref<80x128xf32, #tpu.memory_space<vmem>>, vector<16xf32>,
          %get3A_550 = arith.index_cast %scan3A_534 : i32 to index
          %get3A_551 = arith.constant 32 : index
          %get3A_552 = tpu.vector_load %arg12[%get3A_550, %get3A_551] {strides = array<i32>} : memref<80x128xf32, #tpu.memory_space<vmem>>, vector<16xf32>,
          %mul3A_553 = arith.mulf %get3A_552, %gather3A_535 : vector<16xf32>
          %swap3A_554 = arith.index_cast %scan3A_534 : i32 to index
          %swap3A_555 = arith.constant 32 : index
          %swap3A_556 = tpu.vector_load %arg12[%swap3A_554, %swap3A_555] {strides = array<i32>} : memref<80x128xf32, #tpu.memory_space<vmem>>, vector<16xf32>,
          tpu.vector_store %arg12[%swap3A_554, %swap3A_555], %mul3A_553 {strides = array<i32>} : memref<80x128xf32, #tpu.memory_space<vmem>>, vector<16xf32>,
          %get3A_557 = arith.index_cast %scan3A_534 : i32 to index
          %get3A_558 = arith.constant 48 : index
          %get3A_559 = tpu.vector_load %arg12[%get3A_557, %get3A_558] {strides = array<i32>} : memref<80x128xf32, #tpu.memory_space<vmem>>, vector<16xf32>,
          %mul3A_560 = arith.mulf %get3A_559, %gather3A_535 : vector<16xf32>
          %swap3A_561 = arith.index_cast %scan3A_534 : i32 to index
          %swap3A_562 = arith.constant 48 : index
          %swap3A_563 = tpu.vector_load %arg12[%swap3A_561, %swap3A_562] {strides = array<i32>} : memref<80x128xf32, #tpu.memory_space<vmem>>, vector<16xf32>,
          tpu.vector_store %arg12[%swap3A_561, %swap3A_562], %mul3A_560 {strides = array<i32>} : memref<80x128xf32, #tpu.memory_space<vmem>>, vector<16xf32>,
          %get3A_564 = arith.index_cast %scan3A_534 : i32 to index
          %get3A_565 = arith.constant 64 : index
          %get3A_566 = tpu.vector_load %arg12[%get3A_564, %get3A_565] {strides = array<i32>} : memref<80x128xf32, #tpu.memory_space<vmem>>, vector<16xf32>,
          %mul3A_567 = arith.mulf %get3A_566, %gather3A_535 : vector<16xf32>
          %swap3A_568 = arith.index_cast %scan3A_534 : i32 to index
          %swap3A_569 = arith.constant 64 : index
          %swap3A_570 = tpu.vector_load %arg12[%swap3A_568, %swap3A_569] {strides = array<i32>} : memref<80x128xf32, #tpu.memory_space<vmem>>, vector<16xf32>,
          tpu.vector_store %arg12[%swap3A_568, %swap3A_569], %mul3A_567 {strides = array<i32>} : memref<80x128xf32, #tpu.memory_space<vmem>>, vector<16xf32>,
          %get3A_571 = arith.index_cast %scan3A_534 : i32 to index
          %get3A_572 = arith.constant 80 : index
          %get3A_573 = tpu.vector_load %arg12[%get3A_571, %get3A_572] {strides = array<i32>} : memref<80x128xf32, #tpu.memory_space<vmem>>, vector<16xf32>,
          %mul3A_574 = arith.mulf %get3A_573, %gather3A_535 : vector<16xf32>
          %swap3A_575 = arith.index_cast %scan3A_534 : i32 to index
          %swap3A_576 = arith.constant 80 : index
          %swap3A_577 = tpu.vector_load %arg12[%swap3A_575, %swap3A_576] {strides = array<i32>} : memref<80x128xf32, #tpu.memory_space<vmem>>, vector<16xf32>,
          tpu.vector_store %arg12[%swap3A_575, %swap3A_576], %mul3A_574 {strides = array<i32>} : memref<80x128xf32, #tpu.memory_space<vmem>>, vector<16xf32>,
          %get3A_578 = arith.index_cast %scan3A_534 : i32 to index
          %get3A_579 = arith.constant 96 : index
          %get3A_580 = tpu.vector_load %arg12[%get3A_578, %get3A_579] {strides = array<i32>} : memref<80x128xf32, #tpu.memory_space<vmem>>, vector<16xf32>,
          %mul3A_581 = arith.mulf %get3A_580, %gather3A_535 : vector<16xf32>
          %swap3A_582 = arith.index_cast %scan3A_534 : i32 to index
          %swap3A_583 = arith.constant 96 : index
          %swap3A_584 = tpu.vector_load %arg12[%swap3A_582, %swap3A_583] {strides = array<i32>} : memref<80x128xf32, #tpu.memory_space<vmem>>, vector<16xf32>,
          tpu.vector_store %arg12[%swap3A_582, %swap3A_583], %mul3A_581 {strides = array<i32>} : memref<80x128xf32, #tpu.memory_space<vmem>>, vector<16xf32>,
          %get3A_585 = arith.index_cast %scan3A_534 : i32 to index
          %get3A_586 = arith.constant 112 : index
          %get3A_587 = tpu.vector_load %arg12[%get3A_585, %get3A_586] {strides = array<i32>} : memref<80x128xf32, #tpu.memory_space<vmem>>, vector<16xf32>,
          %mul3A_588 = arith.mulf %get3A_587, %gather3A_535 : vector<16xf32>
          %swap3A_589 = arith.index_cast %scan3A_534 : i32 to index
          %swap3A_590 = arith.constant 112 : index
          %swap3A_591 = tpu.vector_load %arg12[%swap3A_589, %swap3A_590] {strides = array<i32>} : memref<80x128xf32, #tpu.memory_space<vmem>>, vector<16xf32>,
          tpu.vector_store %arg12[%swap3A_589, %swap3A_590], %mul3A_588 {strides = array<i32>} : memref<80x128xf32, #tpu.memory_space<vmem>>, vector<16xf32>,
          %add3A_592 = arith.addi %add3A_532, %broadcast_in_dim3A_43 : vector<16xi32>
          scf.yield %add3A_592 : vector<16xi32>
        }
        %scan3A_411 = arith.constant 80 : i32
        %add3A_412 = arith.constant 1 : i32
        %add3A_413 = arith.addi %add3A_356, %add3A_412 : i32
        %dma_start3A_414 = arith.constant 0 : i32
        %dma_start3A_415 = tpu.memref_slice %arg8[%add3A_413, %dma_start3A_414] : memref<50x80xi32, #tpu.memory_space<vmem>> -> memref<1x80xi32, #tpu.memory_space<vmem>>
        %dma_start3A_416 = tpu.memref_squeeze %dma_start3A_415 : memref<1x80xi32, #tpu.memory_space<vmem>> -> memref<80xi32, #tpu.memory_space<vmem>>
        %dma_start3A_417 = arith.constant 0 : i32
        %dma_start3A_418 = arith.constant 0 : i32
        %dma_start3A_419 = tpu.memref_slice %arg13[%dma_start3A_417, %dma_start3A_418] : memref<10240x128xf32, #tpu.memory_space<vmem_shared>> -> memref<10240x128xf32, #tpu.memory_space<vmem_shared>>
        tpu.enqueue_indirect_dma source(%arg12 : memref<80x128xf32, #tpu.memory_space<vmem>>) target(%dma_start3A_419 : memref<10240x128xf32, #tpu.memory_space<vmem_shared>>) offsets(%dma_start3A_416 : memref<80xi32, #tpu.memory_space<vmem>>) semaphore(%arg19 : memref<!tpu.dma_semaphore, #tpu.memory_space<semaphore_mem>>) {add = true}
        %dma_wait3A_420 = arith.constant 0 : i32
        %dma_wait3A_421 = arith.constant 0 : i32
        %dma_wait3A_422 = tpu.memref_slice %arg7[%dma_wait3A_420, %dma_wait3A_421] : memref<50x80xi32, #tpu.memory_space<vmem>> -> memref<1x80xi32, #tpu.memory_space<vmem>>
        %dma_wait3A_423 = tpu.memref_squeeze %dma_wait3A_422 : memref<1x80xi32, #tpu.memory_space<vmem>> -> memref<80xi32, #tpu.memory_space<vmem>>
        %dma_wait3A_424 = arith.constant 0 : i32
        %dma_wait3A_425 = arith.constant 0 : i32
        %dma_wait3A_426 = tpu.memref_slice %arg5[%dma_wait3A_424, %dma_wait3A_425] : memref<20000x128xf32, #tpu.memory_space<hbm>> -> memref<20000x128xf32, #tpu.memory_space<hbm>>
        tpu.wait_indirect_dma semaphore(%arg18 : memref<!tpu.dma_semaphore, #tpu.memory_space<semaphore_mem>>) src(%dma_wait3A_426 : memref<20000x128xf32, #tpu.memory_space<hbm>>) dst(%arg11 : memref<80x128xf32, #tpu.memory_space<vmem>>)
        %add3A_427 = arith.constant 3 : i32
        %add3A_428 = arith.addi %add3A_356, %add3A_427 : i32
        %dma_start3A_429 = arith.constant 0 : i32
        %dma_start3A_430 = tpu.memref_slice %arg7[%add3A_428, %dma_start3A_429] : memref<50x80xi32, #tpu.memory_space<vmem>> -> memref<1x80xi32, #tpu.memory_space<vmem>>
        %dma_start3A_431 = tpu.memref_squeeze %dma_start3A_430 : memref<1x80xi32, #tpu.memory_space<vmem>> -> memref<80xi32, #tpu.memory_space<vmem>>
        %dma_start3A_432 = arith.constant 0 : i32
        %dma_start3A_433 = arith.constant 0 : i32
        %dma_start3A_434 = tpu.memref_slice %arg5[%dma_start3A_432, %dma_start3A_433] : memref<20000x128xf32, #tpu.memory_space<hbm>> -> memref<20000x128xf32, #tpu.memory_space<hbm>>
        tpu.enqueue_indirect_dma source(%dma_start3A_434 : memref<20000x128xf32, #tpu.memory_space<hbm>>) target(%arg11 : memref<80x128xf32, #tpu.memory_space<vmem>>) offsets(%dma_start3A_431 : memref<80xi32, #tpu.memory_space<vmem>>) semaphore(%arg15 : memref<!tpu.dma_semaphore, #tpu.memory_space<semaphore_mem>>)
        %dma_wait3A_435 = arith.constant 0 : i32
        %dma_wait3A_436 = arith.constant 0 : i32
        %dma_wait3A_437 = tpu.memref_slice %arg7[%dma_wait3A_435, %dma_wait3A_436] : memref<50x80xi32, #tpu.memory_space<vmem>> -> memref<1x80xi32, #tpu.memory_space<vmem>>
        %dma_wait3A_438 = tpu.memref_squeeze %dma_wait3A_437 : memref<1x80xi32, #tpu.memory_space<vmem>> -> memref<80xi32, #tpu.memory_space<vmem>>
        %dma_wait3A_439 = arith.constant 0 : i32
        %dma_wait3A_440 = arith.constant 0 : i32
        %dma_wait3A_441 = tpu.memref_slice %arg5[%dma_wait3A_439, %dma_wait3A_440] : memref<20000x128xf32, #tpu.memory_space<hbm>> -> memref<20000x128xf32, #tpu.memory_space<hbm>>
        tpu.wait_indirect_dma semaphore(%arg14 : memref<!tpu.dma_semaphore, #tpu.memory_space<semaphore_mem>>) src(%dma_wait3A_441 : memref<20000x128xf32, #tpu.memory_space<hbm>>) dst(%arg10 : memref<80x128xf32, #tpu.memory_space<vmem>>)
        %add3A_442 = arith.constant 2 : i32
        %add3A_443 = arith.addi %add3A_356, %add3A_442 : i32
        %mul3A_444 = arith.constant 80 : i32
        %mul3A_445 = arith.muli %add3A_443, %mul3A_444 : i32
        %broadcast_in_dim3A_446 = vector.broadcast %mul3A_445 : i32 to vector<16xi32>
        %scan3A_447 = arith.constant 0 : i32
        %scan3A_448 = arith.constant 80 : i32
        %scan3A_449 = arith.addi %scan3A_447, %scan3A_448 : i32
        %scan3A_450 = arith.constant 2 : i32
        %scan3A_451 = scf.for %scan3A_476 = %scan3A_447 to %scan3A_449 step %scan3A_450 iter_args(%scan3A_477 = %broadcast_in_dim3A_446) -> (vector<16xi32>)  : i32 {
          %gather3A = tpu.vector_load_idx %arg9[%scan3A_477] : memref<4000xf32, #tpu.memory_space<vmem>>[vector<16xi32>], vector<16xf32>,
          %get3A = arith.index_cast %scan3A_476 : i32 to index
          %get3A_478 = arith.constant 0 : index
          %get3A_479 = tpu.vector_load %arg10[%get3A, %get3A_478] {strides = array<i32>} : memref<80x128xf32, #tpu.memory_space<vmem>>, vector<16xf32>,
          %mul3A_480 = arith.mulf %get3A_479, %gather3A : vector<16xf32>
          %swap3A = arith.index_cast %scan3A_476 : i32 to index
          %swap3A_481 = arith.constant 0 : index
          %swap3A_482 = tpu.vector_load %arg10[%swap3A, %swap3A_481] {strides = array<i32>} : memref<80x128xf32, #tpu.memory_space<vmem>>, vector<16xf32>,
          tpu.vector_store %arg10[%swap3A, %swap3A_481], %mul3A_480 {strides = array<i32>} : memref<80x128xf32, #tpu.memory_space<vmem>>, vector<16xf32>,
          %get3A_483 = arith.index_cast %scan3A_476 : i32 to index
          %get3A_484 = arith.constant 16 : index
          %get3A_485 = tpu.vector_load %arg10[%get3A_483, %get3A_484] {strides = array<i32>} : memref<80x128xf32, #tpu.memory_space<vmem>>, vector<16xf32>,
          %mul3A_486 = arith.mulf %get3A_485, %gather3A : vector<16xf32>
          %swap3A_487 = arith.index_cast %scan3A_476 : i32 to index
          %swap3A_488 = arith.constant 16 : index
          %swap3A_489 = tpu.vector_load %arg10[%swap3A_487, %swap3A_488] {strides = array<i32>} : memref<80x128xf32, #tpu.memory_space<vmem>>, vector<16xf32>,
          tpu.vector_store %arg10[%swap3A_487, %swap3A_488], %mul3A_486 {strides = array<i32>} : memref<80x128xf32, #tpu.memory_space<vmem>>, vector<16xf32>,
          %get3A_490 = arith.index_cast %scan3A_476 : i32 to index
          %get3A_491 = arith.constant 32 : index
          %get3A_492 = tpu.vector_load %arg10[%get3A_490, %get3A_491] {strides = array<i32>} : memref<80x128xf32, #tpu.memory_space<vmem>>, vector<16xf32>,
          %mul3A_493 = arith.mulf %get3A_492, %gather3A : vector<16xf32>
          %swap3A_494 = arith.index_cast %scan3A_476 : i32 to index
          %swap3A_495 = arith.constant 32 : index
          %swap3A_496 = tpu.vector_load %arg10[%swap3A_494, %swap3A_495] {strides = array<i32>} : memref<80x128xf32, #tpu.memory_space<vmem>>, vector<16xf32>,
          tpu.vector_store %arg10[%swap3A_494, %swap3A_495], %mul3A_493 {strides = array<i32>} : memref<80x128xf32, #tpu.memory_space<vmem>>, vector<16xf32>,
          %get3A_497 = arith.index_cast %scan3A_476 : i32 to index
          %get3A_498 = arith.constant 48 : index
          %get3A_499 = tpu.vector_load %arg10[%get3A_497, %get3A_498] {strides = array<i32>} : memref<80x128xf32, #tpu.memory_space<vmem>>, vector<16xf32>,
          %mul3A_500 = arith.mulf %get3A_499, %gather3A : vector<16xf32>
          %swap3A_501 = arith.index_cast %scan3A_476 : i32 to index
          %swap3A_502 = arith.constant 48 : index
          %swap3A_503 = tpu.vector_load %arg10[%swap3A_501, %swap3A_502] {strides = array<i32>} : memref<80x128xf32, #tpu.memory_space<vmem>>, vector<16xf32>,
          tpu.vector_store %arg10[%swap3A_501, %swap3A_502], %mul3A_500 {strides = array<i32>} : memref<80x128xf32, #tpu.memory_space<vmem>>, vector<16xf32>,
          %get3A_504 = arith.index_cast %scan3A_476 : i32 to index
          %get3A_505 = arith.constant 64 : index
          %get3A_506 = tpu.vector_load %arg10[%get3A_504, %get3A_505] {strides = array<i32>} : memref<80x128xf32, #tpu.memory_space<vmem>>, vector<16xf32>,
          %mul3A_507 = arith.mulf %get3A_506, %gather3A : vector<16xf32>
          %swap3A_508 = arith.index_cast %scan3A_476 : i32 to index
          %swap3A_509 = arith.constant 64 : index
          %swap3A_510 = tpu.vector_load %arg10[%swap3A_508, %swap3A_509] {strides = array<i32>} : memref<80x128xf32, #tpu.memory_space<vmem>>, vector<16xf32>,
          tpu.vector_store %arg10[%swap3A_508, %swap3A_509], %mul3A_507 {strides = array<i32>} : memref<80x128xf32, #tpu.memory_space<vmem>>, vector<16xf32>,
          %get3A_511 = arith.index_cast %scan3A_476 : i32 to index
          %get3A_512 = arith.constant 80 : index
          %get3A_513 = tpu.vector_load %arg10[%get3A_511, %get3A_512] {strides = array<i32>} : memref<80x128xf32, #tpu.memory_space<vmem>>, vector<16xf32>,
          %mul3A_514 = arith.mulf %get3A_513, %gather3A : vector<16xf32>
          %swap3A_515 = arith.index_cast %scan3A_476 : i32 to index
          %swap3A_516 = arith.constant 80 : index
          %swap3A_517 = tpu.vector_load %arg10[%swap3A_515, %swap3A_516] {strides = array<i32>} : memref<80x128xf32, #tpu.memory_space<vmem>>, vector<16xf32>,
          tpu.vector_store %arg10[%swap3A_515, %swap3A_516], %mul3A_514 {strides = array<i32>} : memref<80x128xf32, #tpu.memory_space<vmem>>, vector<16xf32>,
          %get3A_518 = arith.index_cast %scan3A_476 : i32 to index
          %get3A_519 = arith.constant 96 : index
          %get3A_520 = tpu.vector_load %arg10[%get3A_518, %get3A_519] {strides = array<i32>} : memref<80x128xf32, #tpu.memory_space<vmem>>, vector<16xf32>,
          %mul3A_521 = arith.mulf %get3A_520, %gather3A : vector<16xf32>
          %swap3A_522 = arith.index_cast %scan3A_476 : i32 to index
          %swap3A_523 = arith.constant 96 : index
          %swap3A_524 = tpu.vector_load %arg10[%swap3A_522, %swap3A_523] {strides = array<i32>} : memref<80x128xf32, #tpu.memory_space<vmem>>, vector<16xf32>,
          tpu.vector_store %arg10[%swap3A_522, %swap3A_523], %mul3A_521 {strides = array<i32>} : memref<80x128xf32, #tpu.memory_space<vmem>>, vector<16xf32>,
          %get3A_525 = arith.index_cast %scan3A_476 : i32 to index
          %get3A_526 = arith.constant 112 : index
          %get3A_527 = tpu.vector_load %arg10[%get3A_525, %get3A_526] {strides = array<i32>} : memref<80x128xf32, #tpu.memory_space<vmem>>, vector<16xf32>,
          %mul3A_528 = arith.mulf %get3A_527, %gather3A : vector<16xf32>
          %swap3A_529 = arith.index_cast %scan3A_476 : i32 to index
          %swap3A_530 = arith.constant 112 : index
          %swap3A_531 = tpu.vector_load %arg10[%swap3A_529, %swap3A_530] {strides = array<i32>} : memref<80x128xf32, #tpu.memory_space<vmem>>, vector<16xf32>,
          tpu.vector_store %arg10[%swap3A_529, %swap3A_530], %mul3A_528 {strides = array<i32>} : memref<80x128xf32, #tpu.memory_space<vmem>>, vector<16xf32>,
          %add3A_532 = arith.addi %scan3A_477, %broadcast_in_dim3A_43 : vector<16xi32>
          %scan3A_533 = arith.constant 1 : i32
          %scan3A_534 = arith.addi %scan3A_476, %scan3A_533 : i32
          %gather3A_535 = tpu.vector_load_idx %arg9[%add3A_532] : memref<4000xf32, #tpu.memory_space<vmem>>[vector<16xi32>], vector<16xf32>,
          %get3A_536 = arith.index_cast %scan3A_534 : i32 to index
          %get3A_537 = arith.constant 0 : index
          %get3A_538 = tpu.vector_load %arg10[%get3A_536, %get3A_537] {strides = array<i32>} : memref<80x128xf32, #tpu.memory_space<vmem>>, vector<16xf32>,
          %mul3A_539 = arith.mulf %get3A_538, %gather3A_535 : vector<16xf32>
          %swap3A_540 = arith.index_cast %scan3A_534 : i32 to index
          %swap3A_541 = arith.constant 0 : index
          %swap3A_542 = tpu.vector_load %arg10[%swap3A_540, %swap3A_541] {strides = array<i32>} : memref<80x128xf32, #tpu.memory_space<vmem>>, vector<16xf32>,
          tpu.vector_store %arg10[%swap3A_540, %swap3A_541], %mul3A_539 {strides = array<i32>} : memref<80x128xf32, #tpu.memory_space<vmem>>, vector<16xf32>,
          %get3A_543 = arith.index_cast %scan3A_534 : i32 to index
          %get3A_544 = arith.constant 16 : index
          %get3A_545 = tpu.vector_load %arg10[%get3A_543, %get3A_544] {strides = array<i32>} : memref<80x128xf32, #tpu.memory_space<vmem>>, vector<16xf32>,
          %mul3A_546 = arith.mulf %get3A_545, %gather3A_535 : vector<16xf32>
          %swap3A_547 = arith.index_cast %scan3A_534 : i32 to index
          %swap3A_548 = arith.constant 16 : index
          %swap3A_549 = tpu.vector_load %arg10[%swap3A_547, %swap3A_548] {strides = array<i32>} : memref<80x128xf32, #tpu.memory_space<vmem>>, vector<16xf32>,
          tpu.vector_store %arg10[%swap3A_547, %swap3A_548], %mul3A_546 {strides = array<i32>} : memref<80x128xf32, #tpu.memory_space<vmem>>, vector<16xf32>,
          %get3A_550 = arith.index_cast %scan3A_534 : i32 to index
          %get3A_551 = arith.constant 32 : index
          %get3A_552 = tpu.vector_load %arg10[%get3A_550, %get3A_551] {strides = array<i32>} : memref<80x128xf32, #tpu.memory_space<vmem>>, vector<16xf32>,
          %mul3A_553 = arith.mulf %get3A_552, %gather3A_535 : vector<16xf32>
          %swap3A_554 = arith.index_cast %scan3A_534 : i32 to index
          %swap3A_555 = arith.constant 32 : index
          %swap3A_556 = tpu.vector_load %arg10[%swap3A_554, %swap3A_555] {strides = array<i32>} : memref<80x128xf32, #tpu.memory_space<vmem>>, vector<16xf32>,
          tpu.vector_store %arg10[%swap3A_554, %swap3A_555], %mul3A_553 {strides = array<i32>} : memref<80x128xf32, #tpu.memory_space<vmem>>, vector<16xf32>,
          %get3A_557 = arith.index_cast %scan3A_534 : i32 to index
          %get3A_558 = arith.constant 48 : index
          %get3A_559 = tpu.vector_load %arg10[%get3A_557, %get3A_558] {strides = array<i32>} : memref<80x128xf32, #tpu.memory_space<vmem>>, vector<16xf32>,
          %mul3A_560 = arith.mulf %get3A_559, %gather3A_535 : vector<16xf32>
          %swap3A_561 = arith.index_cast %scan3A_534 : i32 to index
          %swap3A_562 = arith.constant 48 : index
          %swap3A_563 = tpu.vector_load %arg10[%swap3A_561, %swap3A_562] {strides = array<i32>} : memref<80x128xf32, #tpu.memory_space<vmem>>, vector<16xf32>,
          tpu.vector_store %arg10[%swap3A_561, %swap3A_562], %mul3A_560 {strides = array<i32>} : memref<80x128xf32, #tpu.memory_space<vmem>>, vector<16xf32>,
          %get3A_564 = arith.index_cast %scan3A_534 : i32 to index
          %get3A_565 = arith.constant 64 : index
          %get3A_566 = tpu.vector_load %arg10[%get3A_564, %get3A_565] {strides = array<i32>} : memref<80x128xf32, #tpu.memory_space<vmem>>, vector<16xf32>,
          %mul3A_567 = arith.mulf %get3A_566, %gather3A_535 : vector<16xf32>
          %swap3A_568 = arith.index_cast %scan3A_534 : i32 to index
          %swap3A_569 = arith.constant 64 : index
          %swap3A_570 = tpu.vector_load %arg10[%swap3A_568, %swap3A_569] {strides = array<i32>} : memref<80x128xf32, #tpu.memory_space<vmem>>, vector<16xf32>,
          tpu.vector_store %arg10[%swap3A_568, %swap3A_569], %mul3A_567 {strides = array<i32>} : memref<80x128xf32, #tpu.memory_space<vmem>>, vector<16xf32>,
          %get3A_571 = arith.index_cast %scan3A_534 : i32 to index
          %get3A_572 = arith.constant 80 : index
          %get3A_573 = tpu.vector_load %arg10[%get3A_571, %get3A_572] {strides = array<i32>} : memref<80x128xf32, #tpu.memory_space<vmem>>, vector<16xf32>,
          %mul3A_574 = arith.mulf %get3A_573, %gather3A_535 : vector<16xf32>
          %swap3A_575 = arith.index_cast %scan3A_534 : i32 to index
          %swap3A_576 = arith.constant 80 : index
          %swap3A_577 = tpu.vector_load %arg10[%swap3A_575, %swap3A_576] {strides = array<i32>} : memref<80x128xf32, #tpu.memory_space<vmem>>, vector<16xf32>,
          tpu.vector_store %arg10[%swap3A_575, %swap3A_576], %mul3A_574 {strides = array<i32>} : memref<80x128xf32, #tpu.memory_space<vmem>>, vector<16xf32>,
          %get3A_578 = arith.index_cast %scan3A_534 : i32 to index
          %get3A_579 = arith.constant 96 : index
          %get3A_580 = tpu.vector_load %arg10[%get3A_578, %get3A_579] {strides = array<i32>} : memref<80x128xf32, #tpu.memory_space<vmem>>, vector<16xf32>,
          %mul3A_581 = arith.mulf %get3A_580, %gather3A_535 : vector<16xf32>
          %swap3A_582 = arith.index_cast %scan3A_534 : i32 to index
          %swap3A_583 = arith.constant 96 : index
          %swap3A_584 = tpu.vector_load %arg10[%swap3A_582, %swap3A_583] {strides = array<i32>} : memref<80x128xf32, #tpu.memory_space<vmem>>, vector<16xf32>,
          tpu.vector_store %arg10[%swap3A_582, %swap3A_583], %mul3A_581 {strides = array<i32>} : memref<80x128xf32, #tpu.memory_space<vmem>>, vector<16xf32>,
          %get3A_585 = arith.index_cast %scan3A_534 : i32 to index
          %get3A_586 = arith.constant 112 : index
          %get3A_587 = tpu.vector_load %arg10[%get3A_585, %get3A_586] {strides = array<i32>} : memref<80x128xf32, #tpu.memory_space<vmem>>, vector<16xf32>,
          %mul3A_588 = arith.mulf %get3A_587, %gather3A_535 : vector<16xf32>
          %swap3A_589 = arith.index_cast %scan3A_534 : i32 to index
          %swap3A_590 = arith.constant 112 : index
          %swap3A_591 = tpu.vector_load %arg10[%swap3A_589, %swap3A_590] {strides = array<i32>} : memref<80x128xf32, #tpu.memory_space<vmem>>, vector<16xf32>,
          tpu.vector_store %arg10[%swap3A_589, %swap3A_590], %mul3A_588 {strides = array<i32>} : memref<80x128xf32, #tpu.memory_space<vmem>>, vector<16xf32>,
          %add3A_592 = arith.addi %add3A_532, %broadcast_in_dim3A_43 : vector<16xi32>
          scf.yield %add3A_592 : vector<16xi32>
        }
        %scan3A_452 = arith.constant 80 : i32
        %add3A_453 = arith.constant 2 : i32
        %add3A_454 = arith.addi %add3A_356, %add3A_453 : i32
        %dma_start3A_455 = arith.constant 0 : i32
        %dma_start3A_456 = tpu.memref_slice %arg8[%add3A_454, %dma_start3A_455] : memref<50x80xi32, #tpu.memory_space<vmem>> -> memref<1x80xi32, #tpu.memory_space<vmem>>
        %dma_start3A_457 = tpu.memref_squeeze %dma_start3A_456 : memref<1x80xi32, #tpu.memory_space<vmem>> -> memref<80xi32, #tpu.memory_space<vmem>>
        %dma_start3A_458 = arith.constant 0 : i32
        %dma_start3A_459 = arith.constant 0 : i32
        %dma_start3A_460 = tpu.memref_slice %arg13[%dma_start3A_458, %dma_start3A_459] : memref<10240x128xf32, #tpu.memory_space<vmem_shared>> -> memref<10240x128xf32, #tpu.memory_space<vmem_shared>>
        tpu.enqueue_indirect_dma source(%arg10 : memref<80x128xf32, #tpu.memory_space<vmem>>) target(%dma_start3A_460 : memref<10240x128xf32, #tpu.memory_space<vmem_shared>>) offsets(%dma_start3A_457 : memref<80xi32, #tpu.memory_space<vmem>>) semaphore(%arg17 : memref<!tpu.dma_semaphore, #tpu.memory_space<semaphore_mem>>) {add = true}
        %dma_wait3A_461 = arith.constant 0 : i32
        %dma_wait3A_462 = arith.constant 0 : i32
        %dma_wait3A_463 = tpu.memref_slice %arg7[%dma_wait3A_461, %dma_wait3A_462] : memref<50x80xi32, #tpu.memory_space<vmem>> -> memref<1x80xi32, #tpu.memory_space<vmem>>
        %dma_wait3A_464 = tpu.memref_squeeze %dma_wait3A_463 : memref<1x80xi32, #tpu.memory_space<vmem>> -> memref<80xi32, #tpu.memory_space<vmem>>
        %dma_wait3A_465 = arith.constant 0 : i32
        %dma_wait3A_466 = arith.constant 0 : i32
        %dma_wait3A_467 = tpu.memref_slice %arg5[%dma_wait3A_465, %dma_wait3A_466] : memref<20000x128xf32, #tpu.memory_space<hbm>> -> memref<20000x128xf32, #tpu.memory_space<hbm>>
        tpu.wait_indirect_dma semaphore(%arg19 : memref<!tpu.dma_semaphore, #tpu.memory_space<semaphore_mem>>) src(%dma_wait3A_467 : memref<20000x128xf32, #tpu.memory_space<hbm>>) dst(%arg12 : memref<80x128xf32, #tpu.memory_space<vmem>>)
        %add3A_468 = arith.constant 4 : i32
        %add3A_469 = arith.addi %add3A_356, %add3A_468 : i32
        %dma_start3A_470 = arith.constant 0 : i32
        %dma_start3A_471 = tpu.memref_slice %arg7[%add3A_469, %dma_start3A_470] : memref<50x80xi32, #tpu.memory_space<vmem>> -> memref<1x80xi32, #tpu.memory_space<vmem>>
        %dma_start3A_472 = tpu.memref_squeeze %dma_start3A_471 : memref<1x80xi32, #tpu.memory_space<vmem>> -> memref<80xi32, #tpu.memory_space<vmem>>
        %dma_start3A_473 = arith.constant 0 : i32
        %dma_start3A_474 = arith.constant 0 : i32
        %dma_start3A_475 = tpu.memref_slice %arg5[%dma_start3A_473, %dma_start3A_474] : memref<20000x128xf32, #tpu.memory_space<hbm>> -> memref<20000x128xf32, #tpu.memory_space<hbm>>
        tpu.enqueue_indirect_dma source(%dma_start3A_475 : memref<20000x128xf32, #tpu.memory_space<hbm>>) target(%arg12 : memref<80x128xf32, #tpu.memory_space<vmem>>) offsets(%dma_start3A_472 : memref<80xi32, #tpu.memory_space<vmem>>) semaphore(%arg16 : memref<!tpu.dma_semaphore, #tpu.memory_space<semaphore_mem>>)
      }
      %scan3A_186 = arith.constant 15 : i32
      %dma_wait3A_187 = arith.constant 0 : i32
      %dma_wait3A_188 = arith.constant 0 : i32
      %dma_wait3A_189 = tpu.memref_slice %arg7[%dma_wait3A_187, %dma_wait3A_188] : memref<50x80xi32, #tpu.memory_space<vmem>> -> memref<1x80xi32, #tpu.memory_space<vmem>>
      %dma_wait3A_190 = tpu.memref_squeeze %dma_wait3A_189 : memref<1x80xi32, #tpu.memory_space<vmem>> -> memref<80xi32, #tpu.memory_space<vmem>>
      %dma_wait3A_191 = arith.constant 0 : i32
      %dma_wait3A_192 = arith.constant 0 : i32
      %dma_wait3A_193 = tpu.memref_slice %arg5[%dma_wait3A_191, %dma_wait3A_192] : memref<20000x128xf32, #tpu.memory_space<hbm>> -> memref<20000x128xf32, #tpu.memory_space<hbm>>
      tpu.wait_indirect_dma semaphore(%arg15 : memref<!tpu.dma_semaphore, #tpu.memory_space<semaphore_mem>>) src(%dma_wait3A_193 : memref<20000x128xf32, #tpu.memory_space<hbm>>) dst(%arg11 : memref<80x128xf32, #tpu.memory_space<vmem>>)
      %broadcast_in_dim3A_194 = arith.constant 3680 : i32
      %broadcast_in_dim3A_195 = vector.broadcast %broadcast_in_dim3A_194 : i32 to vector<16xi32>
      %scan3A_196 = arith.constant 0 : i32
      %scan3A_197 = arith.constant 80 : i32
      %scan3A_198 = arith.addi %scan3A_196, %scan3A_197 : i32
      %scan3A_199 = arith.constant 2 : i32
      %scan3A_200 = scf.for %scan3A_352 = %scan3A_196 to %scan3A_198 step %scan3A_199 iter_args(%scan3A_353 = %broadcast_in_dim3A_195) -> (vector<16xi32>)  : i32 {
        %gather3A = tpu.vector_load_idx %arg9[%scan3A_353] : memref<4000xf32, #tpu.memory_space<vmem>>[vector<16xi32>], vector<16xf32>,
        %get3A = arith.index_cast %scan3A_352 : i32 to index
        %get3A_354 = arith.constant 0 : index
        %get3A_355 = tpu.vector_load %arg11[%get3A, %get3A_354] {strides = array<i32>} : memref<80x128xf32, #tpu.memory_space<vmem>>, vector<16xf32>,
        %mul3A_356 = arith.mulf %get3A_355, %gather3A : vector<16xf32>
        %swap3A = arith.index_cast %scan3A_352 : i32 to index
        %swap3A_357 = arith.constant 0 : index
        %swap3A_358 = tpu.vector_load %arg11[%swap3A, %swap3A_357] {strides = array<i32>} : memref<80x128xf32, #tpu.memory_space<vmem>>, vector<16xf32>,
        tpu.vector_store %arg11[%swap3A, %swap3A_357], %mul3A_356 {strides = array<i32>} : memref<80x128xf32, #tpu.memory_space<vmem>>, vector<16xf32>,
        %get3A_359 = arith.index_cast %scan3A_352 : i32 to index
        %get3A_360 = arith.constant 16 : index
        %get3A_361 = tpu.vector_load %arg11[%get3A_359, %get3A_360] {strides = array<i32>} : memref<80x128xf32, #tpu.memory_space<vmem>>, vector<16xf32>,
        %mul3A_362 = arith.mulf %get3A_361, %gather3A : vector<16xf32>
        %swap3A_363 = arith.index_cast %scan3A_352 : i32 to index
        %swap3A_364 = arith.constant 16 : index
        %swap3A_365 = tpu.vector_load %arg11[%swap3A_363, %swap3A_364] {strides = array<i32>} : memref<80x128xf32, #tpu.memory_space<vmem>>, vector<16xf32>,
        tpu.vector_store %arg11[%swap3A_363, %swap3A_364], %mul3A_362 {strides = array<i32>} : memref<80x128xf32, #tpu.memory_space<vmem>>, vector<16xf32>,
        %get3A_366 = arith.index_cast %scan3A_352 : i32 to index
        %get3A_367 = arith.constant 32 : index
        %get3A_368 = tpu.vector_load %arg11[%get3A_366, %get3A_367] {strides = array<i32>} : memref<80x128xf32, #tpu.memory_space<vmem>>, vector<16xf32>,
        %mul3A_369 = arith.mulf %get3A_368, %gather3A : vector<16xf32>
        %swap3A_370 = arith.index_cast %scan3A_352 : i32 to index
        %swap3A_371 = arith.constant 32 : index
        %swap3A_372 = tpu.vector_load %arg11[%swap3A_370, %swap3A_371] {strides = array<i32>} : memref<80x128xf32, #tpu.memory_space<vmem>>, vector<16xf32>,
        tpu.vector_store %arg11[%swap3A_370, %swap3A_371], %mul3A_369 {strides = array<i32>} : memref<80x128xf32, #tpu.memory_space<vmem>>, vector<16xf32>,
        %get3A_373 = arith.index_cast %scan3A_352 : i32 to index
        %get3A_374 = arith.constant 48 : index
        %get3A_375 = tpu.vector_load %arg11[%get3A_373, %get3A_374] {strides = array<i32>} : memref<80x128xf32, #tpu.memory_space<vmem>>, vector<16xf32>,
        %mul3A_376 = arith.mulf %get3A_375, %gather3A : vector<16xf32>
        %swap3A_377 = arith.index_cast %scan3A_352 : i32 to index
        %swap3A_378 = arith.constant 48 : index
        %swap3A_379 = tpu.vector_load %arg11[%swap3A_377, %swap3A_378] {strides = array<i32>} : memref<80x128xf32, #tpu.memory_space<vmem>>, vector<16xf32>,
        tpu.vector_store %arg11[%swap3A_377, %swap3A_378], %mul3A_376 {strides = array<i32>} : memref<80x128xf32, #tpu.memory_space<vmem>>, vector<16xf32>,
        %get3A_380 = arith.index_cast %scan3A_352 : i32 to index
        %get3A_381 = arith.constant 64 : index
        %get3A_382 = tpu.vector_load %arg11[%get3A_380, %get3A_381] {strides = array<i32>} : memref<80x128xf32, #tpu.memory_space<vmem>>, vector<16xf32>,
        %mul3A_383 = arith.mulf %get3A_382, %gather3A : vector<16xf32>
        %swap3A_384 = arith.index_cast %scan3A_352 : i32 to index
        %swap3A_385 = arith.constant 64 : index
        %swap3A_386 = tpu.vector_load %arg11[%swap3A_384, %swap3A_385] {strides = array<i32>} : memref<80x128xf32, #tpu.memory_space<vmem>>, vector<16xf32>,
        tpu.vector_store %arg11[%swap3A_384, %swap3A_385], %mul3A_383 {strides = array<i32>} : memref<80x128xf32, #tpu.memory_space<vmem>>, vector<16xf32>,
        %get3A_387 = arith.index_cast %scan3A_352 : i32 to index
        %get3A_388 = arith.constant 80 : index
        %get3A_389 = tpu.vector_load %arg11[%get3A_387, %get3A_388] {strides = array<i32>} : memref<80x128xf32, #tpu.memory_space<vmem>>, vector<16xf32>,
        %mul3A_390 = arith.mulf %get3A_389, %gather3A : vector<16xf32>
        %swap3A_391 = arith.index_cast %scan3A_352 : i32 to index
        %swap3A_392 = arith.constant 80 : index
        %swap3A_393 = tpu.vector_load %arg11[%swap3A_391, %swap3A_392] {strides = array<i32>} : memref<80x128xf32, #tpu.memory_space<vmem>>, vector<16xf32>,
        tpu.vector_store %arg11[%swap3A_391, %swap3A_392], %mul3A_390 {strides = array<i32>} : memref<80x128xf32, #tpu.memory_space<vmem>>, vector<16xf32>,
        %get3A_394 = arith.index_cast %scan3A_352 : i32 to index
        %get3A_395 = arith.constant 96 : index
        %get3A_396 = tpu.vector_load %arg11[%get3A_394, %get3A_395] {strides = array<i32>} : memref<80x128xf32, #tpu.memory_space<vmem>>, vector<16xf32>,
        %mul3A_397 = arith.mulf %get3A_396, %gather3A : vector<16xf32>
        %swap3A_398 = arith.index_cast %scan3A_352 : i32 to index
        %swap3A_399 = arith.constant 96 : index
        %swap3A_400 = tpu.vector_load %arg11[%swap3A_398, %swap3A_399] {strides = array<i32>} : memref<80x128xf32, #tpu.memory_space<vmem>>, vector<16xf32>,
        tpu.vector_store %arg11[%swap3A_398, %swap3A_399], %mul3A_397 {strides = array<i32>} : memref<80x128xf32, #tpu.memory_space<vmem>>, vector<16xf32>,
        %get3A_401 = arith.index_cast %scan3A_352 : i32 to index
        %get3A_402 = arith.constant 112 : index
        %get3A_403 = tpu.vector_load %arg11[%get3A_401, %get3A_402] {strides = array<i32>} : memref<80x128xf32, #tpu.memory_space<vmem>>, vector<16xf32>,
        %mul3A_404 = arith.mulf %get3A_403, %gather3A : vector<16xf32>
        %swap3A_405 = arith.index_cast %scan3A_352 : i32 to index
        %swap3A_406 = arith.constant 112 : index
        %swap3A_407 = tpu.vector_load %arg11[%swap3A_405, %swap3A_406] {strides = array<i32>} : memref<80x128xf32, #tpu.memory_space<vmem>>, vector<16xf32>,
        tpu.vector_store %arg11[%swap3A_405, %swap3A_406], %mul3A_404 {strides = array<i32>} : memref<80x128xf32, #tpu.memory_space<vmem>>, vector<16xf32>,
        %add3A_408 = arith.addi %scan3A_353, %broadcast_in_dim3A_43 : vector<16xi32>
        %scan3A_409 = arith.constant 1 : i32
        %scan3A_410 = arith.addi %scan3A_352, %scan3A_409 : i32
        %gather3A_411 = tpu.vector_load_idx %arg9[%add3A_408] : memref<4000xf32, #tpu.memory_space<vmem>>[vector<16xi32>], vector<16xf32>,
        %get3A_412 = arith.index_cast %scan3A_410 : i32 to index
        %get3A_413 = arith.constant 0 : index
        %get3A_414 = tpu.vector_load %arg11[%get3A_412, %get3A_413] {strides = array<i32>} : memref<80x128xf32, #tpu.memory_space<vmem>>, vector<16xf32>,
        %mul3A_415 = arith.mulf %get3A_414, %gather3A_411 : vector<16xf32>
        %swap3A_416 = arith.index_cast %scan3A_410 : i32 to index
        %swap3A_417 = arith.constant 0 : index
        %swap3A_418 = tpu.vector_load %arg11[%swap3A_416, %swap3A_417] {strides = array<i32>} : memref<80x128xf32, #tpu.memory_space<vmem>>, vector<16xf32>,
        tpu.vector_store %arg11[%swap3A_416, %swap3A_417], %mul3A_415 {strides = array<i32>} : memref<80x128xf32, #tpu.memory_space<vmem>>, vector<16xf32>,
        %get3A_419 = arith.index_cast %scan3A_410 : i32 to index
        %get3A_420 = arith.constant 16 : index
        %get3A_421 = tpu.vector_load %arg11[%get3A_419, %get3A_420] {strides = array<i32>} : memref<80x128xf32, #tpu.memory_space<vmem>>, vector<16xf32>,
        %mul3A_422 = arith.mulf %get3A_421, %gather3A_411 : vector<16xf32>
        %swap3A_423 = arith.index_cast %scan3A_410 : i32 to index
        %swap3A_424 = arith.constant 16 : index
        %swap3A_425 = tpu.vector_load %arg11[%swap3A_423, %swap3A_424] {strides = array<i32>} : memref<80x128xf32, #tpu.memory_space<vmem>>, vector<16xf32>,
        tpu.vector_store %arg11[%swap3A_423, %swap3A_424], %mul3A_422 {strides = array<i32>} : memref<80x128xf32, #tpu.memory_space<vmem>>, vector<16xf32>,
        %get3A_426 = arith.index_cast %scan3A_410 : i32 to index
        %get3A_427 = arith.constant 32 : index
        %get3A_428 = tpu.vector_load %arg11[%get3A_426, %get3A_427] {strides = array<i32>} : memref<80x128xf32, #tpu.memory_space<vmem>>, vector<16xf32>,
        %mul3A_429 = arith.mulf %get3A_428, %gather3A_411 : vector<16xf32>
        %swap3A_430 = arith.index_cast %scan3A_410 : i32 to index
        %swap3A_431 = arith.constant 32 : index
        %swap3A_432 = tpu.vector_load %arg11[%swap3A_430, %swap3A_431] {strides = array<i32>} : memref<80x128xf32, #tpu.memory_space<vmem>>, vector<16xf32>,
        tpu.vector_store %arg11[%swap3A_430, %swap3A_431], %mul3A_429 {strides = array<i32>} : memref<80x128xf32, #tpu.memory_space<vmem>>, vector<16xf32>,
        %get3A_433 = arith.index_cast %scan3A_410 : i32 to index
        %get3A_434 = arith.constant 48 : index
        %get3A_435 = tpu.vector_load %arg11[%get3A_433, %get3A_434] {strides = array<i32>} : memref<80x128xf32, #tpu.memory_space<vmem>>, vector<16xf32>,
        %mul3A_436 = arith.mulf %get3A_435, %gather3A_411 : vector<16xf32>
        %swap3A_437 = arith.index_cast %scan3A_410 : i32 to index
        %swap3A_438 = arith.constant 48 : index
        %swap3A_439 = tpu.vector_load %arg11[%swap3A_437, %swap3A_438] {strides = array<i32>} : memref<80x128xf32, #tpu.memory_space<vmem>>, vector<16xf32>,
        tpu.vector_store %arg11[%swap3A_437, %swap3A_438], %mul3A_436 {strides = array<i32>} : memref<80x128xf32, #tpu.memory_space<vmem>>, vector<16xf32>,
        %get3A_440 = arith.index_cast %scan3A_410 : i32 to index
        %get3A_441 = arith.constant 64 : index
        %get3A_442 = tpu.vector_load %arg11[%get3A_440, %get3A_441] {strides = array<i32>} : memref<80x128xf32, #tpu.memory_space<vmem>>, vector<16xf32>,
        %mul3A_443 = arith.mulf %get3A_442, %gather3A_411 : vector<16xf32>
        %swap3A_444 = arith.index_cast %scan3A_410 : i32 to index
        %swap3A_445 = arith.constant 64 : index
        %swap3A_446 = tpu.vector_load %arg11[%swap3A_444, %swap3A_445] {strides = array<i32>} : memref<80x128xf32, #tpu.memory_space<vmem>>, vector<16xf32>,
        tpu.vector_store %arg11[%swap3A_444, %swap3A_445], %mul3A_443 {strides = array<i32>} : memref<80x128xf32, #tpu.memory_space<vmem>>, vector<16xf32>,
        %get3A_447 = arith.index_cast %scan3A_410 : i32 to index
        %get3A_448 = arith.constant 80 : index
        %get3A_449 = tpu.vector_load %arg11[%get3A_447, %get3A_448] {strides = array<i32>} : memref<80x128xf32, #tpu.memory_space<vmem>>, vector<16xf32>,
        %mul3A_450 = arith.mulf %get3A_449, %gather3A_411 : vector<16xf32>
        %swap3A_451 = arith.index_cast %scan3A_410 : i32 to index
        %swap3A_452 = arith.constant 80 : index
        %swap3A_453 = tpu.vector_load %arg11[%swap3A_451, %swap3A_452] {strides = array<i32>} : memref<80x128xf32, #tpu.memory_space<vmem>>, vector<16xf32>,
        tpu.vector_store %arg11[%swap3A_451, %swap3A_452], %mul3A_450 {strides = array<i32>} : memref<80x128xf32, #tpu.memory_space<vmem>>, vector<16xf32>,
        %get3A_454 = arith.index_cast %scan3A_410 : i32 to index
        %get3A_455 = arith.constant 96 : index
        %get3A_456 = tpu.vector_load %arg11[%get3A_454, %get3A_455] {strides = array<i32>} : memref<80x128xf32, #tpu.memory_space<vmem>>, vector<16xf32>,
        %mul3A_457 = arith.mulf %get3A_456, %gather3A_411 : vector<16xf32>
        %swap3A_458 = arith.index_cast %scan3A_410 : i32 to index
        %swap3A_459 = arith.constant 96 : index
        %swap3A_460 = tpu.vector_load %arg11[%swap3A_458, %swap3A_459] {strides = array<i32>} : memref<80x128xf32, #tpu.memory_space<vmem>>, vector<16xf32>,
        tpu.vector_store %arg11[%swap3A_458, %swap3A_459], %mul3A_457 {strides = array<i32>} : memref<80x128xf32, #tpu.memory_space<vmem>>, vector<16xf32>,
        %get3A_461 = arith.index_cast %scan3A_410 : i32 to index
        %get3A_462 = arith.constant 112 : index
        %get3A_463 = tpu.vector_load %arg11[%get3A_461, %get3A_462] {strides = array<i32>} : memref<80x128xf32, #tpu.memory_space<vmem>>, vector<16xf32>,
        %mul3A_464 = arith.mulf %get3A_463, %gather3A_411 : vector<16xf32>
        %swap3A_465 = arith.index_cast %scan3A_410 : i32 to index
        %swap3A_466 = arith.constant 112 : index
        %swap3A_467 = tpu.vector_load %arg11[%swap3A_465, %swap3A_466] {strides = array<i32>} : memref<80x128xf32, #tpu.memory_space<vmem>>, vector<16xf32>,
        tpu.vector_store %arg11[%swap3A_465, %swap3A_466], %mul3A_464 {strides = array<i32>} : memref<80x128xf32, #tpu.memory_space<vmem>>, vector<16xf32>,
        %add3A_468 = arith.addi %add3A_408, %broadcast_in_dim3A_43 : vector<16xi32>
        scf.yield %add3A_468 : vector<16xi32>
      }
      %scan3A_201 = arith.constant 80 : i32
      %dma_start3A_202 = arith.constant 46 : i32
      %dma_start3A_203 = arith.constant 0 : i32
      %dma_start3A_204 = tpu.memref_slice %arg8[%dma_start3A_202, %dma_start3A_203] : memref<50x80xi32, #tpu.memory_space<vmem>> -> memref<1x80xi32, #tpu.memory_space<vmem>>
      %dma_start3A_205 = tpu.memref_squeeze %dma_start3A_204 : memref<1x80xi32, #tpu.memory_space<vmem>> -> memref<80xi32, #tpu.memory_space<vmem>>
      %dma_start3A_206 = arith.constant 0 : i32
      %dma_start3A_207 = arith.constant 0 : i32
      %dma_start3A_208 = tpu.memref_slice %arg13[%dma_start3A_206, %dma_start3A_207] : memref<10240x128xf32, #tpu.memory_space<vmem_shared>> -> memref<10240x128xf32, #tpu.memory_space<vmem_shared>>
      tpu.enqueue_indirect_dma source(%arg11 : memref<80x128xf32, #tpu.memory_space<vmem>>) target(%dma_start3A_208 : memref<10240x128xf32, #tpu.memory_space<vmem_shared>>) offsets(%dma_start3A_205 : memref<80xi32, #tpu.memory_space<vmem>>) semaphore(%arg18 : memref<!tpu.dma_semaphore, #tpu.memory_space<semaphore_mem>>) {add = true}
      %dma_wait3A_209 = arith.constant 0 : i32
      %dma_wait3A_210 = arith.constant 0 : i32
      %dma_wait3A_211 = tpu.memref_slice %arg7[%dma_wait3A_209, %dma_wait3A_210] : memref<50x80xi32, #tpu.memory_space<vmem>> -> memref<1x80xi32, #tpu.memory_space<vmem>>
      %dma_wait3A_212 = tpu.memref_squeeze %dma_wait3A_211 : memref<1x80xi32, #tpu.memory_space<vmem>> -> memref<80xi32, #tpu.memory_space<vmem>>
      %dma_wait3A_213 = arith.constant 0 : i32
      %dma_wait3A_214 = arith.constant 0 : i32
      %dma_wait3A_215 = tpu.memref_slice %arg5[%dma_wait3A_213, %dma_wait3A_214] : memref<20000x128xf32, #tpu.memory_space<hbm>> -> memref<20000x128xf32, #tpu.memory_space<hbm>>
      tpu.wait_indirect_dma semaphore(%arg17 : memref<!tpu.dma_semaphore, #tpu.memory_space<semaphore_mem>>) src(%dma_wait3A_215 : memref<20000x128xf32, #tpu.memory_space<hbm>>) dst(%arg10 : memref<80x128xf32, #tpu.memory_space<vmem>>)
      %dma_start3A_216 = arith.constant 48 : i32
      %dma_start3A_217 = arith.constant 0 : i32
      %dma_start3A_218 = tpu.memref_slice %arg7[%dma_start3A_216, %dma_start3A_217] : memref<50x80xi32, #tpu.memory_space<vmem>> -> memref<1x80xi32, #tpu.memory_space<vmem>>
      %dma_start3A_219 = tpu.memref_squeeze %dma_start3A_218 : memref<1x80xi32, #tpu.memory_space<vmem>> -> memref<80xi32, #tpu.memory_space<vmem>>
      %dma_start3A_220 = arith.constant 0 : i32
      %dma_start3A_221 = arith.constant 0 : i32
      %dma_start3A_222 = tpu.memref_slice %arg5[%dma_start3A_220, %dma_start3A_221] : memref<20000x128xf32, #tpu.memory_space<hbm>> -> memref<20000x128xf32, #tpu.memory_space<hbm>>
      tpu.enqueue_indirect_dma source(%dma_start3A_222 : memref<20000x128xf32, #tpu.memory_space<hbm>>) target(%arg10 : memref<80x128xf32, #tpu.memory_space<vmem>>) offsets(%dma_start3A_219 : memref<80xi32, #tpu.memory_space<vmem>>) semaphore(%arg14 : memref<!tpu.dma_semaphore, #tpu.memory_space<semaphore_mem>>)
      %dma_wait3A_223 = arith.constant 0 : i32
      %dma_wait3A_224 = arith.constant 0 : i32
      %dma_wait3A_225 = tpu.memref_slice %arg7[%dma_wait3A_223, %dma_wait3A_224] : memref<50x80xi32, #tpu.memory_space<vmem>> -> memref<1x80xi32, #tpu.memory_space<vmem>>
      %dma_wait3A_226 = tpu.memref_squeeze %dma_wait3A_225 : memref<1x80xi32, #tpu.memory_space<vmem>> -> memref<80xi32, #tpu.memory_space<vmem>>
      %dma_wait3A_227 = arith.constant 0 : i32
      %dma_wait3A_228 = arith.constant 0 : i32
      %dma_wait3A_229 = tpu.memref_slice %arg5[%dma_wait3A_227, %dma_wait3A_228] : memref<20000x128xf32, #tpu.memory_space<hbm>> -> memref<20000x128xf32, #tpu.memory_space<hbm>>
      tpu.wait_indirect_dma semaphore(%arg16 : memref<!tpu.dma_semaphore, #tpu.memory_space<semaphore_mem>>) src(%dma_wait3A_229 : memref<20000x128xf32, #tpu.memory_space<hbm>>) dst(%arg12 : memref<80x128xf32, #tpu.memory_space<vmem>>)
      %broadcast_in_dim3A_230 = arith.constant 3760 : i32
      %broadcast_in_dim3A_231 = vector.broadcast %broadcast_in_dim3A_230 : i32 to vector<16xi32>
      %scan3A_232 = arith.constant 0 : i32
      %scan3A_233 = arith.constant 80 : i32
      %scan3A_234 = arith.addi %scan3A_232, %scan3A_233 : i32
      %scan3A_235 = arith.constant 2 : i32
      %scan3A_236 = scf.for %scan3A_352 = %scan3A_232 to %scan3A_234 step %scan3A_235 iter_args(%scan3A_353 = %broadcast_in_dim3A_231) -> (vector<16xi32>)  : i32 {
        %gather3A = tpu.vector_load_idx %arg9[%scan3A_353] : memref<4000xf32, #tpu.memory_space<vmem>>[vector<16xi32>], vector<16xf32>,
        %get3A = arith.index_cast %scan3A_352 : i32 to index
        %get3A_354 = arith.constant 0 : index
        %get3A_355 = tpu.vector_load %arg12[%get3A, %get3A_354] {strides = array<i32>} : memref<80x128xf32, #tpu.memory_space<vmem>>, vector<16xf32>,
        %mul3A_356 = arith.mulf %get3A_355, %gather3A : vector<16xf32>
        %swap3A = arith.index_cast %scan3A_352 : i32 to index
        %swap3A_357 = arith.constant 0 : index
        %swap3A_358 = tpu.vector_load %arg12[%swap3A, %swap3A_357] {strides = array<i32>} : memref<80x128xf32, #tpu.memory_space<vmem>>, vector<16xf32>,
        tpu.vector_store %arg12[%swap3A, %swap3A_357], %mul3A_356 {strides = array<i32>} : memref<80x128xf32, #tpu.memory_space<vmem>>, vector<16xf32>,
        %get3A_359 = arith.index_cast %scan3A_352 : i32 to index
        %get3A_360 = arith.constant 16 : index
        %get3A_361 = tpu.vector_load %arg12[%get3A_359, %get3A_360] {strides = array<i32>} : memref<80x128xf32, #tpu.memory_space<vmem>>, vector<16xf32>,
        %mul3A_362 = arith.mulf %get3A_361, %gather3A : vector<16xf32>
        %swap3A_363 = arith.index_cast %scan3A_352 : i32 to index
        %swap3A_364 = arith.constant 16 : index
        %swap3A_365 = tpu.vector_load %arg12[%swap3A_363, %swap3A_364] {strides = array<i32>} : memref<80x128xf32, #tpu.memory_space<vmem>>, vector<16xf32>,
        tpu.vector_store %arg12[%swap3A_363, %swap3A_364], %mul3A_362 {strides = array<i32>} : memref<80x128xf32, #tpu.memory_space<vmem>>, vector<16xf32>,
        %get3A_366 = arith.index_cast %scan3A_352 : i32 to index
        %get3A_367 = arith.constant 32 : index
        %get3A_368 = tpu.vector_load %arg12[%get3A_366, %get3A_367] {strides = array<i32>} : memref<80x128xf32, #tpu.memory_space<vmem>>, vector<16xf32>,
        %mul3A_369 = arith.mulf %get3A_368, %gather3A : vector<16xf32>
        %swap3A_370 = arith.index_cast %scan3A_352 : i32 to index
        %swap3A_371 = arith.constant 32 : index
        %swap3A_372 = tpu.vector_load %arg12[%swap3A_370, %swap3A_371] {strides = array<i32>} : memref<80x128xf32, #tpu.memory_space<vmem>>, vector<16xf32>,
        tpu.vector_store %arg12[%swap3A_370, %swap3A_371], %mul3A_369 {strides = array<i32>} : memref<80x128xf32, #tpu.memory_space<vmem>>, vector<16xf32>,
        %get3A_373 = arith.index_cast %scan3A_352 : i32 to index
        %get3A_374 = arith.constant 48 : index
        %get3A_375 = tpu.vector_load %arg12[%get3A_373, %get3A_374] {strides = array<i32>} : memref<80x128xf32, #tpu.memory_space<vmem>>, vector<16xf32>,
        %mul3A_376 = arith.mulf %get3A_375, %gather3A : vector<16xf32>
        %swap3A_377 = arith.index_cast %scan3A_352 : i32 to index
        %swap3A_378 = arith.constant 48 : index
        %swap3A_379 = tpu.vector_load %arg12[%swap3A_377, %swap3A_378] {strides = array<i32>} : memref<80x128xf32, #tpu.memory_space<vmem>>, vector<16xf32>,
        tpu.vector_store %arg12[%swap3A_377, %swap3A_378], %mul3A_376 {strides = array<i32>} : memref<80x128xf32, #tpu.memory_space<vmem>>, vector<16xf32>,
        %get3A_380 = arith.index_cast %scan3A_352 : i32 to index
        %get3A_381 = arith.constant 64 : index
        %get3A_382 = tpu.vector_load %arg12[%get3A_380, %get3A_381] {strides = array<i32>} : memref<80x128xf32, #tpu.memory_space<vmem>>, vector<16xf32>,
        %mul3A_383 = arith.mulf %get3A_382, %gather3A : vector<16xf32>
        %swap3A_384 = arith.index_cast %scan3A_352 : i32 to index
        %swap3A_385 = arith.constant 64 : index
        %swap3A_386 = tpu.vector_load %arg12[%swap3A_384, %swap3A_385] {strides = array<i32>} : memref<80x128xf32, #tpu.memory_space<vmem>>, vector<16xf32>,
        tpu.vector_store %arg12[%swap3A_384, %swap3A_385], %mul3A_383 {strides = array<i32>} : memref<80x128xf32, #tpu.memory_space<vmem>>, vector<16xf32>,
        %get3A_387 = arith.index_cast %scan3A_352 : i32 to index
        %get3A_388 = arith.constant 80 : index
        %get3A_389 = tpu.vector_load %arg12[%get3A_387, %get3A_388] {strides = array<i32>} : memref<80x128xf32, #tpu.memory_space<vmem>>, vector<16xf32>,
        %mul3A_390 = arith.mulf %get3A_389, %gather3A : vector<16xf32>
        %swap3A_391 = arith.index_cast %scan3A_352 : i32 to index
        %swap3A_392 = arith.constant 80 : index
        %swap3A_393 = tpu.vector_load %arg12[%swap3A_391, %swap3A_392] {strides = array<i32>} : memref<80x128xf32, #tpu.memory_space<vmem>>, vector<16xf32>,
        tpu.vector_store %arg12[%swap3A_391, %swap3A_392], %mul3A_390 {strides = array<i32>} : memref<80x128xf32, #tpu.memory_space<vmem>>, vector<16xf32>,
        %get3A_394 = arith.index_cast %scan3A_352 : i32 to index
        %get3A_395 = arith.constant 96 : index
        %get3A_396 = tpu.vector_load %arg12[%get3A_394, %get3A_395] {strides = array<i32>} : memref<80x128xf32, #tpu.memory_space<vmem>>, vector<16xf32>,
        %mul3A_397 = arith.mulf %get3A_396, %gather3A : vector<16xf32>
        %swap3A_398 = arith.index_cast %scan3A_352 : i32 to index
        %swap3A_399 = arith.constant 96 : index
        %swap3A_400 = tpu.vector_load %arg12[%swap3A_398, %swap3A_399] {strides = array<i32>} : memref<80x128xf32, #tpu.memory_space<vmem>>, vector<16xf32>,
        tpu.vector_store %arg12[%swap3A_398, %swap3A_399], %mul3A_397 {strides = array<i32>} : memref<80x128xf32, #tpu.memory_space<vmem>>, vector<16xf32>,
        %get3A_401 = arith.index_cast %scan3A_352 : i32 to index
        %get3A_402 = arith.constant 112 : index
        %get3A_403 = tpu.vector_load %arg12[%get3A_401, %get3A_402] {strides = array<i32>} : memref<80x128xf32, #tpu.memory_space<vmem>>, vector<16xf32>,
        %mul3A_404 = arith.mulf %get3A_403, %gather3A : vector<16xf32>
        %swap3A_405 = arith.index_cast %scan3A_352 : i32 to index
        %swap3A_406 = arith.constant 112 : index
        %swap3A_407 = tpu.vector_load %arg12[%swap3A_405, %swap3A_406] {strides = array<i32>} : memref<80x128xf32, #tpu.memory_space<vmem>>, vector<16xf32>,
        tpu.vector_store %arg12[%swap3A_405, %swap3A_406], %mul3A_404 {strides = array<i32>} : memref<80x128xf32, #tpu.memory_space<vmem>>, vector<16xf32>,
        %add3A_408 = arith.addi %scan3A_353, %broadcast_in_dim3A_43 : vector<16xi32>
        %scan3A_409 = arith.constant 1 : i32
        %scan3A_410 = arith.addi %scan3A_352, %scan3A_409 : i32
        %gather3A_411 = tpu.vector_load_idx %arg9[%add3A_408] : memref<4000xf32, #tpu.memory_space<vmem>>[vector<16xi32>], vector<16xf32>,
        %get3A_412 = arith.index_cast %scan3A_410 : i32 to index
        %get3A_413 = arith.constant 0 : index
        %get3A_414 = tpu.vector_load %arg12[%get3A_412, %get3A_413] {strides = array<i32>} : memref<80x128xf32, #tpu.memory_space<vmem>>, vector<16xf32>,
        %mul3A_415 = arith.mulf %get3A_414, %gather3A_411 : vector<16xf32>
        %swap3A_416 = arith.index_cast %scan3A_410 : i32 to index
        %swap3A_417 = arith.constant 0 : index
        %swap3A_418 = tpu.vector_load %arg12[%swap3A_416, %swap3A_417] {strides = array<i32>} : memref<80x128xf32, #tpu.memory_space<vmem>>, vector<16xf32>,
        tpu.vector_store %arg12[%swap3A_416, %swap3A_417], %mul3A_415 {strides = array<i32>} : memref<80x128xf32, #tpu.memory_space<vmem>>, vector<16xf32>,
        %get3A_419 = arith.index_cast %scan3A_410 : i32 to index
        %get3A_420 = arith.constant 16 : index
        %get3A_421 = tpu.vector_load %arg12[%get3A_419, %get3A_420] {strides = array<i32>} : memref<80x128xf32, #tpu.memory_space<vmem>>, vector<16xf32>,
        %mul3A_422 = arith.mulf %get3A_421, %gather3A_411 : vector<16xf32>
        %swap3A_423 = arith.index_cast %scan3A_410 : i32 to index
        %swap3A_424 = arith.constant 16 : index
        %swap3A_425 = tpu.vector_load %arg12[%swap3A_423, %swap3A_424] {strides = array<i32>} : memref<80x128xf32, #tpu.memory_space<vmem>>, vector<16xf32>,
        tpu.vector_store %arg12[%swap3A_423, %swap3A_424], %mul3A_422 {strides = array<i32>} : memref<80x128xf32, #tpu.memory_space<vmem>>, vector<16xf32>,
        %get3A_426 = arith.index_cast %scan3A_410 : i32 to index
        %get3A_427 = arith.constant 32 : index
        %get3A_428 = tpu.vector_load %arg12[%get3A_426, %get3A_427] {strides = array<i32>} : memref<80x128xf32, #tpu.memory_space<vmem>>, vector<16xf32>,
        %mul3A_429 = arith.mulf %get3A_428, %gather3A_411 : vector<16xf32>
        %swap3A_430 = arith.index_cast %scan3A_410 : i32 to index
        %swap3A_431 = arith.constant 32 : index
        %swap3A_432 = tpu.vector_load %arg12[%swap3A_430, %swap3A_431] {strides = array<i32>} : memref<80x128xf32, #tpu.memory_space<vmem>>, vector<16xf32>,
        tpu.vector_store %arg12[%swap3A_430, %swap3A_431], %mul3A_429 {strides = array<i32>} : memref<80x128xf32, #tpu.memory_space<vmem>>, vector<16xf32>,
        %get3A_433 = arith.index_cast %scan3A_410 : i32 to index
        %get3A_434 = arith.constant 48 : index
        %get3A_435 = tpu.vector_load %arg12[%get3A_433, %get3A_434] {strides = array<i32>} : memref<80x128xf32, #tpu.memory_space<vmem>>, vector<16xf32>,
        %mul3A_436 = arith.mulf %get3A_435, %gather3A_411 : vector<16xf32>
        %swap3A_437 = arith.index_cast %scan3A_410 : i32 to index
        %swap3A_438 = arith.constant 48 : index
        %swap3A_439 = tpu.vector_load %arg12[%swap3A_437, %swap3A_438] {strides = array<i32>} : memref<80x128xf32, #tpu.memory_space<vmem>>, vector<16xf32>,
        tpu.vector_store %arg12[%swap3A_437, %swap3A_438], %mul3A_436 {strides = array<i32>} : memref<80x128xf32, #tpu.memory_space<vmem>>, vector<16xf32>,
        %get3A_440 = arith.index_cast %scan3A_410 : i32 to index
        %get3A_441 = arith.constant 64 : index
        %get3A_442 = tpu.vector_load %arg12[%get3A_440, %get3A_441] {strides = array<i32>} : memref<80x128xf32, #tpu.memory_space<vmem>>, vector<16xf32>,
        %mul3A_443 = arith.mulf %get3A_442, %gather3A_411 : vector<16xf32>
        %swap3A_444 = arith.index_cast %scan3A_410 : i32 to index
        %swap3A_445 = arith.constant 64 : index
        %swap3A_446 = tpu.vector_load %arg12[%swap3A_444, %swap3A_445] {strides = array<i32>} : memref<80x128xf32, #tpu.memory_space<vmem>>, vector<16xf32>,
        tpu.vector_store %arg12[%swap3A_444, %swap3A_445], %mul3A_443 {strides = array<i32>} : memref<80x128xf32, #tpu.memory_space<vmem>>, vector<16xf32>,
        %get3A_447 = arith.index_cast %scan3A_410 : i32 to index
        %get3A_448 = arith.constant 80 : index
        %get3A_449 = tpu.vector_load %arg12[%get3A_447, %get3A_448] {strides = array<i32>} : memref<80x128xf32, #tpu.memory_space<vmem>>, vector<16xf32>,
        %mul3A_450 = arith.mulf %get3A_449, %gather3A_411 : vector<16xf32>
        %swap3A_451 = arith.index_cast %scan3A_410 : i32 to index
        %swap3A_452 = arith.constant 80 : index
        %swap3A_453 = tpu.vector_load %arg12[%swap3A_451, %swap3A_452] {strides = array<i32>} : memref<80x128xf32, #tpu.memory_space<vmem>>, vector<16xf32>,
        tpu.vector_store %arg12[%swap3A_451, %swap3A_452], %mul3A_450 {strides = array<i32>} : memref<80x128xf32, #tpu.memory_space<vmem>>, vector<16xf32>,
        %get3A_454 = arith.index_cast %scan3A_410 : i32 to index
        %get3A_455 = arith.constant 96 : index
        %get3A_456 = tpu.vector_load %arg12[%get3A_454, %get3A_455] {strides = array<i32>} : memref<80x128xf32, #tpu.memory_space<vmem>>, vector<16xf32>,
        %mul3A_457 = arith.mulf %get3A_456, %gather3A_411 : vector<16xf32>
        %swap3A_458 = arith.index_cast %scan3A_410 : i32 to index
        %swap3A_459 = arith.constant 96 : index
        %swap3A_460 = tpu.vector_load %arg12[%swap3A_458, %swap3A_459] {strides = array<i32>} : memref<80x128xf32, #tpu.memory_space<vmem>>, vector<16xf32>,
        tpu.vector_store %arg12[%swap3A_458, %swap3A_459], %mul3A_457 {strides = array<i32>} : memref<80x128xf32, #tpu.memory_space<vmem>>, vector<16xf32>,
        %get3A_461 = arith.index_cast %scan3A_410 : i32 to index
        %get3A_462 = arith.constant 112 : index
        %get3A_463 = tpu.vector_load %arg12[%get3A_461, %get3A_462] {strides = array<i32>} : memref<80x128xf32, #tpu.memory_space<vmem>>, vector<16xf32>,
        %mul3A_464 = arith.mulf %get3A_463, %gather3A_411 : vector<16xf32>
        %swap3A_465 = arith.index_cast %scan3A_410 : i32 to index
        %swap3A_466 = arith.constant 112 : index
        %swap3A_467 = tpu.vector_load %arg12[%swap3A_465, %swap3A_466] {strides = array<i32>} : memref<80x128xf32, #tpu.memory_space<vmem>>, vector<16xf32>,
        tpu.vector_store %arg12[%swap3A_465, %swap3A_466], %mul3A_464 {strides = array<i32>} : memref<80x128xf32, #tpu.memory_space<vmem>>, vector<16xf32>,
        %add3A_468 = arith.addi %add3A_408, %broadcast_in_dim3A_43 : vector<16xi32>
        scf.yield %add3A_468 : vector<16xi32>
      }
      %scan3A_237 = arith.constant 80 : i32
      %dma_start3A_238 = arith.constant 47 : i32
      %dma_start3A_239 = arith.constant 0 : i32
      %dma_start3A_240 = tpu.memref_slice %arg8[%dma_start3A_238, %dma_start3A_239] : memref<50x80xi32, #tpu.memory_space<vmem>> -> memref<1x80xi32, #tpu.memory_space<vmem>>
      %dma_start3A_241 = tpu.memref_squeeze %dma_start3A_240 : memref<1x80xi32, #tpu.memory_space<vmem>> -> memref<80xi32, #tpu.memory_space<vmem>>
      %dma_start3A_242 = arith.constant 0 : i32
      %dma_start3A_243 = arith.constant 0 : i32
      %dma_start3A_244 = tpu.memref_slice %arg13[%dma_start3A_242, %dma_start3A_243] : memref<10240x128xf32, #tpu.memory_space<vmem_shared>> -> memref<10240x128xf32, #tpu.memory_space<vmem_shared>>
      tpu.enqueue_indirect_dma source(%arg12 : memref<80x128xf32, #tpu.memory_space<vmem>>) target(%dma_start3A_244 : memref<10240x128xf32, #tpu.memory_space<vmem_shared>>) offsets(%dma_start3A_241 : memref<80xi32, #tpu.memory_space<vmem>>) semaphore(%arg19 : memref<!tpu.dma_semaphore, #tpu.memory_space<semaphore_mem>>) {add = true}
      %dma_wait3A_245 = arith.constant 0 : i32
      %dma_wait3A_246 = arith.constant 0 : i32
      %dma_wait3A_247 = tpu.memref_slice %arg7[%dma_wait3A_245, %dma_wait3A_246] : memref<50x80xi32, #tpu.memory_space<vmem>> -> memref<1x80xi32, #tpu.memory_space<vmem>>
      %dma_wait3A_248 = tpu.memref_squeeze %dma_wait3A_247 : memref<1x80xi32, #tpu.memory_space<vmem>> -> memref<80xi32, #tpu.memory_space<vmem>>
      %dma_wait3A_249 = arith.constant 0 : i32
      %dma_wait3A_250 = arith.constant 0 : i32
      %dma_wait3A_251 = tpu.memref_slice %arg5[%dma_wait3A_249, %dma_wait3A_250] : memref<20000x128xf32, #tpu.memory_space<hbm>> -> memref<20000x128xf32, #tpu.memory_space<hbm>>
      tpu.wait_indirect_dma semaphore(%arg18 : memref<!tpu.dma_semaphore, #tpu.memory_space<semaphore_mem>>) src(%dma_wait3A_251 : memref<20000x128xf32, #tpu.memory_space<hbm>>) dst(%arg11 : memref<80x128xf32, #tpu.memory_space<vmem>>)
      %dma_start3A_252 = arith.constant 49 : i32
      %dma_start3A_253 = arith.constant 0 : i32
      %dma_start3A_254 = tpu.memref_slice %arg7[%dma_start3A_252, %dma_start3A_253] : memref<50x80xi32, #tpu.memory_space<vmem>> -> memref<1x80xi32, #tpu.memory_space<vmem>>
      %dma_start3A_255 = tpu.memref_squeeze %dma_start3A_254 : memref<1x80xi32, #tpu.memory_space<vmem>> -> memref<80xi32, #tpu.memory_space<vmem>>
      %dma_start3A_256 = arith.constant 0 : i32
      %dma_start3A_257 = arith.constant 0 : i32
      %dma_start3A_258 = tpu.memref_slice %arg5[%dma_start3A_256, %dma_start3A_257] : memref<20000x128xf32, #tpu.memory_space<hbm>> -> memref<20000x128xf32, #tpu.memory_space<hbm>>
      tpu.enqueue_indirect_dma source(%dma_start3A_258 : memref<20000x128xf32, #tpu.memory_space<hbm>>) target(%arg11 : memref<80x128xf32, #tpu.memory_space<vmem>>) offsets(%dma_start3A_255 : memref<80xi32, #tpu.memory_space<vmem>>) semaphore(%arg15 : memref<!tpu.dma_semaphore, #tpu.memory_space<semaphore_mem>>)
      %dma_wait3A_259 = arith.constant 0 : i32
      %dma_wait3A_260 = arith.constant 0 : i32
      %dma_wait3A_261 = tpu.memref_slice %arg7[%dma_wait3A_259, %dma_wait3A_260] : memref<50x80xi32, #tpu.memory_space<vmem>> -> memref<1x80xi32, #tpu.memory_space<vmem>>
      %dma_wait3A_262 = tpu.memref_squeeze %dma_wait3A_261 : memref<1x80xi32, #tpu.memory_space<vmem>> -> memref<80xi32, #tpu.memory_space<vmem>>
      %dma_wait3A_263 = arith.constant 0 : i32
      %dma_wait3A_264 = arith.constant 0 : i32
      %dma_wait3A_265 = tpu.memref_slice %arg5[%dma_wait3A_263, %dma_wait3A_264] : memref<20000x128xf32, #tpu.memory_space<hbm>> -> memref<20000x128xf32, #tpu.memory_space<hbm>>
      tpu.wait_indirect_dma semaphore(%arg14 : memref<!tpu.dma_semaphore, #tpu.memory_space<semaphore_mem>>) src(%dma_wait3A_265 : memref<20000x128xf32, #tpu.memory_space<hbm>>) dst(%arg10 : memref<80x128xf32, #tpu.memory_space<vmem>>)
      %broadcast_in_dim3A_266 = arith.constant 3840 : i32
      %broadcast_in_dim3A_267 = vector.broadcast %broadcast_in_dim3A_266 : i32 to vector<16xi32>
      %scan3A_268 = arith.constant 0 : i32
      %scan3A_269 = arith.constant 80 : i32
      %scan3A_270 = arith.addi %scan3A_268, %scan3A_269 : i32
      %scan3A_271 = arith.constant 2 : i32
      %scan3A_272 = scf.for %scan3A_352 = %scan3A_268 to %scan3A_270 step %scan3A_271 iter_args(%scan3A_353 = %broadcast_in_dim3A_267) -> (vector<16xi32>)  : i32 {
        %gather3A = tpu.vector_load_idx %arg9[%scan3A_353] : memref<4000xf32, #tpu.memory_space<vmem>>[vector<16xi32>], vector<16xf32>,
        %get3A = arith.index_cast %scan3A_352 : i32 to index
        %get3A_354 = arith.constant 0 : index
        %get3A_355 = tpu.vector_load %arg10[%get3A, %get3A_354] {strides = array<i32>} : memref<80x128xf32, #tpu.memory_space<vmem>>, vector<16xf32>,
        %mul3A_356 = arith.mulf %get3A_355, %gather3A : vector<16xf32>
        %swap3A = arith.index_cast %scan3A_352 : i32 to index
        %swap3A_357 = arith.constant 0 : index
        %swap3A_358 = tpu.vector_load %arg10[%swap3A, %swap3A_357] {strides = array<i32>} : memref<80x128xf32, #tpu.memory_space<vmem>>, vector<16xf32>,
        tpu.vector_store %arg10[%swap3A, %swap3A_357], %mul3A_356 {strides = array<i32>} : memref<80x128xf32, #tpu.memory_space<vmem>>, vector<16xf32>,
        %get3A_359 = arith.index_cast %scan3A_352 : i32 to index
        %get3A_360 = arith.constant 16 : index
        %get3A_361 = tpu.vector_load %arg10[%get3A_359, %get3A_360] {strides = array<i32>} : memref<80x128xf32, #tpu.memory_space<vmem>>, vector<16xf32>,
        %mul3A_362 = arith.mulf %get3A_361, %gather3A : vector<16xf32>
        %swap3A_363 = arith.index_cast %scan3A_352 : i32 to index
        %swap3A_364 = arith.constant 16 : index
        %swap3A_365 = tpu.vector_load %arg10[%swap3A_363, %swap3A_364] {strides = array<i32>} : memref<80x128xf32, #tpu.memory_space<vmem>>, vector<16xf32>,
        tpu.vector_store %arg10[%swap3A_363, %swap3A_364], %mul3A_362 {strides = array<i32>} : memref<80x128xf32, #tpu.memory_space<vmem>>, vector<16xf32>,
        %get3A_366 = arith.index_cast %scan3A_352 : i32 to index
        %get3A_367 = arith.constant 32 : index
        %get3A_368 = tpu.vector_load %arg10[%get3A_366, %get3A_367] {strides = array<i32>} : memref<80x128xf32, #tpu.memory_space<vmem>>, vector<16xf32>,
        %mul3A_369 = arith.mulf %get3A_368, %gather3A : vector<16xf32>
        %swap3A_370 = arith.index_cast %scan3A_352 : i32 to index
        %swap3A_371 = arith.constant 32 : index
        %swap3A_372 = tpu.vector_load %arg10[%swap3A_370, %swap3A_371] {strides = array<i32>} : memref<80x128xf32, #tpu.memory_space<vmem>>, vector<16xf32>,
        tpu.vector_store %arg10[%swap3A_370, %swap3A_371], %mul3A_369 {strides = array<i32>} : memref<80x128xf32, #tpu.memory_space<vmem>>, vector<16xf32>,
        %get3A_373 = arith.index_cast %scan3A_352 : i32 to index
        %get3A_374 = arith.constant 48 : index
        %get3A_375 = tpu.vector_load %arg10[%get3A_373, %get3A_374] {strides = array<i32>} : memref<80x128xf32, #tpu.memory_space<vmem>>, vector<16xf32>,
        %mul3A_376 = arith.mulf %get3A_375, %gather3A : vector<16xf32>
        %swap3A_377 = arith.index_cast %scan3A_352 : i32 to index
        %swap3A_378 = arith.constant 48 : index
        %swap3A_379 = tpu.vector_load %arg10[%swap3A_377, %swap3A_378] {strides = array<i32>} : memref<80x128xf32, #tpu.memory_space<vmem>>, vector<16xf32>,
        tpu.vector_store %arg10[%swap3A_377, %swap3A_378], %mul3A_376 {strides = array<i32>} : memref<80x128xf32, #tpu.memory_space<vmem>>, vector<16xf32>,
        %get3A_380 = arith.index_cast %scan3A_352 : i32 to index
        %get3A_381 = arith.constant 64 : index
        %get3A_382 = tpu.vector_load %arg10[%get3A_380, %get3A_381] {strides = array<i32>} : memref<80x128xf32, #tpu.memory_space<vmem>>, vector<16xf32>,
        %mul3A_383 = arith.mulf %get3A_382, %gather3A : vector<16xf32>
        %swap3A_384 = arith.index_cast %scan3A_352 : i32 to index
        %swap3A_385 = arith.constant 64 : index
        %swap3A_386 = tpu.vector_load %arg10[%swap3A_384, %swap3A_385] {strides = array<i32>} : memref<80x128xf32, #tpu.memory_space<vmem>>, vector<16xf32>,
        tpu.vector_store %arg10[%swap3A_384, %swap3A_385], %mul3A_383 {strides = array<i32>} : memref<80x128xf32, #tpu.memory_space<vmem>>, vector<16xf32>,
        %get3A_387 = arith.index_cast %scan3A_352 : i32 to index
        %get3A_388 = arith.constant 80 : index
        %get3A_389 = tpu.vector_load %arg10[%get3A_387, %get3A_388] {strides = array<i32>} : memref<80x128xf32, #tpu.memory_space<vmem>>, vector<16xf32>,
        %mul3A_390 = arith.mulf %get3A_389, %gather3A : vector<16xf32>
        %swap3A_391 = arith.index_cast %scan3A_352 : i32 to index
        %swap3A_392 = arith.constant 80 : index
        %swap3A_393 = tpu.vector_load %arg10[%swap3A_391, %swap3A_392] {strides = array<i32>} : memref<80x128xf32, #tpu.memory_space<vmem>>, vector<16xf32>,
        tpu.vector_store %arg10[%swap3A_391, %swap3A_392], %mul3A_390 {strides = array<i32>} : memref<80x128xf32, #tpu.memory_space<vmem>>, vector<16xf32>,
        %get3A_394 = arith.index_cast %scan3A_352 : i32 to index
        %get3A_395 = arith.constant 96 : index
        %get3A_396 = tpu.vector_load %arg10[%get3A_394, %get3A_395] {strides = array<i32>} : memref<80x128xf32, #tpu.memory_space<vmem>>, vector<16xf32>,
        %mul3A_397 = arith.mulf %get3A_396, %gather3A : vector<16xf32>
        %swap3A_398 = arith.index_cast %scan3A_352 : i32 to index
        %swap3A_399 = arith.constant 96 : index
        %swap3A_400 = tpu.vector_load %arg10[%swap3A_398, %swap3A_399] {strides = array<i32>} : memref<80x128xf32, #tpu.memory_space<vmem>>, vector<16xf32>,
        tpu.vector_store %arg10[%swap3A_398, %swap3A_399], %mul3A_397 {strides = array<i32>} : memref<80x128xf32, #tpu.memory_space<vmem>>, vector<16xf32>,
        %get3A_401 = arith.index_cast %scan3A_352 : i32 to index
        %get3A_402 = arith.constant 112 : index
        %get3A_403 = tpu.vector_load %arg10[%get3A_401, %get3A_402] {strides = array<i32>} : memref<80x128xf32, #tpu.memory_space<vmem>>, vector<16xf32>,
        %mul3A_404 = arith.mulf %get3A_403, %gather3A : vector<16xf32>
        %swap3A_405 = arith.index_cast %scan3A_352 : i32 to index
        %swap3A_406 = arith.constant 112 : index
        %swap3A_407 = tpu.vector_load %arg10[%swap3A_405, %swap3A_406] {strides = array<i32>} : memref<80x128xf32, #tpu.memory_space<vmem>>, vector<16xf32>,
        tpu.vector_store %arg10[%swap3A_405, %swap3A_406], %mul3A_404 {strides = array<i32>} : memref<80x128xf32, #tpu.memory_space<vmem>>, vector<16xf32>,
        %add3A_408 = arith.addi %scan3A_353, %broadcast_in_dim3A_43 : vector<16xi32>
        %scan3A_409 = arith.constant 1 : i32
        %scan3A_410 = arith.addi %scan3A_352, %scan3A_409 : i32
        %gather3A_411 = tpu.vector_load_idx %arg9[%add3A_408] : memref<4000xf32, #tpu.memory_space<vmem>>[vector<16xi32>], vector<16xf32>,
        %get3A_412 = arith.index_cast %scan3A_410 : i32 to index
        %get3A_413 = arith.constant 0 : index
        %get3A_414 = tpu.vector_load %arg10[%get3A_412, %get3A_413] {strides = array<i32>} : memref<80x128xf32, #tpu.memory_space<vmem>>, vector<16xf32>,
        %mul3A_415 = arith.mulf %get3A_414, %gather3A_411 : vector<16xf32>
        %swap3A_416 = arith.index_cast %scan3A_410 : i32 to index
        %swap3A_417 = arith.constant 0 : index
        %swap3A_418 = tpu.vector_load %arg10[%swap3A_416, %swap3A_417] {strides = array<i32>} : memref<80x128xf32, #tpu.memory_space<vmem>>, vector<16xf32>,
        tpu.vector_store %arg10[%swap3A_416, %swap3A_417], %mul3A_415 {strides = array<i32>} : memref<80x128xf32, #tpu.memory_space<vmem>>, vector<16xf32>,
        %get3A_419 = arith.index_cast %scan3A_410 : i32 to index
        %get3A_420 = arith.constant 16 : index
        %get3A_421 = tpu.vector_load %arg10[%get3A_419, %get3A_420] {strides = array<i32>} : memref<80x128xf32, #tpu.memory_space<vmem>>, vector<16xf32>,
        %mul3A_422 = arith.mulf %get3A_421, %gather3A_411 : vector<16xf32>
        %swap3A_423 = arith.index_cast %scan3A_410 : i32 to index
        %swap3A_424 = arith.constant 16 : index
        %swap3A_425 = tpu.vector_load %arg10[%swap3A_423, %swap3A_424] {strides = array<i32>} : memref<80x128xf32, #tpu.memory_space<vmem>>, vector<16xf32>,
        tpu.vector_store %arg10[%swap3A_423, %swap3A_424], %mul3A_422 {strides = array<i32>} : memref<80x128xf32, #tpu.memory_space<vmem>>, vector<16xf32>,
        %get3A_426 = arith.index_cast %scan3A_410 : i32 to index
        %get3A_427 = arith.constant 32 : index
        %get3A_428 = tpu.vector_load %arg10[%get3A_426, %get3A_427] {strides = array<i32>} : memref<80x128xf32, #tpu.memory_space<vmem>>, vector<16xf32>,
        %mul3A_429 = arith.mulf %get3A_428, %gather3A_411 : vector<16xf32>
        %swap3A_430 = arith.index_cast %scan3A_410 : i32 to index
        %swap3A_431 = arith.constant 32 : index
        %swap3A_432 = tpu.vector_load %arg10[%swap3A_430, %swap3A_431] {strides = array<i32>} : memref<80x128xf32, #tpu.memory_space<vmem>>, vector<16xf32>,
        tpu.vector_store %arg10[%swap3A_430, %swap3A_431], %mul3A_429 {strides = array<i32>} : memref<80x128xf32, #tpu.memory_space<vmem>>, vector<16xf32>,
        %get3A_433 = arith.index_cast %scan3A_410 : i32 to index
        %get3A_434 = arith.constant 48 : index
        %get3A_435 = tpu.vector_load %arg10[%get3A_433, %get3A_434] {strides = array<i32>} : memref<80x128xf32, #tpu.memory_space<vmem>>, vector<16xf32>,
        %mul3A_436 = arith.mulf %get3A_435, %gather3A_411 : vector<16xf32>
        %swap3A_437 = arith.index_cast %scan3A_410 : i32 to index
        %swap3A_438 = arith.constant 48 : index
        %swap3A_439 = tpu.vector_load %arg10[%swap3A_437, %swap3A_438] {strides = array<i32>} : memref<80x128xf32, #tpu.memory_space<vmem>>, vector<16xf32>,
        tpu.vector_store %arg10[%swap3A_437, %swap3A_438], %mul3A_436 {strides = array<i32>} : memref<80x128xf32, #tpu.memory_space<vmem>>, vector<16xf32>,
        %get3A_440 = arith.index_cast %scan3A_410 : i32 to index
        %get3A_441 = arith.constant 64 : index
        %get3A_442 = tpu.vector_load %arg10[%get3A_440, %get3A_441] {strides = array<i32>} : memref<80x128xf32, #tpu.memory_space<vmem>>, vector<16xf32>,
        %mul3A_443 = arith.mulf %get3A_442, %gather3A_411 : vector<16xf32>
        %swap3A_444 = arith.index_cast %scan3A_410 : i32 to index
        %swap3A_445 = arith.constant 64 : index
        %swap3A_446 = tpu.vector_load %arg10[%swap3A_444, %swap3A_445] {strides = array<i32>} : memref<80x128xf32, #tpu.memory_space<vmem>>, vector<16xf32>,
        tpu.vector_store %arg10[%swap3A_444, %swap3A_445], %mul3A_443 {strides = array<i32>} : memref<80x128xf32, #tpu.memory_space<vmem>>, vector<16xf32>,
        %get3A_447 = arith.index_cast %scan3A_410 : i32 to index
        %get3A_448 = arith.constant 80 : index
        %get3A_449 = tpu.vector_load %arg10[%get3A_447, %get3A_448] {strides = array<i32>} : memref<80x128xf32, #tpu.memory_space<vmem>>, vector<16xf32>,
        %mul3A_450 = arith.mulf %get3A_449, %gather3A_411 : vector<16xf32>
        %swap3A_451 = arith.index_cast %scan3A_410 : i32 to index
        %swap3A_452 = arith.constant 80 : index
        %swap3A_453 = tpu.vector_load %arg10[%swap3A_451, %swap3A_452] {strides = array<i32>} : memref<80x128xf32, #tpu.memory_space<vmem>>, vector<16xf32>,
        tpu.vector_store %arg10[%swap3A_451, %swap3A_452], %mul3A_450 {strides = array<i32>} : memref<80x128xf32, #tpu.memory_space<vmem>>, vector<16xf32>,
        %get3A_454 = arith.index_cast %scan3A_410 : i32 to index
        %get3A_455 = arith.constant 96 : index
        %get3A_456 = tpu.vector_load %arg10[%get3A_454, %get3A_455] {strides = array<i32>} : memref<80x128xf32, #tpu.memory_space<vmem>>, vector<16xf32>,
        %mul3A_457 = arith.mulf %get3A_456, %gather3A_411 : vector<16xf32>
        %swap3A_458 = arith.index_cast %scan3A_410 : i32 to index
        %swap3A_459 = arith.constant 96 : index
        %swap3A_460 = tpu.vector_load %arg10[%swap3A_458, %swap3A_459] {strides = array<i32>} : memref<80x128xf32, #tpu.memory_space<vmem>>, vector<16xf32>,
        tpu.vector_store %arg10[%swap3A_458, %swap3A_459], %mul3A_457 {strides = array<i32>} : memref<80x128xf32, #tpu.memory_space<vmem>>, vector<16xf32>,
        %get3A_461 = arith.index_cast %scan3A_410 : i32 to index
        %get3A_462 = arith.constant 112 : index
        %get3A_463 = tpu.vector_load %arg10[%get3A_461, %get3A_462] {strides = array<i32>} : memref<80x128xf32, #tpu.memory_space<vmem>>, vector<16xf32>,
        %mul3A_464 = arith.mulf %get3A_463, %gather3A_411 : vector<16xf32>
        %swap3A_465 = arith.index_cast %scan3A_410 : i32 to index
        %swap3A_466 = arith.constant 112 : index
        %swap3A_467 = tpu.vector_load %arg10[%swap3A_465, %swap3A_466] {strides = array<i32>} : memref<80x128xf32, #tpu.memory_space<vmem>>, vector<16xf32>,
        tpu.vector_store %arg10[%swap3A_465, %swap3A_466], %mul3A_464 {strides = array<i32>} : memref<80x128xf32, #tpu.memory_space<vmem>>, vector<16xf32>,
        %add3A_468 = arith.addi %add3A_408, %broadcast_in_dim3A_43 : vector<16xi32>
        scf.yield %add3A_468 : vector<16xi32>
      }
      %scan3A_273 = arith.constant 80 : i32
      %dma_start3A_274 = arith.constant 48 : i32
      %dma_start3A_275 = arith.constant 0 : i32
      %dma_start3A_276 = tpu.memref_slice %arg8[%dma_start3A_274, %dma_start3A_275] : memref<50x80xi32, #tpu.memory_space<vmem>> -> memref<1x80xi32, #tpu.memory_space<vmem>>
      %dma_start3A_277 = tpu.memref_squeeze %dma_start3A_276 : memref<1x80xi32, #tpu.memory_space<vmem>> -> memref<80xi32, #tpu.memory_space<vmem>>
      %dma_start3A_278 = arith.constant 0 : i32
      %dma_start3A_279 = arith.constant 0 : i32
      %dma_start3A_280 = tpu.memref_slice %arg13[%dma_start3A_278, %dma_start3A_279] : memref<10240x128xf32, #tpu.memory_space<vmem_shared>> -> memref<10240x128xf32, #tpu.memory_space<vmem_shared>>
      tpu.enqueue_indirect_dma source(%arg10 : memref<80x128xf32, #tpu.memory_space<vmem>>) target(%dma_start3A_280 : memref<10240x128xf32, #tpu.memory_space<vmem_shared>>) offsets(%dma_start3A_277 : memref<80xi32, #tpu.memory_space<vmem>>) semaphore(%arg17 : memref<!tpu.dma_semaphore, #tpu.memory_space<semaphore_mem>>) {add = true}
      %dma_wait3A_281 = arith.constant 0 : i32
      %dma_wait3A_282 = arith.constant 0 : i32
      %dma_wait3A_283 = tpu.memref_slice %arg7[%dma_wait3A_281, %dma_wait3A_282] : memref<50x80xi32, #tpu.memory_space<vmem>> -> memref<1x80xi32, #tpu.memory_space<vmem>>
      %dma_wait3A_284 = tpu.memref_squeeze %dma_wait3A_283 : memref<1x80xi32, #tpu.memory_space<vmem>> -> memref<80xi32, #tpu.memory_space<vmem>>
      %dma_wait3A_285 = arith.constant 0 : i32
      %dma_wait3A_286 = arith.constant 0 : i32
      %dma_wait3A_287 = tpu.memref_slice %arg5[%dma_wait3A_285, %dma_wait3A_286] : memref<20000x128xf32, #tpu.memory_space<hbm>> -> memref<20000x128xf32, #tpu.memory_space<hbm>>
      tpu.wait_indirect_dma semaphore(%arg19 : memref<!tpu.dma_semaphore, #tpu.memory_space<semaphore_mem>>) src(%dma_wait3A_287 : memref<20000x128xf32, #tpu.memory_space<hbm>>) dst(%arg12 : memref<80x128xf32, #tpu.memory_space<vmem>>)
      %dma_wait3A_288 = arith.constant 0 : i32
      %dma_wait3A_289 = arith.constant 0 : i32
      %dma_wait3A_290 = tpu.memref_slice %arg7[%dma_wait3A_288, %dma_wait3A_289] : memref<50x80xi32, #tpu.memory_space<vmem>> -> memref<1x80xi32, #tpu.memory_space<vmem>>
      %dma_wait3A_291 = tpu.memref_squeeze %dma_wait3A_290 : memref<1x80xi32, #tpu.memory_space<vmem>> -> memref<80xi32, #tpu.memory_space<vmem>>
      %dma_wait3A_292 = arith.constant 0 : i32
      %dma_wait3A_293 = arith.constant 0 : i32
      %dma_wait3A_294 = tpu.memref_slice %arg5[%dma_wait3A_292, %dma_wait3A_293] : memref<20000x128xf32, #tpu.memory_space<hbm>> -> memref<20000x128xf32, #tpu.memory_space<hbm>>
      tpu.wait_indirect_dma semaphore(%arg15 : memref<!tpu.dma_semaphore, #tpu.memory_space<semaphore_mem>>) src(%dma_wait3A_294 : memref<20000x128xf32, #tpu.memory_space<hbm>>) dst(%arg11 : memref<80x128xf32, #tpu.memory_space<vmem>>)
      %broadcast_in_dim3A_295 = arith.constant 3920 : i32
      %broadcast_in_dim3A_296 = vector.broadcast %broadcast_in_dim3A_295 : i32 to vector<16xi32>
      %scan3A_297 = arith.constant 0 : i32
      %scan3A_298 = arith.constant 80 : i32
      %scan3A_299 = arith.addi %scan3A_297, %scan3A_298 : i32
      %scan3A_300 = arith.constant 2 : i32
      %scan3A_301 = scf.for %scan3A_352 = %scan3A_297 to %scan3A_299 step %scan3A_300 iter_args(%scan3A_353 = %broadcast_in_dim3A_296) -> (vector<16xi32>)  : i32 {
        %gather3A = tpu.vector_load_idx %arg9[%scan3A_353] : memref<4000xf32, #tpu.memory_space<vmem>>[vector<16xi32>], vector<16xf32>,
        %get3A = arith.index_cast %scan3A_352 : i32 to index
        %get3A_354 = arith.constant 0 : index
        %get3A_355 = tpu.vector_load %arg11[%get3A, %get3A_354] {strides = array<i32>} : memref<80x128xf32, #tpu.memory_space<vmem>>, vector<16xf32>,
        %mul3A_356 = arith.mulf %get3A_355, %gather3A : vector<16xf32>
        %swap3A = arith.index_cast %scan3A_352 : i32 to index
        %swap3A_357 = arith.constant 0 : index
        %swap3A_358 = tpu.vector_load %arg11[%swap3A, %swap3A_357] {strides = array<i32>} : memref<80x128xf32, #tpu.memory_space<vmem>>, vector<16xf32>,
        tpu.vector_store %arg11[%swap3A, %swap3A_357], %mul3A_356 {strides = array<i32>} : memref<80x128xf32, #tpu.memory_space<vmem>>, vector<16xf32>,
        %get3A_359 = arith.index_cast %scan3A_352 : i32 to index
        %get3A_360 = arith.constant 16 : index
        %get3A_361 = tpu.vector_load %arg11[%get3A_359, %get3A_360] {strides = array<i32>} : memref<80x128xf32, #tpu.memory_space<vmem>>, vector<16xf32>,
        %mul3A_362 = arith.mulf %get3A_361, %gather3A : vector<16xf32>
        %swap3A_363 = arith.index_cast %scan3A_352 : i32 to index
        %swap3A_364 = arith.constant 16 : index
        %swap3A_365 = tpu.vector_load %arg11[%swap3A_363, %swap3A_364] {strides = array<i32>} : memref<80x128xf32, #tpu.memory_space<vmem>>, vector<16xf32>,
        tpu.vector_store %arg11[%swap3A_363, %swap3A_364], %mul3A_362 {strides = array<i32>} : memref<80x128xf32, #tpu.memory_space<vmem>>, vector<16xf32>,
        %get3A_366 = arith.index_cast %scan3A_352 : i32 to index
        %get3A_367 = arith.constant 32 : index
        %get3A_368 = tpu.vector_load %arg11[%get3A_366, %get3A_367] {strides = array<i32>} : memref<80x128xf32, #tpu.memory_space<vmem>>, vector<16xf32>,
        %mul3A_369 = arith.mulf %get3A_368, %gather3A : vector<16xf32>
        %swap3A_370 = arith.index_cast %scan3A_352 : i32 to index
        %swap3A_371 = arith.constant 32 : index
        %swap3A_372 = tpu.vector_load %arg11[%swap3A_370, %swap3A_371] {strides = array<i32>} : memref<80x128xf32, #tpu.memory_space<vmem>>, vector<16xf32>,
        tpu.vector_store %arg11[%swap3A_370, %swap3A_371], %mul3A_369 {strides = array<i32>} : memref<80x128xf32, #tpu.memory_space<vmem>>, vector<16xf32>,
        %get3A_373 = arith.index_cast %scan3A_352 : i32 to index
        %get3A_374 = arith.constant 48 : index
        %get3A_375 = tpu.vector_load %arg11[%get3A_373, %get3A_374] {strides = array<i32>} : memref<80x128xf32, #tpu.memory_space<vmem>>, vector<16xf32>,
        %mul3A_376 = arith.mulf %get3A_375, %gather3A : vector<16xf32>
        %swap3A_377 = arith.index_cast %scan3A_352 : i32 to index
        %swap3A_378 = arith.constant 48 : index
        %swap3A_379 = tpu.vector_load %arg11[%swap3A_377, %swap3A_378] {strides = array<i32>} : memref<80x128xf32, #tpu.memory_space<vmem>>, vector<16xf32>,
        tpu.vector_store %arg11[%swap3A_377, %swap3A_378], %mul3A_376 {strides = array<i32>} : memref<80x128xf32, #tpu.memory_space<vmem>>, vector<16xf32>,
        %get3A_380 = arith.index_cast %scan3A_352 : i32 to index
        %get3A_381 = arith.constant 64 : index
        %get3A_382 = tpu.vector_load %arg11[%get3A_380, %get3A_381] {strides = array<i32>} : memref<80x128xf32, #tpu.memory_space<vmem>>, vector<16xf32>,
        %mul3A_383 = arith.mulf %get3A_382, %gather3A : vector<16xf32>
        %swap3A_384 = arith.index_cast %scan3A_352 : i32 to index
        %swap3A_385 = arith.constant 64 : index
        %swap3A_386 = tpu.vector_load %arg11[%swap3A_384, %swap3A_385] {strides = array<i32>} : memref<80x128xf32, #tpu.memory_space<vmem>>, vector<16xf32>,
        tpu.vector_store %arg11[%swap3A_384, %swap3A_385], %mul3A_383 {strides = array<i32>} : memref<80x128xf32, #tpu.memory_space<vmem>>, vector<16xf32>,
        %get3A_387 = arith.index_cast %scan3A_352 : i32 to index
        %get3A_388 = arith.constant 80 : index
        %get3A_389 = tpu.vector_load %arg11[%get3A_387, %get3A_388] {strides = array<i32>} : memref<80x128xf32, #tpu.memory_space<vmem>>, vector<16xf32>,
        %mul3A_390 = arith.mulf %get3A_389, %gather3A : vector<16xf32>
        %swap3A_391 = arith.index_cast %scan3A_352 : i32 to index
        %swap3A_392 = arith.constant 80 : index
        %swap3A_393 = tpu.vector_load %arg11[%swap3A_391, %swap3A_392] {strides = array<i32>} : memref<80x128xf32, #tpu.memory_space<vmem>>, vector<16xf32>,
        tpu.vector_store %arg11[%swap3A_391, %swap3A_392], %mul3A_390 {strides = array<i32>} : memref<80x128xf32, #tpu.memory_space<vmem>>, vector<16xf32>,
        %get3A_394 = arith.index_cast %scan3A_352 : i32 to index
        %get3A_395 = arith.constant 96 : index
        %get3A_396 = tpu.vector_load %arg11[%get3A_394, %get3A_395] {strides = array<i32>} : memref<80x128xf32, #tpu.memory_space<vmem>>, vector<16xf32>,
        %mul3A_397 = arith.mulf %get3A_396, %gather3A : vector<16xf32>
        %swap3A_398 = arith.index_cast %scan3A_352 : i32 to index
        %swap3A_399 = arith.constant 96 : index
        %swap3A_400 = tpu.vector_load %arg11[%swap3A_398, %swap3A_399] {strides = array<i32>} : memref<80x128xf32, #tpu.memory_space<vmem>>, vector<16xf32>,
        tpu.vector_store %arg11[%swap3A_398, %swap3A_399], %mul3A_397 {strides = array<i32>} : memref<80x128xf32, #tpu.memory_space<vmem>>, vector<16xf32>,
        %get3A_401 = arith.index_cast %scan3A_352 : i32 to index
        %get3A_402 = arith.constant 112 : index
        %get3A_403 = tpu.vector_load %arg11[%get3A_401, %get3A_402] {strides = array<i32>} : memref<80x128xf32, #tpu.memory_space<vmem>>, vector<16xf32>,
        %mul3A_404 = arith.mulf %get3A_403, %gather3A : vector<16xf32>
        %swap3A_405 = arith.index_cast %scan3A_352 : i32 to index
        %swap3A_406 = arith.constant 112 : index
        %swap3A_407 = tpu.vector_load %arg11[%swap3A_405, %swap3A_406] {strides = array<i32>} : memref<80x128xf32, #tpu.memory_space<vmem>>, vector<16xf32>,
        tpu.vector_store %arg11[%swap3A_405, %swap3A_406], %mul3A_404 {strides = array<i32>} : memref<80x128xf32, #tpu.memory_space<vmem>>, vector<16xf32>,
        %add3A_408 = arith.addi %scan3A_353, %broadcast_in_dim3A_43 : vector<16xi32>
        %scan3A_409 = arith.constant 1 : i32
        %scan3A_410 = arith.addi %scan3A_352, %scan3A_409 : i32
        %gather3A_411 = tpu.vector_load_idx %arg9[%add3A_408] : memref<4000xf32, #tpu.memory_space<vmem>>[vector<16xi32>], vector<16xf32>,
        %get3A_412 = arith.index_cast %scan3A_410 : i32 to index
        %get3A_413 = arith.constant 0 : index
        %get3A_414 = tpu.vector_load %arg11[%get3A_412, %get3A_413] {strides = array<i32>} : memref<80x128xf32, #tpu.memory_space<vmem>>, vector<16xf32>,
        %mul3A_415 = arith.mulf %get3A_414, %gather3A_411 : vector<16xf32>
        %swap3A_416 = arith.index_cast %scan3A_410 : i32 to index
        %swap3A_417 = arith.constant 0 : index
        %swap3A_418 = tpu.vector_load %arg11[%swap3A_416, %swap3A_417] {strides = array<i32>} : memref<80x128xf32, #tpu.memory_space<vmem>>, vector<16xf32>,
        tpu.vector_store %arg11[%swap3A_416, %swap3A_417], %mul3A_415 {strides = array<i32>} : memref<80x128xf32, #tpu.memory_space<vmem>>, vector<16xf32>,
        %get3A_419 = arith.index_cast %scan3A_410 : i32 to index
        %get3A_420 = arith.constant 16 : index
        %get3A_421 = tpu.vector_load %arg11[%get3A_419, %get3A_420] {strides = array<i32>} : memref<80x128xf32, #tpu.memory_space<vmem>>, vector<16xf32>,
        %mul3A_422 = arith.mulf %get3A_421, %gather3A_411 : vector<16xf32>
        %swap3A_423 = arith.index_cast %scan3A_410 : i32 to index
        %swap3A_424 = arith.constant 16 : index
        %swap3A_425 = tpu.vector_load %arg11[%swap3A_423, %swap3A_424] {strides = array<i32>} : memref<80x128xf32, #tpu.memory_space<vmem>>, vector<16xf32>,
        tpu.vector_store %arg11[%swap3A_423, %swap3A_424], %mul3A_422 {strides = array<i32>} : memref<80x128xf32, #tpu.memory_space<vmem>>, vector<16xf32>,
        %get3A_426 = arith.index_cast %scan3A_410 : i32 to index
        %get3A_427 = arith.constant 32 : index
        %get3A_428 = tpu.vector_load %arg11[%get3A_426, %get3A_427] {strides = array<i32>} : memref<80x128xf32, #tpu.memory_space<vmem>>, vector<16xf32>,
        %mul3A_429 = arith.mulf %get3A_428, %gather3A_411 : vector<16xf32>
        %swap3A_430 = arith.index_cast %scan3A_410 : i32 to index
        %swap3A_431 = arith.constant 32 : index
        %swap3A_432 = tpu.vector_load %arg11[%swap3A_430, %swap3A_431] {strides = array<i32>} : memref<80x128xf32, #tpu.memory_space<vmem>>, vector<16xf32>,
        tpu.vector_store %arg11[%swap3A_430, %swap3A_431], %mul3A_429 {strides = array<i32>} : memref<80x128xf32, #tpu.memory_space<vmem>>, vector<16xf32>,
        %get3A_433 = arith.index_cast %scan3A_410 : i32 to index
        %get3A_434 = arith.constant 48 : index
        %get3A_435 = tpu.vector_load %arg11[%get3A_433, %get3A_434] {strides = array<i32>} : memref<80x128xf32, #tpu.memory_space<vmem>>, vector<16xf32>,
        %mul3A_436 = arith.mulf %get3A_435, %gather3A_411 : vector<16xf32>
        %swap3A_437 = arith.index_cast %scan3A_410 : i32 to index
        %swap3A_438 = arith.constant 48 : index
        %swap3A_439 = tpu.vector_load %arg11[%swap3A_437, %swap3A_438] {strides = array<i32>} : memref<80x128xf32, #tpu.memory_space<vmem>>, vector<16xf32>,
        tpu.vector_store %arg11[%swap3A_437, %swap3A_438], %mul3A_436 {strides = array<i32>} : memref<80x128xf32, #tpu.memory_space<vmem>>, vector<16xf32>,
        %get3A_440 = arith.index_cast %scan3A_410 : i32 to index
        %get3A_441 = arith.constant 64 : index
        %get3A_442 = tpu.vector_load %arg11[%get3A_440, %get3A_441] {strides = array<i32>} : memref<80x128xf32, #tpu.memory_space<vmem>>, vector<16xf32>,
        %mul3A_443 = arith.mulf %get3A_442, %gather3A_411 : vector<16xf32>
        %swap3A_444 = arith.index_cast %scan3A_410 : i32 to index
        %swap3A_445 = arith.constant 64 : index
        %swap3A_446 = tpu.vector_load %arg11[%swap3A_444, %swap3A_445] {strides = array<i32>} : memref<80x128xf32, #tpu.memory_space<vmem>>, vector<16xf32>,
        tpu.vector_store %arg11[%swap3A_444, %swap3A_445], %mul3A_443 {strides = array<i32>} : memref<80x128xf32, #tpu.memory_space<vmem>>, vector<16xf32>,
        %get3A_447 = arith.index_cast %scan3A_410 : i32 to index
        %get3A_448 = arith.constant 80 : index
        %get3A_449 = tpu.vector_load %arg11[%get3A_447, %get3A_448] {strides = array<i32>} : memref<80x128xf32, #tpu.memory_space<vmem>>, vector<16xf32>,
        %mul3A_450 = arith.mulf %get3A_449, %gather3A_411 : vector<16xf32>
        %swap3A_451 = arith.index_cast %scan3A_410 : i32 to index
        %swap3A_452 = arith.constant 80 : index
        %swap3A_453 = tpu.vector_load %arg11[%swap3A_451, %swap3A_452] {strides = array<i32>} : memref<80x128xf32, #tpu.memory_space<vmem>>, vector<16xf32>,
        tpu.vector_store %arg11[%swap3A_451, %swap3A_452], %mul3A_450 {strides = array<i32>} : memref<80x128xf32, #tpu.memory_space<vmem>>, vector<16xf32>,
        %get3A_454 = arith.index_cast %scan3A_410 : i32 to index
        %get3A_455 = arith.constant 96 : index
        %get3A_456 = tpu.vector_load %arg11[%get3A_454, %get3A_455] {strides = array<i32>} : memref<80x128xf32, #tpu.memory_space<vmem>>, vector<16xf32>,
        %mul3A_457 = arith.mulf %get3A_456, %gather3A_411 : vector<16xf32>
        %swap3A_458 = arith.index_cast %scan3A_410 : i32 to index
        %swap3A_459 = arith.constant 96 : index
        %swap3A_460 = tpu.vector_load %arg11[%swap3A_458, %swap3A_459] {strides = array<i32>} : memref<80x128xf32, #tpu.memory_space<vmem>>, vector<16xf32>,
        tpu.vector_store %arg11[%swap3A_458, %swap3A_459], %mul3A_457 {strides = array<i32>} : memref<80x128xf32, #tpu.memory_space<vmem>>, vector<16xf32>,
        %get3A_461 = arith.index_cast %scan3A_410 : i32 to index
        %get3A_462 = arith.constant 112 : index
        %get3A_463 = tpu.vector_load %arg11[%get3A_461, %get3A_462] {strides = array<i32>} : memref<80x128xf32, #tpu.memory_space<vmem>>, vector<16xf32>,
        %mul3A_464 = arith.mulf %get3A_463, %gather3A_411 : vector<16xf32>
        %swap3A_465 = arith.index_cast %scan3A_410 : i32 to index
        %swap3A_466 = arith.constant 112 : index
        %swap3A_467 = tpu.vector_load %arg11[%swap3A_465, %swap3A_466] {strides = array<i32>} : memref<80x128xf32, #tpu.memory_space<vmem>>, vector<16xf32>,
        tpu.vector_store %arg11[%swap3A_465, %swap3A_466], %mul3A_464 {strides = array<i32>} : memref<80x128xf32, #tpu.memory_space<vmem>>, vector<16xf32>,
        %add3A_468 = arith.addi %add3A_408, %broadcast_in_dim3A_43 : vector<16xi32>
        scf.yield %add3A_468 : vector<16xi32>
      }
      %scan3A_302 = arith.constant 80 : i32
      %dma_start3A_303 = arith.constant 49 : i32
      %dma_start3A_304 = arith.constant 0 : i32
      %dma_start3A_305 = tpu.memref_slice %arg8[%dma_start3A_303, %dma_start3A_304] : memref<50x80xi32, #tpu.memory_space<vmem>> -> memref<1x80xi32, #tpu.memory_space<vmem>>
      %dma_start3A_306 = tpu.memref_squeeze %dma_start3A_305 : memref<1x80xi32, #tpu.memory_space<vmem>> -> memref<80xi32, #tpu.memory_space<vmem>>
      %dma_start3A_307 = arith.constant 0 : i32
      %dma_start3A_308 = arith.constant 0 : i32
      %dma_start3A_309 = tpu.memref_slice %arg13[%dma_start3A_307, %dma_start3A_308] : memref<10240x128xf32, #tpu.memory_space<vmem_shared>> -> memref<10240x128xf32, #tpu.memory_space<vmem_shared>>
      tpu.enqueue_indirect_dma source(%arg11 : memref<80x128xf32, #tpu.memory_space<vmem>>) target(%dma_start3A_309 : memref<10240x128xf32, #tpu.memory_space<vmem_shared>>) offsets(%dma_start3A_306 : memref<80xi32, #tpu.memory_space<vmem>>) semaphore(%arg18 : memref<!tpu.dma_semaphore, #tpu.memory_space<semaphore_mem>>) {add = true}
      %dma_wait3A_310 = arith.constant 0 : i32
      %dma_wait3A_311 = arith.constant 0 : i32
      %dma_wait3A_312 = tpu.memref_slice %arg7[%dma_wait3A_310, %dma_wait3A_311] : memref<50x80xi32, #tpu.memory_space<vmem>> -> memref<1x80xi32, #tpu.memory_space<vmem>>
      %dma_wait3A_313 = tpu.memref_squeeze %dma_wait3A_312 : memref<1x80xi32, #tpu.memory_space<vmem>> -> memref<80xi32, #tpu.memory_space<vmem>>
      %dma_wait3A_314 = arith.constant 0 : i32
      %dma_wait3A_315 = arith.constant 0 : i32
      %dma_wait3A_316 = tpu.memref_slice %arg5[%dma_wait3A_314, %dma_wait3A_315] : memref<20000x128xf32, #tpu.memory_space<hbm>> -> memref<20000x128xf32, #tpu.memory_space<hbm>>
      tpu.wait_indirect_dma semaphore(%arg17 : memref<!tpu.dma_semaphore, #tpu.memory_space<semaphore_mem>>) src(%dma_wait3A_316 : memref<20000x128xf32, #tpu.memory_space<hbm>>) dst(%arg10 : memref<80x128xf32, #tpu.memory_space<vmem>>)
      %dma_wait3A_317 = arith.constant 0 : i32
      %dma_wait3A_318 = arith.constant 0 : i32
      %dma_wait3A_319 = tpu.memref_slice %arg7[%dma_wait3A_317, %dma_wait3A_318] : memref<50x80xi32, #tpu.memory_space<vmem>> -> memref<1x80xi32, #tpu.memory_space<vmem>>
      %dma_wait3A_320 = tpu.memref_squeeze %dma_wait3A_319 : memref<1x80xi32, #tpu.memory_space<vmem>> -> memref<80xi32, #tpu.memory_space<vmem>>
      %dma_wait3A_321 = arith.constant 0 : i32
      %dma_wait3A_322 = arith.constant 0 : i32
      %dma_wait3A_323 = tpu.memref_slice %arg5[%dma_wait3A_321, %dma_wait3A_322] : memref<20000x128xf32, #tpu.memory_space<hbm>> -> memref<20000x128xf32, #tpu.memory_space<hbm>>
      tpu.wait_indirect_dma semaphore(%arg18 : memref<!tpu.dma_semaphore, #tpu.memory_space<semaphore_mem>>) src(%dma_wait3A_323 : memref<20000x128xf32, #tpu.memory_space<hbm>>) dst(%arg11 : memref<80x128xf32, #tpu.memory_space<vmem>>)
      %add3A_324 = arith.constant 1 : i32
      %add3A_325 = arith.addi %scan3A_106, %add3A_324 : i32
      %dma_start3A_326 = arith.constant 0 : i32
      %dma_start3A_327 = arith.constant 0 : i32
      %dma_start3A_328 = tpu.memref_slice %arg2[%arg1, %add3A_325, %dma_start3A_326, %dma_start3A_327] : memref<16x6x50x80xi32, #tpu.memory_space<hbm>> -> memref<1x1x50x80xi32, #tpu.memory_space<hbm>>
      %dma_start3A_329 = tpu.memref_squeeze %dma_start3A_328 : memref<1x1x50x80xi32, #tpu.memory_space<hbm>> -> memref<50x80xi32, #tpu.memory_space<hbm>>
      %dma_start3A_330 = arith.constant 0 : i32
      %dma_start3A_331 = arith.constant 0 : i32
      %dma_start3A_332 = tpu.memref_slice %arg2[%arg1, %add3A_325, %dma_start3A_330, %dma_start3A_331] : memref<16x6x50x80xi32, #tpu.memory_space<hbm>> -> memref<1x1x50x80xi32, #tpu.memory_space<hbm>>
      %dma_start3A_333 = tpu.memref_squeeze %dma_start3A_332 : memref<1x1x50x80xi32, #tpu.memory_space<hbm>> -> memref<50x80xi32, #tpu.memory_space<hbm>>
      tpu.enqueue_dma source(%dma_start3A_333 : memref<50x80xi32, #tpu.memory_space<hbm>>) target(%arg7 : memref<50x80xi32, #tpu.memory_space<vmem>>) target_semaphore(%arg20 : memref<!tpu.dma_semaphore, #tpu.memory_space<semaphore_mem>>)
      %add3A_334 = arith.constant 1 : i32
      %add3A_335 = arith.addi %scan3A_106, %add3A_334 : i32
      %dma_start3A_336 = arith.constant 0 : i32
      %dma_start3A_337 = arith.constant 0 : i32
      %dma_start3A_338 = tpu.memref_slice %arg3[%arg1, %add3A_335, %dma_start3A_336, %dma_start3A_337] : memref<16x6x50x80xi32, #tpu.memory_space<hbm>> -> memref<1x1x50x80xi32, #tpu.memory_space<hbm>>
      %dma_start3A_339 = tpu.memref_squeeze %dma_start3A_338 : memref<1x1x50x80xi32, #tpu.memory_space<hbm>> -> memref<50x80xi32, #tpu.memory_space<hbm>>
      %dma_start3A_340 = arith.constant 0 : i32
      %dma_start3A_341 = arith.constant 0 : i32
      %dma_start3A_342 = tpu.memref_slice %arg3[%arg1, %add3A_335, %dma_start3A_340, %dma_start3A_341] : memref<16x6x50x80xi32, #tpu.memory_space<hbm>> -> memref<1x1x50x80xi32, #tpu.memory_space<hbm>>
      %dma_start3A_343 = tpu.memref_squeeze %dma_start3A_342 : memref<1x1x50x80xi32, #tpu.memory_space<hbm>> -> memref<50x80xi32, #tpu.memory_space<hbm>>
      tpu.enqueue_dma source(%dma_start3A_343 : memref<50x80xi32, #tpu.memory_space<hbm>>) target(%arg8 : memref<50x80xi32, #tpu.memory_space<vmem>>) target_semaphore(%arg21 : memref<!tpu.dma_semaphore, #tpu.memory_space<semaphore_mem>>)
      %add3A_344 = arith.constant 1 : i32
      %add3A_345 = arith.addi %scan3A_106, %add3A_344 : i32
      %dma_start3A_346 = arith.constant 0 : i32
      %dma_start3A_347 = tpu.memref_slice %arg4[%arg1, %add3A_345, %dma_start3A_346] : memref<16x6x4000xf32, #tpu.memory_space<hbm>> -> memref<1x1x4000xf32, #tpu.memory_space<hbm>>
      %dma_start3A_348 = tpu.memref_squeeze %dma_start3A_347 : memref<1x1x4000xf32, #tpu.memory_space<hbm>> -> memref<4000xf32, #tpu.memory_space<hbm>>
      %dma_start3A_349 = arith.constant 0 : i32
      %dma_start3A_350 = tpu.memref_slice %arg4[%arg1, %add3A_345, %dma_start3A_349] : memref<16x6x4000xf32, #tpu.memory_space<hbm>> -> memref<1x1x4000xf32, #tpu.memory_space<hbm>>
      %dma_start3A_351 = tpu.memref_squeeze %dma_start3A_350 : memref<1x1x4000xf32, #tpu.memory_space<hbm>> -> memref<4000xf32, #tpu.memory_space<hbm>>
      tpu.enqueue_dma source(%dma_start3A_351 : memref<4000xf32, #tpu.memory_space<hbm>>) target(%arg9 : memref<4000xf32, #tpu.memory_space<vmem>>) target_semaphore(%arg22 : memref<!tpu.dma_semaphore, #tpu.memory_space<semaphore_mem>>)
    }
    %scan3A_73 = arith.constant 5 : i32
    %dma_wait3A = arith.constant 0 : i32
    %dma_wait3A_74 = arith.constant 0 : i32
    %dma_wait3A_75 = arith.constant 0 : i32
    %dma_wait3A_76 = tpu.memref_slice %arg2[%arg1, %dma_wait3A, %dma_wait3A_74, %dma_wait3A_75] : memref<16x6x50x80xi32, #tpu.memory_space<hbm>> -> memref<1x1x50x80xi32, #tpu.memory_space<hbm>>
    %dma_wait3A_77 = tpu.memref_squeeze %dma_wait3A_76 : memref<1x1x50x80xi32, #tpu.memory_space<hbm>> -> memref<50x80xi32, #tpu.memory_space<hbm>>
    %dma_wait3A_78 = arith.constant 0 : i32
    %dma_wait3A_79 = arith.constant 0 : i32
    %dma_wait3A_80 = tpu.memref_slice %arg2[%arg1, %dma_wait3A, %dma_wait3A_78, %dma_wait3A_79] : memref<16x6x50x80xi32, #tpu.memory_space<hbm>> -> memref<1x1x50x80xi32, #tpu.memory_space<hbm>>
    %dma_wait3A_81 = tpu.memref_squeeze %dma_wait3A_80 : memref<1x1x50x80xi32, #tpu.memory_space<hbm>> -> memref<50x80xi32, #tpu.memory_space<hbm>>
    tpu.wait_dma2 semaphore(%arg20 : memref<!tpu.dma_semaphore, #tpu.memory_space<semaphore_mem>>) src(%dma_wait3A_81 : memref<50x80xi32, #tpu.memory_space<hbm>>) dst(%arg7 : memref<50x80xi32, #tpu.memory_space<vmem>>)
    %dma_wait3A_82 = arith.constant 0 : i32
    %dma_wait3A_83 = arith.constant 0 : i32
    %dma_wait3A_84 = arith.constant 0 : i32
    %dma_wait3A_85 = tpu.memref_slice %arg3[%arg1, %dma_wait3A_82, %dma_wait3A_83, %dma_wait3A_84] : memref<16x6x50x80xi32, #tpu.memory_space<hbm>> -> memref<1x1x50x80xi32, #tpu.memory_space<hbm>>
    %dma_wait3A_86 = tpu.memref_squeeze %dma_wait3A_85 : memref<1x1x50x80xi32, #tpu.memory_space<hbm>> -> memref<50x80xi32, #tpu.memory_space<hbm>>
    %dma_wait3A_87 = arith.constant 0 : i32
    %dma_wait3A_88 = arith.constant 0 : i32
    %dma_wait3A_89 = tpu.memref_slice %arg3[%arg1, %dma_wait3A_82, %dma_wait3A_87, %dma_wait3A_88] : memref<16x6x50x80xi32, #tpu.memory_space<hbm>> -> memref<1x1x50x80xi32, #tpu.memory_space<hbm>>
    %dma_wait3A_90 = tpu.memref_squeeze %dma_wait3A_89 : memref<1x1x50x80xi32, #tpu.memory_space<hbm>> -> memref<50x80xi32, #tpu.memory_space<hbm>>
    tpu.wait_dma2 semaphore(%arg21 : memref<!tpu.dma_semaphore, #tpu.memory_space<semaphore_mem>>) src(%dma_wait3A_90 : memref<50x80xi32, #tpu.memory_space<hbm>>) dst(%arg8 : memref<50x80xi32, #tpu.memory_space<vmem>>)
    %dma_wait3A_91 = arith.constant 0 : i32
    %dma_wait3A_92 = arith.constant 0 : i32
    %dma_wait3A_93 = tpu.memref_slice %arg4[%arg1, %dma_wait3A_91, %dma_wait3A_92] : memref<16x6x4000xf32, #tpu.memory_space<hbm>> -> memref<1x1x4000xf32, #tpu.memory_space<hbm>>
    %dma_wait3A_94 = tpu.memref_squeeze %dma_wait3A_93 : memref<1x1x4000xf32, #tpu.memory_space<hbm>> -> memref<4000xf32, #tpu.memory_space<hbm>>
    %dma_wait3A_95 = arith.constant 0 : i32
    %dma_wait3A_96 = tpu.memref_slice %arg4[%arg1, %dma_wait3A_91, %dma_wait3A_95] : memref<16x6x4000xf32, #tpu.memory_space<hbm>> -> memref<1x1x4000xf32, #tpu.memory_space<hbm>>
    %dma_wait3A_97 = tpu.memref_squeeze %dma_wait3A_96 : memref<1x1x4000xf32, #tpu.memory_space<hbm>> -> memref<4000xf32, #tpu.memory_space<hbm>>
    tpu.wait_dma2 semaphore(%arg22 : memref<!tpu.dma_semaphore, #tpu.memory_space<semaphore_mem>>) src(%dma_wait3A_97 : memref<4000xf32, #tpu.memory_space<hbm>>) dst(%arg9 : memref<4000xf32, #tpu.memory_space<vmem>>)
    %barrier3A_98 = arith.constant 0 : index
    tpu.barrier barrier_id(%barrier3A_98)
    %mul3A_99 = arith.constant 640 : i32
    %mul3A_100 = arith.muli %arg1, %mul3A_99 : i32
    %mul3A_101 = arith.constant 10240 : i32
    %mul3A_102 = arith.muli %arg0, %mul3A_101 : i32
    %mul3A_103 = arith.constant 640 : i32
    %mul3A_104 = arith.muli %arg1, %mul3A_103 : i32
    %add3A_105 = arith.addi %mul3A_102, %mul3A_104 : i32
    "tpu.region"() ({
      %run_scoped3A = tpu.sem_alloc : memref<!tpu.dma_semaphore, #tpu.memory_space<semaphore_mem>>
      %dma_start3A_106 = arith.constant 0 : i32
      %dma_start3A_107 = tpu.memref_slice %arg6[%add3A_105, %dma_start3A_106] : memref<20480x128xf32, #tpu.memory_space<hbm>> -> memref<640x128xf32, #tpu.memory_space<hbm>>
      %dma_start3A_108 = arith.constant 0 : i32
      %dma_start3A_109 = tpu.memref_slice %arg13[%mul3A_100, %dma_start3A_108] : memref<10240x128xf32, #tpu.memory_space<vmem_shared>> -> memref<640x128xf32, #tpu.memory_space<vmem_shared>>
      tpu.enqueue_dma source(%dma_start3A_109 : memref<640x128xf32, #tpu.memory_space<vmem_shared>>) target(%dma_start3A_107 : memref<640x128xf32, #tpu.memory_space<hbm>>) target_semaphore(%run_scoped3A : memref<!tpu.dma_semaphore, #tpu.memory_space<semaphore_mem>>)
      %dma_wait3A_110 = arith.constant 0 : i32
      %dma_wait3A_111 = tpu.memref_slice %arg6[%add3A_105, %dma_wait3A_110] : memref<20480x128xf32, #tpu.memory_space<hbm>> -> memref<640x128xf32, #tpu.memory_space<hbm>>
      %dma_wait3A_112 = arith.constant 0 : i32
      %dma_wait3A_113 = tpu.memref_slice %arg13[%mul3A_100, %dma_wait3A_112] : memref<10240x128xf32, #tpu.memory_space<vmem_shared>> -> memref<640x128xf32, #tpu.memory_space<vmem_shared>>
      tpu.wait_dma2 semaphore(%run_scoped3A : memref<!tpu.dma_semaphore, #tpu.memory_space<semaphore_mem>>) src(%dma_wait3A_113 : memref<640x128xf32, #tpu.memory_space<vmem_shared>>) dst(%dma_wait3A_111 : memref<640x128xf32, #tpu.memory_space<hbm>>)
      tpu.yield
    }) : () -> ()
    return
  }
}

module attributes {stable_mosaic.version = 14 : i64} {
  func.func @_dis_body(%arg0: memref<32x10240xf32, #tpu.memory_space<vmem>>, %arg1: memref<1x10240xf32, #tpu.memory_space<vmem>>) attributes {dimension_semantics = [], scalar_prefetch = 0 : i64, scratch_operands = 0 : i64, tpu.core_type = #tpu.core_type<tc>} {
    %get3A = arith.constant 0 : index
    %get3A_0 = arith.constant 0 : index
    %get3A_1 = vector.load %arg0[%get3A, %get3A_0] : memref<32x10240xf32, #tpu.memory_space<vmem>>, vector<32x10240xf32>
    %reduce_sum3A = arith.constant dense<0.000000e+00> : vector<10240xf32>
    %reduce_sum3A_2 = vector.multi_reduction <add>, %get3A_1, %reduce_sum3A [0] : vector<32x10240xf32> to vector<10240xf32>
    %broadcast_in_dim3A = vector.shape_cast %reduce_sum3A_2 : vector<10240xf32> to vector<1x10240xf32>
    %gt3A = arith.constant 0.000000e+00 : f32
    %gt3A_3 = vector.broadcast %gt3A : f32 to vector<1x10240xf32>
    %gt3A_4 = arith.cmpf ogt, %broadcast_in_dim3A, %gt3A_3 : vector<1x10240xf32>
    %jit3A = arith.constant 1.000000e+00 : f32
    %broadcast_in_dim3A_5 = vector.broadcast %jit3A : f32 to vector<1x10240xf32>
    %select_n3A = arith.select %gt3A_4, %broadcast_in_dim3A, %broadcast_in_dim3A_5 : vector<1x10240xi1>, vector<1x10240xf32>
    %gt3A_6 = arith.constant 0.000000e+00 : f32
    %gt3A_7 = vector.broadcast %gt3A_6 : f32 to vector<1x10240xf32>
    %gt3A_8 = arith.cmpf ogt, %broadcast_in_dim3A, %gt3A_7 : vector<1x10240xf32>
    %rsqrt3A = math.rsqrt %select_n3A : vector<1x10240xf32>
    %jit3A_9 = arith.constant 0.000000e+00 : f32
    %broadcast_in_dim3A_10 = vector.broadcast %jit3A_9 : f32 to vector<1x10240xf32>
    %select_n3A_11 = arith.select %gt3A_8, %rsqrt3A, %broadcast_in_dim3A_10 : vector<1x10240xi1>, vector<1x10240xf32>
    %swap3A = arith.constant 0 : index
    %swap3A_12 = arith.constant 0 : index
    %swap3A_13 = vector.load %arg1[%swap3A, %swap3A_12] : memref<1x10240xf32, #tpu.memory_space<vmem>>, vector<1x10240xf32>
    tpu.vector_store %arg1[%swap3A, %swap3A_12], %select_n3A_11 {strides = array<i32>} : memref<1x10240xf32, #tpu.memory_space<vmem>>, vector<1x10240xf32>,
    return
  }
}

module attributes {stable_mosaic.version = 14 : i64} {
  func.func @_scale_body(%arg0: i32, %arg1: i32, %arg2: memref<1000x128xf32, #tpu.memory_space<vmem>>, %arg3: memref<1000x128xf32, #tpu.memory_space<vmem>>, %arg4: memref<1000x1xf32, #tpu.memory_space<vmem>>, %arg5: memref<1x1000x128xf32, #tpu.memory_space<vmem>>) attributes {dimension_semantics = [#tpu.dimension_semantics<arbitrary>, #tpu.dimension_semantics<arbitrary>], iteration_bounds = array<i64: 2, 10>, scalar_prefetch = 0 : i64, scratch_operands = 0 : i64, tpu.core_type = #tpu.core_type<tc>, window_params = [{transform_indices = @transform_0, window_bounds = array<i64: 1000, 128>}, {transform_indices = @transform_1, window_bounds = array<i64: 1000, 128>}, {transform_indices = @transform_2, window_bounds = array<i64: 1000, 1>}, {transform_indices = @transform_3, window_bounds = array<i64: 1, 1000, 128>}]} {
    %get3A = arith.constant 0 : index
    %get3A_0 = arith.constant 0 : index
    %get3A_1 = vector.load %arg4[%get3A, %get3A_0] : memref<1000x1xf32, #tpu.memory_space<vmem>>, vector<1000x1xf32>
    %eq3A = arith.constant 0 : i32
    %eq3A_2 = arith.cmpi eq, %arg0, %eq3A : i32
    %get3A_3 = arith.constant 0 : index
    %get3A_4 = arith.constant 0 : index
    %get3A_5 = vector.load %arg2[%get3A_3, %get3A_4] : memref<1000x128xf32, #tpu.memory_space<vmem>>, vector<1000x128xf32>
    %mul3A = vector.broadcast %get3A_1 : vector<1000x1xf32> to vector<1000x128xf32>
    %mul3A_6 = arith.mulf %mul3A, %get3A_5 : vector<1000x128xf32>
    %get3A_7 = arith.constant 0 : index
    %get3A_8 = arith.constant 0 : index
    %get3A_9 = vector.load %arg3[%get3A_7, %get3A_8] : memref<1000x128xf32, #tpu.memory_space<vmem>>, vector<1000x128xf32>
    %mul3A_10 = vector.broadcast %get3A_1 : vector<1000x1xf32> to vector<1000x128xf32>
    %mul3A_11 = arith.mulf %mul3A_10, %get3A_9 : vector<1000x128xf32>
    %select_n3A = arith.select %eq3A_2, %mul3A_6, %mul3A_11 : vector<1000x128xf32>
    %broadcast_in_dim3A = vector.shape_cast %select_n3A : vector<1000x128xf32> to vector<1x1000x128xf32>
    %swap3A = arith.constant 0 : index
    %swap3A_12 = arith.constant 0 : index
    %swap3A_13 = arith.constant 0 : index
    %swap3A_14 = vector.load %arg5[%swap3A, %swap3A_12, %swap3A_13] : memref<1x1000x128xf32, #tpu.memory_space<vmem>>, vector<1x1000x128xf32>
    tpu.vector_store %arg5[%swap3A, %swap3A_12, %swap3A_13], %broadcast_in_dim3A {strides = array<i32>} : memref<1x1000x128xf32, #tpu.memory_space<vmem>>, vector<1x1000x128xf32>,
    return
  }
  func.func @transform_0(%arg0: i32, %arg1: i32) -> (i32, i32) {
    %c0_i32 = arith.constant 0 : i32
    %c0_i32_0 = arith.constant 0 : i32
    return %arg1, %c0_i32 : i32, i32
  }
  func.func @transform_1(%arg0: i32, %arg1: i32) -> (i32, i32) {
    %c0_i32 = arith.constant 0 : i32
    %c0_i32_0 = arith.constant 0 : i32
    return %arg1, %c0_i32 : i32, i32
  }
  func.func @transform_2(%arg0: i32, %arg1: i32) -> (i32, i32) {
    %c0_i32 = arith.constant 0 : i32
    %c0_i32_0 = arith.constant 0 : i32
    return %arg1, %c0_i32 : i32, i32
  }
  func.func @transform_3(%arg0: i32, %arg1: i32) -> (i32, i32, i32) {
    %c0_i32 = arith.constant 0 : i32
    %c0_i32_0 = arith.constant 0 : i32
    return %arg0, %arg1, %c0_i32 : i32, i32, i32
  }
}

module attributes {stable_mosaic.version = 14 : i64} {
  func.func @_dense_body(%arg0: i32, %arg1: memref<1000x128xf32, #tpu.memory_space<vmem>>, %arg2: memref<1000x128xf32, #tpu.memory_space<vmem>>, %arg3: memref<1000x128xf32, #tpu.memory_space<vmem>>, %arg4: memref<1000x128xf32, #tpu.memory_space<vmem>>, %arg5: memref<1000x1xf32, #tpu.memory_space<vmem>>, %arg6: memref<1000x128xf32, #tpu.memory_space<vmem>>, %arg7: memref<512x512xf32, #tpu.memory_space<vmem>>, %arg8: memref<1x512xf32, #tpu.memory_space<vmem>>, %arg9: memref<3x128xf32, #tpu.memory_space<vmem>>, %arg10: memref<128x1xf32, #tpu.memory_space<vmem>>, %arg11: memref<1x1xf32, #tpu.memory_space<vmem>>, %arg12: memref<1000x1xf32, #tpu.memory_space<vmem>>, %arg13: memref<1000x128xf32, #tpu.memory_space<vmem>>, %arg14: memref<1000x128xf32, #tpu.memory_space<vmem>>) attributes {dimension_semantics = [#tpu.dimension_semantics<arbitrary>], iteration_bounds = array<i64: 10>, scalar_prefetch = 0 : i64, scratch_operands = 0 : i64, tpu.core_type = #tpu.core_type<tc>, window_params = [{transform_indices = @transform_0, window_bounds = array<i64: 1000, 128>}, {transform_indices = @transform_1, window_bounds = array<i64: 1000, 128>}, {transform_indices = @transform_2, window_bounds = array<i64: 1000, 128>}, {transform_indices = @transform_3, window_bounds = array<i64: 1000, 128>}, {transform_indices = @transform_4, window_bounds = array<i64: 1000, 1>}, {transform_indices = @transform_5, window_bounds = array<i64: 1000, 128>}, {pipeline_mode = #tpu.pipeline_mode<synchronous>, transform_indices = @transform_6, window_bounds = array<i64: 512, 512>}, {pipeline_mode = #tpu.pipeline_mode<synchronous>, transform_indices = @transform_7, window_bounds = array<i64: 1, 512>}, {pipeline_mode = #tpu.pipeline_mode<synchronous>, transform_indices = @transform_8, window_bounds = array<i64: 3, 128>}, {pipeline_mode = #tpu.pipeline_mode<synchronous>, transform_indices = @transform_9, window_bounds = array<i64: 128, 1>}, {pipeline_mode = #tpu.pipeline_mode<synchronous>, transform_indices = @transform_10, window_bounds = array<i64: 1, 1>}, {transform_indices = @transform_11, window_bounds = array<i64: 1000, 1>}, {transform_indices = @transform_12, window_bounds = array<i64: 1000, 128>}, {transform_indices = @transform_13, window_bounds = array<i64: 1000, 128>}]} {
    %get3A = arith.constant 0 : index
    %get3A_0 = arith.constant 0 : index
    %get3A_1 = vector.load %arg5[%get3A, %get3A_0] : memref<1000x1xf32, #tpu.memory_space<vmem>>, vector<1000x1xf32>
    %neg3A = arith.constant 0.000000e+00 : f32
    %neg3A_2 = vector.broadcast %neg3A : f32 to vector<1000x1xf32>
    %neg3A_3 = arith.subf %neg3A_2, %get3A_1 : vector<1000x1xf32>
    %get3A_4 = arith.constant 0 : index
    %get3A_5 = arith.constant 0 : index
    %get3A_6 = vector.load %arg1[%get3A_4, %get3A_5] : memref<1000x128xf32, #tpu.memory_space<vmem>>, vector<1000x128xf32>
    %get3A_7 = arith.constant 0 : index
    %get3A_8 = arith.constant 0 : index
    %get3A_9 = vector.load %arg2[%get3A_7, %get3A_8] : memref<1000x128xf32, #tpu.memory_space<vmem>>, vector<1000x128xf32>
    %mul3A = vector.broadcast %neg3A_3 : vector<1000x1xf32> to vector<1000x128xf32>
    %mul3A_10 = arith.mulf %mul3A, %get3A_9 : vector<1000x128xf32>
    %get3A_11 = arith.constant 0 : index
    %get3A_12 = arith.constant 0 : index
    %get3A_13 = vector.load %arg3[%get3A_11, %get3A_12] : memref<1000x128xf32, #tpu.memory_space<vmem>>, vector<1000x128xf32>
    %get3A_14 = arith.constant 0 : index
    %get3A_15 = arith.constant 0 : index
    %get3A_16 = vector.load %arg4[%get3A_14, %get3A_15] : memref<1000x128xf32, #tpu.memory_space<vmem>>, vector<1000x128xf32>
    %mul3A_17 = vector.broadcast %neg3A_3 : vector<1000x1xf32> to vector<1000x128xf32>
    %mul3A_18 = arith.mulf %mul3A_17, %get3A_16 : vector<1000x128xf32>
    %concatenate3A = tpu.concatenate %get3A_6, %mul3A_10, %get3A_13, %mul3A_18 in 1 : vector<1000x128xf32>, vector<1000x128xf32>, vector<1000x128xf32>, vector<1000x128xf32> -> vector<1000x512xf32>
    %get3A_19 = arith.constant 0 : index
    %get3A_20 = arith.constant 0 : index
    %get3A_21 = vector.load %arg7[%get3A_19, %get3A_20] : memref<512x512xf32, #tpu.memory_space<vmem>>, vector<512x512xf32>
    %dot_general3A = arith.constant dense<0.000000e+00> : vector<1000x512xf32>
    %dot_general3A_22 = tpu.matmul %concatenate3A, %get3A_21, %dot_general3A {dimension_numbers = #tpu.dot_dimension_numbers<[1], [0], [0], [1], [0, 0, 1, 1], [], []>, transpose_lhs_hint = false} : vector<1000x512xf32>, vector<512x512xf32>, vector<1000x512xf32> -> vector<1000x512xf32>
    %get3A_23 = arith.constant 0 : index
    %get3A_24 = arith.constant 0 : index
    %get3A_25 = vector.load %arg8[%get3A_23, %get3A_24] : memref<1x512xf32, #tpu.memory_space<vmem>>, vector<1x512xf32>
    %add3A = vector.broadcast %get3A_25 : vector<1x512xf32> to vector<1000x512xf32>
    %add3A_26 = arith.addf %dot_general3A_22, %add3A : vector<1000x512xf32>
    %get3A_27 = arith.constant 0 : index
    %get3A_28 = arith.constant 0 : index
    %get3A_29 = vector.load %arg6[%get3A_27, %get3A_28] : memref<1000x128xf32, #tpu.memory_space<vmem>>, vector<1000x128xf32>
    %slice3A = vector.extract_strided_slice %add3A_26 {offsets = [0, 0], sizes = [1000, 128], strides = [1, 1]} : vector<1000x512xf32> to vector<1000x128xf32>
    %get3A_30 = arith.constant 0 : index
    %get3A_31 = arith.constant 0 : index
    %get3A_32 = vector.load %arg9[%get3A_30, %get3A_31] : memref<3x128xf32, #tpu.memory_space<vmem>>, vector<1x128xf32>
    %mul3A_33 = vector.broadcast %get3A_32 : vector<1x128xf32> to vector<1000x128xf32>
    %mul3A_34 = arith.mulf %mul3A_33, %get3A_29 : vector<1000x128xf32>
    %add3A_35 = arith.addf %slice3A, %mul3A_34 : vector<1000x128xf32>
    %logistic3A = arith.negf %add3A_35 : vector<1000x128xf32>
    %logistic3A_36 = math.exp %logistic3A : vector<1000x128xf32>
    %logistic3A_37 = arith.constant 1.000000e+00 : f32
    %logistic3A_38 = vector.broadcast %logistic3A_37 : f32 to vector<1000x128xf32>
    %logistic3A_39 = arith.addf %logistic3A_38, %logistic3A_36 : vector<1000x128xf32>
    %logistic3A_40 = arith.divf %logistic3A_38, %logistic3A_39 : vector<1000x128xf32>
    %slice3A_41 = vector.extract_strided_slice %add3A_26 {offsets = [0, 128], sizes = [1000, 128], strides = [1, 1]} : vector<1000x512xf32> to vector<1000x128xf32>
    %get3A_42 = arith.constant 1 : index
    %get3A_43 = arith.constant 0 : index
    %get3A_44 = vector.load %arg9[%get3A_42, %get3A_43] : memref<3x128xf32, #tpu.memory_space<vmem>>, vector<1x128xf32>
    %mul3A_45 = vector.broadcast %get3A_44 : vector<1x128xf32> to vector<1000x128xf32>
    %mul3A_46 = arith.mulf %mul3A_45, %get3A_29 : vector<1000x128xf32>
    %add3A_47 = arith.addf %slice3A_41, %mul3A_46 : vector<1000x128xf32>
    %logistic3A_48 = arith.negf %add3A_47 : vector<1000x128xf32>
    %logistic3A_49 = math.exp %logistic3A_48 : vector<1000x128xf32>
    %logistic3A_50 = arith.constant 1.000000e+00 : f32
    %logistic3A_51 = vector.broadcast %logistic3A_50 : f32 to vector<1000x128xf32>
    %logistic3A_52 = arith.addf %logistic3A_51, %logistic3A_49 : vector<1000x128xf32>
    %logistic3A_53 = arith.divf %logistic3A_51, %logistic3A_52 : vector<1000x128xf32>
    %slice3A_54 = vector.extract_strided_slice %add3A_26 {offsets = [0, 256], sizes = [1000, 128], strides = [1, 1]} : vector<1000x512xf32> to vector<1000x128xf32>
    %tanh3A = math.tanh %slice3A_54 : vector<1000x128xf32>
    %mul3A_55 = arith.mulf %logistic3A_53, %get3A_29 : vector<1000x128xf32>
    %mul3A_56 = arith.mulf %logistic3A_40, %tanh3A : vector<1000x128xf32>
    %add3A_57 = arith.addf %mul3A_55, %mul3A_56 : vector<1000x128xf32>
    %slice3A_58 = vector.extract_strided_slice %add3A_26 {offsets = [0, 384], sizes = [1000, 128], strides = [1, 1]} : vector<1000x512xf32> to vector<1000x128xf32>
    %get3A_59 = arith.constant 2 : index
    %get3A_60 = arith.constant 0 : index
    %get3A_61 = vector.load %arg9[%get3A_59, %get3A_60] : memref<3x128xf32, #tpu.memory_space<vmem>>, vector<1x128xf32>
    %mul3A_62 = vector.broadcast %get3A_61 : vector<1x128xf32> to vector<1000x128xf32>
    %mul3A_63 = arith.mulf %mul3A_62, %add3A_57 : vector<1000x128xf32>
    %add3A_64 = arith.addf %slice3A_58, %mul3A_63 : vector<1000x128xf32>
    %logistic3A_65 = arith.negf %add3A_64 : vector<1000x128xf32>
    %logistic3A_66 = math.exp %logistic3A_65 : vector<1000x128xf32>
    %logistic3A_67 = arith.constant 1.000000e+00 : f32
    %logistic3A_68 = vector.broadcast %logistic3A_67 : f32 to vector<1000x128xf32>
    %logistic3A_69 = arith.addf %logistic3A_68, %logistic3A_66 : vector<1000x128xf32>
    %logistic3A_70 = arith.divf %logistic3A_68, %logistic3A_69 : vector<1000x128xf32>
    %tanh3A_71 = math.tanh %add3A_57 : vector<1000x128xf32>
    %mul3A_72 = arith.mulf %logistic3A_70, %tanh3A_71 : vector<1000x128xf32>
    %swap3A = arith.constant 0 : index
    %swap3A_73 = arith.constant 0 : index
    %swap3A_74 = vector.load %arg14[%swap3A, %swap3A_73] : memref<1000x128xf32, #tpu.memory_space<vmem>>, vector<1000x128xf32>
    tpu.vector_store %arg14[%swap3A, %swap3A_73], %add3A_57 {strides = array<i32>} : memref<1000x128xf32, #tpu.memory_space<vmem>>, vector<1000x128xf32>,
    %swap3A_75 = arith.constant 0 : index
    %swap3A_76 = arith.constant 0 : index
    %swap3A_77 = vector.load %arg13[%swap3A_75, %swap3A_76] : memref<1000x128xf32, #tpu.memory_space<vmem>>, vector<1000x128xf32>
    tpu.vector_store %arg13[%swap3A_75, %swap3A_76], %mul3A_72 {strides = array<i32>} : memref<1000x128xf32, #tpu.memory_space<vmem>>, vector<1000x128xf32>,
    %get3A_78 = arith.constant 0 : index
    %get3A_79 = arith.constant 0 : index
    %get3A_80 = vector.load %arg10[%get3A_78, %get3A_79] : memref<128x1xf32, #tpu.memory_space<vmem>>, vector<128x1xf32>
    %dot_general3A_81 = arith.constant dense<0.000000e+00> : vector<1000x1xf32>
    %dot_general3A_82 = tpu.matmul %mul3A_72, %get3A_80, %dot_general3A_81 {dimension_numbers = #tpu.dot_dimension_numbers<[1], [0], [0], [1], [0, 0, 1, 1], [], []>, transpose_lhs_hint = false} : vector<1000x128xf32>, vector<128x1xf32>, vector<1000x1xf32> -> vector<1000x1xf32>
    %get3A_83 = arith.constant 0 : index
    %get3A_84 = arith.constant 0 : index
    %get3A_85 = vector.load %arg11[%get3A_83, %get3A_84] : memref<1x1xf32, #tpu.memory_space<vmem>>, vector<1x1xf32>
    %add3A_86 = vector.broadcast %get3A_85 : vector<1x1xf32> to vector<1000x1xf32>
    %add3A_87 = arith.addf %dot_general3A_82, %add3A_86 : vector<1000x1xf32>
    %swap3A_88 = arith.constant 0 : index
    %swap3A_89 = arith.constant 0 : index
    %swap3A_90 = vector.load %arg12[%swap3A_88, %swap3A_89] : memref<1000x1xf32, #tpu.memory_space<vmem>>, vector<1000x1xf32>
    tpu.vector_store %arg12[%swap3A_88, %swap3A_89], %add3A_87 {strides = array<i32>} : memref<1000x1xf32, #tpu.memory_space<vmem>>, vector<1000x1xf32>,
    return
  }
  func.func @transform_0(%arg0: i32) -> (i32, i32) {
    %c0_i32 = arith.constant 0 : i32
    %c0_i32_0 = arith.constant 0 : i32
    return %arg0, %c0_i32 : i32, i32
  }
  func.func @transform_1(%arg0: i32) -> (i32, i32) {
    %c0_i32 = arith.constant 0 : i32
    %c0_i32_0 = arith.constant 0 : i32
    return %arg0, %c0_i32 : i32, i32
  }
  func.func @transform_2(%arg0: i32) -> (i32, i32) {
    %c0_i32 = arith.constant 0 : i32
    %c0_i32_0 = arith.constant 0 : i32
    return %arg0, %c0_i32 : i32, i32
  }
  func.func @transform_3(%arg0: i32) -> (i32, i32) {
    %c0_i32 = arith.constant 0 : i32
    %c0_i32_0 = arith.constant 0 : i32
    return %arg0, %c0_i32 : i32, i32
  }
  func.func @transform_4(%arg0: i32) -> (i32, i32) {
    %c0_i32 = arith.constant 0 : i32
    %c0_i32_0 = arith.constant 0 : i32
    return %arg0, %c0_i32 : i32, i32
  }
  func.func @transform_5(%arg0: i32) -> (i32, i32) {
    %c0_i32 = arith.constant 0 : i32
    %c0_i32_0 = arith.constant 0 : i32
    return %arg0, %c0_i32 : i32, i32
  }
  func.func @transform_6(%arg0: i32) -> (i32, i32) {
    %c0_i32 = arith.constant 0 : i32
    %c0_i32_0 = arith.constant 0 : i32
    %c0_i32_1 = arith.constant 0 : i32
    return %c0_i32, %c0_i32_0 : i32, i32
  }
  func.func @transform_7(%arg0: i32) -> (i32, i32) {
    %c0_i32 = arith.constant 0 : i32
    %c0_i32_0 = arith.constant 0 : i32
    %c0_i32_1 = arith.constant 0 : i32
    return %c0_i32, %c0_i32_0 : i32, i32
  }
  func.func @transform_8(%arg0: i32) -> (i32, i32) {
    %c0_i32 = arith.constant 0 : i32
    %c0_i32_0 = arith.constant 0 : i32
    %c0_i32_1 = arith.constant 0 : i32
    return %c0_i32, %c0_i32_0 : i32, i32
  }
  func.func @transform_9(%arg0: i32) -> (i32, i32) {
    %c0_i32 = arith.constant 0 : i32
    %c0_i32_0 = arith.constant 0 : i32
    %c0_i32_1 = arith.constant 0 : i32
    return %c0_i32, %c0_i32_0 : i32, i32
  }
  func.func @transform_10(%arg0: i32) -> (i32, i32) {
    %c0_i32 = arith.constant 0 : i32
    %c0_i32_0 = arith.constant 0 : i32
    %c0_i32_1 = arith.constant 0 : i32
    return %c0_i32, %c0_i32_0 : i32, i32
  }
  func.func @transform_11(%arg0: i32) -> (i32, i32) {
    %c0_i32 = arith.constant 0 : i32
    %c0_i32_0 = arith.constant 0 : i32
    return %arg0, %c0_i32 : i32, i32
  }
  func.func @transform_12(%arg0: i32) -> (i32, i32) {
    %c0_i32 = arith.constant 0 : i32
    %c0_i32_0 = arith.constant 0 : i32
    return %arg0, %c0_i32 : i32, i32
  }
  func.func @transform_13(%arg0: i32) -> (i32, i32) {
    %c0_i32 = arith.constant 0 : i32
    %c0_i32_0 = arith.constant 0 : i32
    return %arg0, %c0_i32 : i32, i32
  }
}

</mosaic_0001>

<sc_bundles>
// kernel: kernel.10.cloned.1.call-start
scs
__scs_entry_jumppad:
0x0: {  	(pc) =	sbr.rel $0x88, $3  }
0x1: {  	(tag) =	ssettag $0x0;
	lr =	simm.s32 $0x1  }
0x2: {  	[smem:$0x3F83] =	sst lr;
	_ =	strace $0xD0000000  }
0x3: {  	_ = 	snop  }
0x4: {  	_ = 	snop  }
0x5: {  	_ = 	snop  }
0x6: {  	_ = 	snop  }
0x7: {  	_ = 	snop  }
__scs_overlays_trampoline_lowered:
0x8: {  	[smem:$0x3F92] =	sst s0  }
0x9: {  	[smem:$0x3F93] =	sst s1  }
0xa: {  	[smem:$0x3F94] =	sst s2  }
0xb: {  	[smem:$0x3F95] =	sst s3  }
0xc: {  	[smem:$0x3F96] =	sst s4  }
0xd: {  	[smem:$0x3F97] =	sst s5  }
0xe: {  	[smem:$0x3F98] =	sst s6  }
0xf: {  	[smem:$0x3F99] =	sst s7  }
0x10: {  	[smem:$0x3F9A] =	sst s8  }
0x11: {  	[smem:$0x3F9B] =	sst s9;
	s0 =	simm.s32 @!p0 $0x0  }
0x12: {  	s1 =	sld [smem:$0x3F81];
	s0 =	simm.s32 @p0 $0x1  }
0x13: {  	[smem:$0x3F9C] =	sst s0;
	s0 =	simm.s32 @!p1 $0x0  }
0x14: {  	s2 =	sld [smem:$0x3F80];
	s0 =	simm.s32 @p1 $0x1  }
0x15: {  	[smem:$0x3F9D] =	sst s0;
	s0 =	simm.s32 @!p2 $0x0  }
0x16: {  	s3 =	sld [smem:$0x3FDB];
	s0 =	simm.s32 @p2 $0x1  }
0x17: {  	s4 =	simm.s32 $0x1BF5;
	[smem:$0x3F9F] =	sst s0  }
0x18: {  	s0 =	sld [smem:$0x3F82];
	_ =	swait.ge [sflag:s4], $0x0  }
0x19: {  	s7 =	sld [smem:$0x3F83]  }
0x1a: {  	s8 =	sadd.s32 $0xFFFFE003, lr  }
0x1b: {  	s9 =	sadd.s32 $0xFFFFFEF7, lr;
	s5 =	simm.s32 $0xFFFFFFFF;
	p2 =	slt.u32 s8, $0xFFFFF086  }
0x1c: {  	p1 =	slt.u32 s9, $0xF7A;
	s5 =	simm.s32 @!p2 $0x0  }
0x1d: {  	s5 =	simm.s32 @p1 $0x1;
	p0 =	seq.s32 s7, s2  }
0x1e: {  	s7 =	smul.u32 @!p0 $0xF7A, s2;
	p2 =	seq.s32 @!p0 s5, $0x0  }
0x1f: {  	s9 =	smul.u32 $0xF7A, s1;
	s8 =	simm.s32 @!p0 $0x1BF5;
	p2 =	por !p2, p0  }
0x20: {  	[sflag:s8] =	ssyncset.s32 @!p0 $0xFFFFF086;
	s6 =	sadd.s32 @!p0 s3, s7;
	s7 =	simm.s32 @!p0 $0x108  }
0x21: {  	s3 =	sadd.s32 s3, s9;
	s6 =	sadd.s32 @!p0 $0x88, s6;
	s7 =	simm.s32 @p2 $0x1082  }
0x22: {  	[simem:s7], [sflag:s8] =	dma.local @!p0 [hbm:s6], $0xF7A  }
0x23: {  	s9 =	sor.u32 $0xD0000000, s2;
	s6 =	simm.s32 $0x108;
	_ =	swait.ge @!p0 [sflag:s8], $0x0  }
0x24: {  	s3 =	sadd.s32 $0x88, s3;
	s6 =	simm.s32 @!p1 $0x1082;
	[sflag:s4] =	ssyncset.s32 $0xFFFFF086  }
0x25: {  	[simem:s6], [sflag:s4] =	dma.local [hbm:s3], $0xF7A  }
0x26: {  	[smem:$0x3F83] =	sst s1;
	(tag) =	ssettag s2;
	_ =	strace s9  }
0x27: {  	s1 =	sld [smem:$0x3F93]  }
0x28: {  	s2 =	sld [smem:$0x3F94]  }
0x29: {  	s4 =	sld [smem:$0x3F96]  }
0x2a: {  	p0 =	seq.s32 s5, $0x0;
	s5 =	sld [smem:$0x3F97]  }
0x2b: {  	s6 =	sld [smem:$0x3F98]  }
0x2c: {  	s7 =	sld [smem:$0x3F99]  }
0x2d: {  	s3 =	simm.s32 $0x108;
	s8 =	sld [smem:$0x3F9A]  }
0x2e: {  	s3 =	simm.s32 @!p0 $0x1082;
	s9 =	sld [smem:$0x3F9B]  }
0x2f: {  	lr =	sadd.s32 s0, s3;
	s0 =	sld [smem:$0x3F92]  }
0x30: {  	s3 =	sld [smem:$0x3F95]  }
0x31: {  	[smem:$0x3F9E] =	sst s10  }
0x32: {  	s10 =	sld [smem:$0x3F9C];
	_ =	sdelay $0x3  }
0x33: {  	p0 =	seq.s32 s10, $0x1;
	s10 =	sld [smem:$0x3F9E];
	_ =	sdelay $0x3  }
0x34: {  	[smem:$0x3F9E] =	sst s10  }
0x35: {  	s10 =	sld [smem:$0x3F9D];
	_ =	sdelay $0x3  }
0x36: {  	p1 =	seq.s32 s10, $0x1;
	s10 =	sld [smem:$0x3F9E];
	_ =	sdelay $0x3  }
0x37: {  	[smem:$0x3F9E] =	sst s10  }
0x38: {  	s10 =	sld [smem:$0x3F9F]  }
0x39: {  	_ = 	snop;
	(pc) =	sbr.ind lr, $3  }
0x3a: {  	_ = 	snop  }
0x3b: {  	_ = 	snop  }
0x3c: {  	p2 =	seq.s32 s10, $0x1;
	s10 =	sld [smem:$0x3F9E]  }
0x3d: {  	_ =	shalt  }
0x3e: {  	_ =	shalt  }
0x3f: {  	_ =	shalt  }
0x40: {  	_ =	shalt  }
0x41: {  	_ =	shalt  }
0x42: {  	_ =	shalt  }
0x43: {  	_ =	shalt  }
0x44: {  	_ =	shalt  }
0x45: {  	_ =	shalt  }
0x46: {  	_ =	shalt  }
0x47: {  	_ =	shalt  }
0x48: {  	_ =	shalt  }
0x49: {  	_ =	shalt  }
0x4a: {  	_ =	shalt  }
0x4b: {  	_ =	shalt  }
0x4c: {  	_ =	shalt  }
0x4d: {  	_ =	shalt  }
0x4e: {  	_ =	shalt  }
0x4f: {  	_ =	shalt  }
0x50: {  	_ =	shalt  }
0x51: {  	_ =	shalt  }
0x52: {  	_ =	shalt  }
0x53: {  	_ =	shalt  }
0x54: {  	_ =	shalt  }
0x55: {  	_ =	shalt  }
0x56: {  	_ =	shalt  }
0x57: {  	_ =	shalt  }
0x58: {  	_ =	shalt  }
0x59: {  	_ =	shalt  }
0x5a: {  	_ =	shalt  }
0x5b: {  	_ =	shalt  }
0x5c: {  	_ =	shalt  }
0x5d: {  	_ =	shalt  }
0x5e: {  	_ =	shalt  }
0x5f: {  	_ =	shalt  }
0x60: {  	_ =	shalt  }
0x61: {  	_ =	shalt  }
0x62: {  	_ =	shalt  }
0x63: {  	_ =	shalt  }
0x64: {  	_ =	shalt  }
0x65: {  	_ =	shalt  }
0x66: {  	_ =	shalt  }
0x67: {  	_ =	shalt  }
0x68: {  	_ =	shalt  }
0x69: {  	_ =	shalt  }
0x6a: {  	_ =	shalt  }
0x6b: {  	_ =	shalt  }
0x6c: {  	_ =	shalt  }
0x6d: {  	_ =	shalt  }
0x6e: {  	_ =	shalt  }
0x6f: {  	_ =	shalt  }
0x70: {  	_ =	shalt  }
0x71: {  	_ =	shalt  }
0x72: {  	_ =	shalt  }
0x73: {  	_ =	shalt  }
0x74: {  	_ =	shalt  }
0x75: {  	_ =	shalt  }
0x76: {  	_ =	shalt  }
0x77: {  	_ =	shalt  }
0x78: {  	_ =	shalt  }
0x79: {  	_ =	shalt  }
0x7a: {  	_ =	shalt  }
0x7b: {  	_ =	shalt  }
0x7c: {  	_ =	shalt  }
0x7d: {  	_ =	shalt  }
0x7e: {  	_ =	shalt  }
0x7f: {  	_ =	shalt  }
0x80: {  	_ =	shalt  }
0x81: {  	_ =	shalt  }
0x82: {  	_ =	shalt  }
0x83: {  	_ =	shalt  }
0x84: {  	_ =	shalt  }
0x85: {  	_ =	shalt  }
0x86: {  	_ =	shalt  }
0x87: {  	_ =	shalt  }
.Lfunc_end0:
.L_simem_size_0:
called_computation.1_lowered:
.L_overlay_start_0:
0x88: {  	s2 =	sld [smem:$0x3FD9]  }
0x89: {  	s3 =	sld [smem:$0x3FFE];
	_ =	sdelay $0x1  }
0x8a: {  	s1 =	srdreg.scid  }
0x8b: {  	s0 =	sand.u32 $0x1, s1  }
0x8c: {  	s14 =	sshll.u32 s0, $0xA;
	s2 =	sadd.s32 s3, s2  }
0x8d: {  	s2 =	sadd.s32 s2, s14  }
0x8e: {  	[smem:$0x3FAA] =	sst s2  }
0x8f: {  	_ = 	snop  }
0x90: {  	s2 =	sld [smem:$0x3FD0];
	_ =	sdelay $0x2  }
0x91: {  	s15 =	simm.s32 $0xA;
	s4 =	simm.s32 $0x10  }
0x92: {  	[smem:s4], [sflag:s15] =	dma.local [hbm:s2], $0x1  }
0x93: {  	_ =	swait.eq [sflag:s15], $0x1  }
0x94: {  	[sflag:s15] =	ssyncset.done $0x0  }
0x95: {  	s16 =	sld [smem:$0x11];
	[sflag:s15] =	ssyncadd.s32 $0xFFFFFFFF  }
0x96: {  	s17 =	sld [smem:$0x12];
	(tm) =	ssettm $0x1  }
0x97: {  	s18 =	sld [smem:$0x3FFB];
	_ =	sdelay $0x3  }
0x98: {  	_ =	strace s18  }
0x99: {  	s4 =	sld [smem:$0x3FFC];
	_ =	sdelay $0x3  }
0x9a: {  	_ =	strace s4  }
0x9b: {  	s4 =	sld [smem:$0x3FFD];
	_ =	sdelay $0x3  }
0x9c: {  	_ =	strace s4  }
0x9d: {  	_ =	strace $0x8FFFFFFF  }
0x9e: {  	s19 =	sld [smem:$0x3FDB];
	_ =	sdelay $0x1  }
0x9f: {  	s5 =	simm.s32 $_scs_section_size  }
0xa0: {  	s6 =	simm.s32 $_size__tile_overlayer_lowered;
	s7 =	simm.s32 $_tile_overlayer_lowered  }
0xa1: {  	s22 =	simm.s32 $0x1BFF;
	s21 =	sshll.u32 s7, $0x1;
	s4 =	sadd.s32 s5, s19  }
0xa2: {  	s8 =	simm.s32 $0x0;
	s20 =	sshll.u32 s6, $0x1;
	s6 =	sadd.s32 s21, s4  }
0xa3: {  	[timem:s8], [sflag:s22] =	dma.local [hbm:s6], s20  }
0xa4: {  	_ =	swait.ge [sflag:s22], s20  }
0xa5: {  	s5 =	ssub.s32 $0x0, s20;
	[sflag:s22] =	ssyncset.done $0x0  }
0xa6: {  	[sflag:s22] =	ssyncadd.s32 s5;
	_ =	sdelay $0x1  }
0xa7: {  	s23 =	simm.s32 $0x1B8B  }
0xa8: {  	_ =	swait.ge [sflag:s23], $0x1  }
0xa9: {  	[sflag:s23] =	ssyncset.done $0x0  }
0xaa: {  	s25 =	simm.s32 $0x1B8E;
	s24 =	sld [smem:$0x3FFE];
	[sflag:s23] =	ssyncadd.s32 $0xFFFFFFFF  }
0xab: {  	s26 =	simm.s32 $execute0_lowered;
	[smem:$0x3FD2] =	sst s25  }
0xac: {  	s6 =	sshll.u32 s26, $0x1;
	_ =	strace $0x80000049;
	[dreg:$0x1] =	wrdreg $0xFFFFFFFF  }
0xad: {  	s28 =	simm.s32 $_size_execute0_lowered;
	s4 =	sadd.s32 s4, s6;
	[dreg:$0x0] =	wrdreg $0x0  }
0xae: {  	s6 =	sshll.u32 s28, $0x1;
	[dreg:$0x2] =	wrdreg s4  }
0xaf: {  	[dreg:$0x3] =	wrdreg s6  }
0xb0: {  	[dreg:$0x4] =	wrdreg $0xC0  }
0xb1: {  	_ =	task [dreg:s8], $0x5FFFF  }
0xb2: {  	[dreg:$0x1] =	wrdreg $0xFFFFFFFF  }
0xb3: {  	[dreg:$0x0] =	wrdreg $0x60  }
0xb4: {  	[dreg:$0x2] =	wrdreg s17  }
0xb5: {  	[dreg:$0x3] =	wrdreg s16  }
0xb6: {  	[dreg:$0x4] =	wrdreg s24  }
0xb7: {  	[dreg:$0x5] =	wrdreg $0xC0000  }
0xb8: {  	[dreg:$0x6] =	wrdreg $0x9  }
0xb9: {  	_ =	task.clear_ibuf [dreg:s8], $0x7FFFF;
	_ =	strace $0x90000049  }
0xba: {  	s29 =	simm.s32 $0x9;
	_ =	strace $0x8000004B  }
0xbb: {  	_ =	swait.ge [sflag:s29], $0x1  }
0xbc: {  	[sflag:s29] =	ssyncadd.s32 $0xFFFFFFFF  }
0xbd: {  	_ =	strace $0x9000004B  }
0xbe: {  	_ =	sfence  }
0xbf: {  	s30 =	sld [smem:$0x0];
	_ =	sdelay $0x2  }
0xc0: {  	s31 =	sshll.u32 s1, $0xD;
	s1 =	sshrl.u32 s1, $0x2  }
0xc1: {  	s3 =	sand.u32 $0x4000, s31;
	s1 =	sadd.s32 s1, s30  }
0xc2: {  	s0 =	sor.u32 s3, s0;
	s1 =	sshll.u32 s1, $0x11  }
0xc3: {  	s0 =	sor.u32 s1, s0  }
0xc4: {  	s0 =	sadd.s32 $0x8F2B, s0  }
0xc5: {  	[sflag:s0] =	ssyncadd.remote.s32 $0x1  }
0xc6: {  	_ =	sfence.sel $0xFFFF  }
0xc7: {  	[dreg:$0x0] =	wrdreg $0xFFFFFFFF;
	(pc) =	sbr.abs _section_cstart, $3  }
0xc8: {  	[dreg:$0x1] =	wrdreg $0xFFFFFFFF  }
0xc9: {  	_ =	task.clear_ibuf [dreg:s8], $0x2FFFF;
	_ =	strace $0x9FFFFFFF  }
0xca: {  	(tm) =	ssettm $0x7FFFFFFF  }
0xcb: {  	_ =	shalt  }
tec
execute0_lowered:
.L_overlay_start_1:
0x0: {  	(tag) =	ssettag $0x1  }
0x1: {  	s10 =	rddreg [dreg:$0x0]  }
0x2: {  	s11 =	rddreg [dreg:$0x1]  }
0x3: {  	s0 =	rddreg [dreg:$0x2];
	s9 =	stileid.u32  }
0x4: {  	s1 =	srdreg.scid;
	s4 =	rddreg [dreg:$0x3];
	s5 =	simm.s32 $0x0  }
0x5: {  	s28 =	simm.s32 $0x7;
	s29 =	simm.s32 $0x8;
	s30 =	simm.s32 $0x9  }
0x6: {  	s31 =	simm.s32 $0x50;
	s13 =	simm.s32 $0x3;
	s2 =	smul.u32 $0x2800, s9  }
0x7: {  	s14 =	simm.s32 $0x5;
	s1 =	sand.u32 $0x1, s1;
	s7 =	smul.u32 $0x50000, s9  }
0x8: {  	[smem:$0x7FF] =	sst s5;
	s6 =	sshll.u32 s9, $0xC;
	s9 =	smul.u32 $0xA800, s9  }
0x9: {  	s15 =	simm.s32 $0x6;
	s3 =	smul.u32 $0x28000, s1;
	_ =	strace $0x8000004A  }
0xa: {  	s8 =	sadd.s32 s6, s0;
	s6 =	sadd.s32 $0x50A00, s0;
	s25 =	sshrl.u32 s9, $0x3  }
0xb: {  	s17 =	ssub.s32 $0x2, s1;
	s7 =	sshrl.u32 s7, $0x2;
	s10 =	sadd.s32 s10, s25  }
0xc: {  	s2 =	sadd.s32 s2, s3;
	s3 =	sadd.s32 s11, s25;
	[dreg:$0xd] =	wrdreg s10  }
0xd: {  	s1 =	smul.u32 $0x2710, s1;
	s7 =	sadd.s32 s7, s4;
	[dreg:$0xe] =	wrdreg s3  }
0xe: {  	s18 =	sshrl.u32 s17, $0x1;
	s19 =	sadd.s32 $0x2800, s7;
	[dreg:$0x5] =	wrdreg s7  }
0xf: {  	s25 =	simm.s32 $0x400;
	s20 =	sadd.s32 $0x5000, s7;
	[dreg:$0x6] =	wrdreg s19  }
0x10: {  	s11 =	simm.s32 $0x2;
	s21 =	sadd.s32 $0x7800, s7;
	[dreg:$0x7] =	wrdreg s20  }
0x11: {  	s0 =	sadd.s32 s2, s0;
	s22 =	sadd.s32 $0xA000, s7;
	[dreg:$0x8] =	wrdreg s21  }
0x12: {  	s2 =	ssub.s32 s17, s18;
	s23 =	sadd.s32 $0xC800, s7;
	[dreg:$0x9] =	wrdreg s22  }
0x13: {  	s24 =	sadd.s32 $0xF000, s7;
	s12 =	sadd.s32 $0x11800, s7;
	[dreg:$0xa] =	wrdreg s23  }
0x14: {  	s18 =	sadd.s32 $0x19800, s8;
	s8 =	simm.s32 $0xA;
	[dreg:$0xb] =	wrdreg s24  }
0x15: {  	s3 =	simm.s32 $0x7000;
	s10 =	simm.s32 $0x9800;
	[dreg:$0xc] =	wrdreg s12  }
0x16: {  	s0 =	sadd.s32 $0x9EC00, s0;
	s26 =	smax.u32 s2, $0x1;
	s21 =	simm.s32 $0x4800  }
0x17: {  	s23 =	simm.s32 $0x1C00;
	s24 =	simm.s32 $0x80;
	s12 =	simm.s32 $0x4  }
0x18: {  	s22 =	simm.s32 $0x3480;
	s2 =	simm.s32 $0x0;
	[dreg:$0xf] =	wrdreg s0  }
0x19: {  	v1 =	vimm.f32 $0.0e+00;
	v0 =	vmov s1;
	[dreg:$0x10] =	wrdreg s26;
	s26 =	simm.s32 $0x3800;
	s0 =	simm.s32 $0x1  }
.LBB2_1:
0x1a: {  	[dreg:$0x11] =	wrdreg s2;
	s1 =	simm.s32 $0x0;
	s2 =	simm.s32 $0x200  }
.LBB2_2:
0x1b: {  	p0 =	sne.s32 s2, $0x9E00;
	[tilespmem:s1+$0x4870] =	vst v1  }
0x1c: {  	[tilespmem:s1+$0x4800] =	vst v1  }
0x1d: {  	[tilespmem:s1+$0x4810] =	vst v1  }
.Ltmp0:
0x1e: {  	[tilespmem:s1+$0x4820] =	vst v1;
	(pc) =	sbr.rel @p0 .LBB2_2-.Ltmp0, $4  }
0x1f: {  	[tilespmem:s1+$0x4830] =	vst v1  }
0x20: {  	[tilespmem:s1+$0x4840] =	vst v1  }
0x21: {  	[tilespmem:s1+$0x4850] =	vst v1  }
0x22: {  	[tilespmem:s1+$0x4860] =	vst v1;
	s1 =	sshra.s32 s2, $0x2;
	s2 =	sadd.s32 $0x200, s2  }
0x23: {  	[tilespmem:s1+$0x4870] =	vst v1  }
0x24: {  	[tilespmem:s1+$0x4800] =	vst v1  }
0x25: {  	[tilespmem:s1+$0x4810] =	vst v1  }
0x26: {  	[tilespmem:s1+$0x4820] =	vst v1  }
0x27: {  	[tilespmem:s1+$0x4830] =	vst v1  }
0x28: {  	[tilespmem:s1+$0x4840] =	vst v1  }
0x29: {  	[tilespmem:s1+$0x4850] =	vst v1  }
0x2a: {  	[tilespmem:s1+$0x4860] =	vst v1  }
0x2b: {  	[spmem:s7] =	stream.linear.scatter [tilespmem:s21], [sflag:$0xA], $0x2800, $0x38;
	v63 =	vld [tilespmem:$0x0]  }
0x2c: {  	_ =	swait.ge [sflag:s8], $0x2800  }
0x2d: {  	[sflag:s8] =	ssyncset.done $0x0  }
0x2e: {  	s19 =	rddreg [dreg:$0x6];
	[sflag:s8] =	ssyncadd.s32 $0xFFFFD800  }
0x2f: {  	[spmem:s19] =	stream.linear.scatter [tilespmem:s21], [sflag:$0xA], $0x2800, $0x38;
	v63 =	vld [tilespmem:$0x0]  }
0x30: {  	_ =	swait.ge [sflag:s8], $0x2800  }
0x31: {  	[sflag:s8] =	ssyncset.done $0x0  }
0x32: {  	s20 =	rddreg [dreg:$0x7];
	[sflag:s8] =	ssyncadd.s32 $0xFFFFD800  }
0x33: {  	[spmem:s20] =	stream.linear.scatter [tilespmem:s21], [sflag:$0xA], $0x2800, $0x38;
	v63 =	vld [tilespmem:$0x0]  }
0x34: {  	_ =	swait.ge [sflag:s8], $0x2800  }
0x35: {  	[sflag:s8] =	ssyncset.done $0x0  }
0x36: {  	s2 =	rddreg [dreg:$0x8];
	[sflag:s8] =	ssyncadd.s32 $0xFFFFD800  }
0x37: {  	[spmem:s2] =	stream.linear.scatter [tilespmem:s21], [sflag:$0xA], $0x2800, $0x38;
	v63 =	vld [tilespmem:$0x0]  }
0x38: {  	_ =	swait.ge [sflag:s8], $0x2800  }
0x39: {  	[sflag:s8] =	ssyncset.done $0x0  }
0x3a: {  	s7 =	rddreg [dreg:$0x9];
	[sflag:s8] =	ssyncadd.s32 $0xFFFFD800  }
0x3b: {  	[spmem:s7] =	stream.linear.scatter [tilespmem:s21], [sflag:$0xA], $0x2800, $0x38;
	v63 =	vld [tilespmem:$0x0]  }
0x3c: {  	_ =	swait.ge [sflag:s8], $0x2800  }
0x3d: {  	[sflag:s8] =	ssyncset.done $0x0  }
0x3e: {  	s16 =	rddreg [dreg:$0xa];
	[sflag:s8] =	ssyncadd.s32 $0xFFFFD800  }
0x3f: {  	[spmem:s16] =	stream.linear.scatter [tilespmem:s21], [sflag:$0xA], $0x2800, $0x38;
	v63 =	vld [tilespmem:$0x0]  }
0x40: {  	_ =	swait.ge [sflag:s8], $0x2800  }
0x41: {  	[sflag:s8] =	ssyncset.done $0x0  }
0x42: {  	s17 =	rddreg [dreg:$0xb];
	[sflag:s8] =	ssyncadd.s32 $0xFFFFD800  }
0x43: {  	[spmem:s17] =	stream.linear.scatter [tilespmem:s21], [sflag:$0xA], $0x2800, $0x38;
	v63 =	vld [tilespmem:$0x0]  }
0x44: {  	_ =	swait.ge [sflag:s8], $0x2800  }
0x45: {  	[sflag:s8] =	ssyncset.done $0x0  }
0x46: {  	s19 =	rddreg [dreg:$0xc];
	[sflag:s8] =	ssyncadd.s32 $0xFFFFD800  }
0x47: {  	[spmem:s19] =	stream.linear.scatter [tilespmem:s21], [sflag:$0xA], $0x2800, $0x38;
	v63 =	vld [tilespmem:$0x0]  }
0x48: {  	_ =	swait.ge [sflag:s8], $0x2800  }
0x49: {  	[sflag:s8] =	ssyncset.done $0x0  }
0x4a: {  	[sflag:s8] =	ssyncadd.s32 $0xFFFFD800  }
0x4b: {  	[bflag:$0x0] =	sbarrier.arrive $0xFFFF  }
0x4c: {  	s1 =	simm.s32 $0x0;
	s2 =	rddreg [dreg:$0xd]  }
0x4d: {  	[tilespmem:s1], [sflag:$0x7] =	stream.linear.gather [hbm4b:s2+s1], $0x1900, $0x38;
	v63 =	vld [tilespmem:$0x0]  }
0x4e: {  	s20 =	rddreg [dreg:$0xe]  }
0x4f: {  	[tilespmem:s23], [sflag:$0x8] =	stream.linear.gather [hbm4b:s20+s1], $0x1900, $0x38;
	v63 =	vld [tilespmem:$0x0]  }
0x50: {  	_ = 	snop  }
0x51: {  	[tilespmem:s26], [sflag:$0x9] =	stream.strided.gather [hbm4b:s18+s24], $0x1000, s25, s24, $0x38;
	v63 =	vld [tilespmem:$0x0]  }
.LBB2_4:
0x52: {  	s2 =	simm.s32 $0x0  }
0x53: {  	s8 =	smul.u32 $0xCD, s2  }
0x54: {  	_ =	swait.ge [sflag:s28], $0x1900;
	s16 =	sor.u32 $0x1, s2  }
0x55: {  	[sflag:s28] =	ssyncset.done $0x0;
	s7 =	sand.u32 $0xFF, s16;
	s17 =	sshrl.u32 s8, $0xA  }
0x56: {  	[sflag:s28] =	ssyncadd.s32 $0xFFFFE700;
	s7 =	smul.u32 $0xCD, s7;
	s17 =	sand.u32 $0x3F, s17  }
0x57: {  	_ =	swait.ge [sflag:s29], $0x1900;
	s17 =	smul.u32 $0x5, s17  }
0x58: {  	s8 =	sshrl.u32 s8, $0x3;
	[sflag:s29] =	ssyncset.done $0x0;
	s7 =	sshrl.u32 s7, $0xA  }
0x59: {  	[sflag:s29] =	ssyncadd.s32 $0xFFFFE700;
	s19 =	smul.u32 $0x5, s7;
	s17 =	ssub.s32 $0x0, s17  }
0x5a: {  	s8 =	sand.u32 $0x1F80, s8;
	_ =	swait.ge [sflag:s30], $0x1000;
	s17 =	sand.u32 $0xFF, s17  }
0x5b: {  	[sflag:s30] =	ssyncset.done $0x0;
	s16 =	ssub.s32 s16, s19;
	s17 =	sshll.u32 s17, $0x4  }
0x5c: {  	[sflag:s30] =	ssyncadd.s32 $0xFFFFF000;
	s16 =	sand.u32 $0xFF, s16;
	s8 =	sor.u32 s17, s8  }
0x5d: {  	s16 =	sshll.u32 s16, $0x4;
	v2 =	vld [tilespmem:s8+$0x0]  }
.LBB2_5:
0x5e: {  	_ =	sdelay $0x1  }
0x5f: {  	s2 =	sadd.s32 $0x2, s2  }
0x60: {  	s7 =	sshll.u32 s7, $0x7;
	s17 =	smul.u32 $0xCD, s2;
	s19 =	sor.u32 $0x1, s2  }
0x61: {  	p0 =	slt.u32 s2, $0xF8;
	s16 =	sor.u32 s16, s7;
	s20 =	sand.u32 $0xFF, s19;
	v2 =	vadd.s32 v0, v2  }
0x62: {  	s7 =	sshrl.u32 s17, $0xA;
	s17 =	sshrl.u32 s17, $0x3;
	s20 =	smul.u32 $0xCD, s20;
	[tilespmem:s8+$0x0] =	vst v2  }
0x63: {  	s7 =	sand.u32 $0x3F, s7;
	v2 =	vld [tilespmem:s16+$0x0]  }
0x64: {  	s8 =	smul.u32 $0x5, s7;
	s7 =	sshrl.u32 s20, $0xA  }
0x65: {  	s20 =	smul.u32 $0x5, s7  }
.Ltmp1:
0x66: {  	s8 =	ssub.s32 s2, s8;
	(pc) =	sbr.rel @p0 .LBB2_5-.Ltmp1, $4  }
0x67: {  	s8 =	sand.u32 $0xFF, s8;
	s19 =	ssub.s32 s19, s20  }
0x68: {  	s17 =	sand.u32 $0x1F80, s17;
	s8 =	sshll.u32 s8, $0x4;
	v2 =	vadd.s32 v0, v2  }
0x69: {  	s8 =	sor.u32 s8, s17;
	s17 =	sand.u32 $0xFF, s19;
	[tilespmem:s16+$0x0] =	vst v2  }
0x6a: {  	s16 =	sshll.u32 s17, $0x4;
	v2 =	vld [tilespmem:s8+$0x0]  }
0x6b: {  	_ =	sdelay $0x3  }
0x6c: {  	s2 =	sshll.u32 s7, $0x7;
	v2 =	vadd.s32 v0, v2  }
0x6d: {  	s2 =	sor.u32 s16, s2;
	[tilespmem:s8+$0x0] =	vst v2  }
0x6e: {  	v2 =	vld [tilespmem:s2+$0x0];
	_ =	sdelay $0x4  }
0x6f: {  	v2 =	vadd.s32 v0, v2  }
0x70: {  	[tilespmem:s2+$0x0] =	vst v2  }
0x71: {  	[tilespmem:s21], [sflag:$0x1] =	stream.indirect.gather [hbm4b:s6+s31], $0x80, s5, s31, $0xb8;
	v63 =	vld [tilespmem:$0x0]  }
0x72: {  	_ = 	snop  }
0x73: {  	v2 =	vimm.s32 $0x0;
	[tilespmem:s3], [sflag:$0x2] =	stream.indirect.gather [hbm4b:s6+s31], $0x80, s24, s31, $0xb8;
	v63 =	vld [tilespmem:$0x0]  }
0x74: {  	_ =	swait.ge [sflag:s0], $0x2800  }
0x75: {  	[sflag:s0] =	ssyncset.done $0x0  }
0x76: {  	s2 =	simm.s32 $0x4880;
	[sflag:s0] =	ssyncadd.s32 $0xFFFFD800  }
0x77: {  	v4 =	vld [tilespmem:s2+$0xFFFFFFF0]  }
0x78: {  	v7 =	vld.idx.msk [tilespmem:v2+s26+$0x0], $0xffff  }
0x79: {  	v8 =	vld [tilespmem:s2+$0xFFFFFF80]  }
0x7a: {  	v9 =	vld [tilespmem:s2+$0xFFFFFFA0]  }
0x7b: {  	v6 =	vld [tilespmem:s2+$0xFFFFFFB0]  }
0x7c: {  	v5 =	vld [tilespmem:s2+$0xFFFFFFD0]  }
0x7d: {  	v10 =	vld [tilespmem:s2+$0xFFFFFFE0];
	v13 =	vmul.f32 v4, v7  }
0x7e: {  	v11 =	vld [tilespmem:s2+$0xFFFFFF90];
	v8 =	vmul.f32 v8, v7  }
0x7f: {  	v12 =	vld [tilespmem:s2+$0xFFFFFFC0];
	v9 =	vmul.f32 v9, v7;
	[tilespmem:s2+$0xFFFFFFF0] =	vst v13  }
0x80: {  	v6 =	vmul.f32 v6, v7;
	[tilespmem:s2+$0xFFFFFF80] =	vst v8  }
0x81: {  	v5 =	vmul.f32 v5, v7;
	[tilespmem:s2+$0xFFFFFFA0] =	vst v9  }
0x82: {  	v62 =	vor.u32 $0x1, v2;
	v8 =	vmul.f32 v10, v7;
	[tilespmem:s2+$0xFFFFFFB0] =	vst v6  }
0x83: {  	v3 =	vld [tilespmem:s2+$0x0];
	v6 =	vmul.f32 v11, v7;
	[tilespmem:s2+$0xFFFFFFD0] =	vst v5  }
0x84: {  	v4 =	vld [tilespmem:s2+$0x10];
	v5 =	vmul.f32 v12, v7;
	[tilespmem:s2+$0xFFFFFFE0] =	vst v8  }
0x85: {  	v7 =	vld [tilespmem:s2+$0x20];
	[tilespmem:s2+$0xFFFFFF90] =	vst v6  }
0x86: {  	[tilespmem:s2+$0xFFFFFFC0] =	vst v5;
	v6 =	vld [tilespmem:s2+$0x70]  }
0x87: {  	s16 =	simm.s32 $0x4880;
	s8 =	simm.s32 $0x0;
	v5 =	vld.idx.msk [tilespmem:v62+s26+$0x0], $0xffff  }
.LBB2_7:
0x88: {  	s8 =	sadd.s32 $0x2, s8;
	v8 =	vld [tilespmem:s2+$0x50];
	v2 =	vadd.s32 $0x2, v2;
	s16 =	sadd.s32 $0x100, s16  }
0x89: {  	p0 =	slt.u32 s8, $0x4E;
	v9 =	vld [tilespmem:s2+$0x30]  }
0x8a: {  	v10 =	vld [tilespmem:s2+$0x40]  }
0x8b: {  	v11 =	vld [tilespmem:s2+$0x60];
	_ =	sdelay $0x1  }
0x8c: {  	v3 =	vmul.f32 v3, v5;
	v4 =	vmul.f32 v4, v5  }
0x8d: {  	v7 =	vmul.f32 v7, v5;
	v9 =	vmul.f32 v9, v5  }
0x8e: {  	v8 =	vmul.f32 v8, v5;
	[tilespmem:s2+$0x0] =	vst v3;
	v10 =	vmul.f32 v10, v5  }
0x8f: {  	v3 =	vld [tilespmem:s16+$0x0];
	[tilespmem:s2+$0x20] =	vst v7;
	v7 =	vmul.f32 v11, v5;
	v5 =	vmul.f32 v6, v5  }
0x90: {  	[tilespmem:s2+$0x10] =	vst v4  }
0x91: {  	[tilespmem:s2+$0x30] =	vst v9  }
0x92: {  	v6 =	vld [tilespmem:s16+$0xFFFFFFD0];
	[tilespmem:s2+$0x70] =	vst v5  }
0x93: {  	v5 =	vld [tilespmem:s16+$0xFFFFFFB0];
	[tilespmem:s2+$0x50] =	vst v8  }
0x94: {  	v8 =	vld [tilespmem:s16+$0xFFFFFFE0];
	[tilespmem:s2+$0x60] =	vst v7  }
0x95: {  	v7 =	vld [tilespmem:s16+$0xFFFFFFF0];
	[tilespmem:s2+$0x40] =	vst v10;
	s2 =	smov.u32 s16  }
0x96: {  	v9 =	vld.idx.msk [tilespmem:v2+s26+$0x0], $0xffff  }
0x97: {  	v10 =	vld [tilespmem:s16+$0xFFFFFF80]  }
0x98: {  	v11 =	vld [tilespmem:s16+$0xFFFFFFA0]  }
0x99: {  	v12 =	vld [tilespmem:s16+$0xFFFFFF90]  }
0x9a: {  	v13 =	vld [tilespmem:s16+$0xFFFFFFC0]  }
0x9b: {  	v4 =	vld [tilespmem:s16+$0x10]  }
0x9c: {  	v7 =	vmul.f32 v7, v9;
	v10 =	vmul.f32 v10, v9  }
0x9d: {  	v8 =	vmul.f32 v8, v9;
	v11 =	vmul.f32 v11, v9  }
0x9e: {  	v5 =	vmul.f32 v5, v9;
	v12 =	vmul.f32 v12, v9;
	[tilespmem:s16+$0xFFFFFFF0] =	vst v7  }
0x9f: {  	v6 =	vmul.f32 v6, v9;
	[tilespmem:s16+$0xFFFFFF80] =	vst v10;
	v10 =	vmul.f32 v13, v9  }
0xa0: {  	[tilespmem:s16+$0xFFFFFFA0] =	vst v11  }
0xa1: {  	[tilespmem:s16+$0xFFFFFFB0] =	vst v5;
	v5 =	vor.u32 $0x1, v2  }
.Ltmp2:
0xa2: {  	[tilespmem:s16+$0xFFFFFFD0] =	vst v6;
	(pc) =	sbr.rel @p0 .LBB2_7-.Ltmp2, $4  }
0xa3: {  	[tilespmem:s16+$0xFFFFFFE0] =	vst v8  }
0xa4: {  	[tilespmem:s16+$0xFFFFFF90] =	vst v12;
	v7 =	vld [tilespmem:s16+$0x20]  }
0xa5: {  	[tilespmem:s16+$0xFFFFFFC0] =	vst v10;
	v6 =	vld [tilespmem:s16+$0x70]  }
0xa6: {  	v5 =	vld.idx.msk [tilespmem:v5+s26+$0x0], $0xffff  }
0xa7: {  	_ =	sdelay $0x1  }
0xa8: {  	v2 =	vld [tilespmem:s2+$0x30]  }
0xa9: {  	v8 =	vld [tilespmem:s2+$0x50]  }
0xaa: {  	v3 =	vmul.f32 v3, v5  }
0xab: {  	v9 =	vld [tilespmem:s2+$0x60];
	v7 =	vmul.f32 v7, v5  }
0xac: {  	v10 =	vld [tilespmem:s2+$0x40];
	v4 =	vmul.f32 v4, v5;
	[tilespmem:s2+$0x0] =	vst v3  }
0xad: {  	v2 =	vmul.f32 v2, v5;
	[tilespmem:s2+$0x20] =	vst v7  }
0xae: {  	v62 =	vmul.f32 v8, v5;
	[tilespmem:s2+$0x10] =	vst v4  }
0xaf: {  	v3 =	vmul.f32 v6, v5;
	[tilespmem:s2+$0x30] =	vst v2  }
0xb0: {  	v2 =	vmul.f32 v9, v5;
	[tilespmem:s2+$0x50] =	vst v62  }
0xb1: {  	[tilespmem:s2+$0x70] =	vst v3;
	v3 =	vmul.f32 v10, v5  }
0xb2: {  	[tilespmem:s2+$0x60] =	vst v2  }
0xb3: {  	[tilespmem:s2+$0x40] =	vst v3  }
0xb4: {  	[spmem:s4] =	stream.indirect.scatter.add.f32 [tilespmem:s21], [sflag:$0x4], $0x80, s23, s31, $0xb8;
	v63 =	vld [tilespmem:$0x0]  }
0xb5: {  	s20 =	simm.s32 $0x100;
	s2 =	simm.s32 $0x0  }
0xb6: {  	[tilespmem:s10], [sflag:$0x3] =	stream.indirect.gather [hbm4b:s6+s31], $0x80, s20, s31, $0xb8;
	v63 =	vld [tilespmem:$0x0]  }
.LBB2_9:
0xb7: {  	s17 =	smul.u32 $0x3, s2;
	_ =	sdelay $0x1  }
0xb8: {  	s8 =	sadd.s32 $0x1, s17  }
0xb9: {  	s7 =	smul.u32 $0x50, s8;
	_ =	sdelay $0x1  }
0xba: {  	v2 =	vmov s7  }
0xbb: {  	_ =	swait.ge [sflag:s11], $0x2800  }
0xbc: {  	[sflag:s11] =	ssyncset.done $0x0  }
0xbd: {  	s16 =	simm.s32 $0x7080;
	[sflag:s11] =	ssyncadd.s32 $0xFFFFD800  }
0xbe: {  	v4 =	vld [tilespmem:s16+$0xFFFFFFF0]  }
0xbf: {  	v7 =	vld.idx.msk [tilespmem:v2+s26+$0x0], $0xffff  }
0xc0: {  	v8 =	vld [tilespmem:s16+$0xFFFFFF80]  }
0xc1: {  	v9 =	vld [tilespmem:s16+$0xFFFFFFA0]  }
0xc2: {  	v6 =	vld [tilespmem:s16+$0xFFFFFFB0]  }
0xc3: {  	v5 =	vld [tilespmem:s16+$0xFFFFFFD0]  }
0xc4: {  	v10 =	vld [tilespmem:s16+$0xFFFFFFE0];
	v13 =	vmul.f32 v4, v7  }
0xc5: {  	v11 =	vld [tilespmem:s16+$0xFFFFFF90];
	v8 =	vmul.f32 v8, v7  }
0xc6: {  	v12 =	vld [tilespmem:s16+$0xFFFFFFC0];
	v9 =	vmul.f32 v9, v7;
	[tilespmem:s16+$0xFFFFFFF0] =	vst v13  }
0xc7: {  	v6 =	vmul.f32 v6, v7;
	[tilespmem:s16+$0xFFFFFF80] =	vst v8  }
0xc8: {  	v5 =	vmul.f32 v5, v7;
	[tilespmem:s16+$0xFFFFFFA0] =	vst v9  }
0xc9: {  	v62 =	vor.u32 $0x1, v2;
	v8 =	vmul.f32 v10, v7;
	[tilespmem:s16+$0xFFFFFFB0] =	vst v6  }
0xca: {  	v3 =	vld [tilespmem:s16+$0x0];
	v6 =	vmul.f32 v11, v7;
	[tilespmem:s16+$0xFFFFFFD0] =	vst v5  }
0xcb: {  	v4 =	vld [tilespmem:s16+$0x10];
	v5 =	vmul.f32 v12, v7;
	[tilespmem:s16+$0xFFFFFFE0] =	vst v8  }
0xcc: {  	v7 =	vld [tilespmem:s16+$0x20];
	[tilespmem:s16+$0xFFFFFF90] =	vst v6  }
0xcd: {  	[tilespmem:s16+$0xFFFFFFC0] =	vst v5;
	v6 =	vld [tilespmem:s16+$0x70]  }
0xce: {  	s19 =	simm.s32 $0x0;
	s20 =	simm.s32 $0x7080;
	v5 =	vld.idx.msk [tilespmem:v62+s26+$0x0], $0xffff  }
.LBB2_10:
0xcf: {  	s19 =	sadd.s32 $0x2, s19;
	v8 =	vld [tilespmem:s16+$0x50];
	v2 =	vadd.s32 $0x2, v2;
	s20 =	sadd.s32 $0x100, s20  }
0xd0: {  	p0 =	slt.u32 s19, $0x4E;
	v9 =	vld [tilespmem:s16+$0x30]  }
0xd1: {  	v10 =	vld [tilespmem:s16+$0x40]  }
0xd2: {  	v11 =	vld [tilespmem:s16+$0x60];
	_ =	sdelay $0x1  }
0xd3: {  	v3 =	vmul.f32 v3, v5;
	v4 =	vmul.f32 v4, v5  }
0xd4: {  	v7 =	vmul.f32 v7, v5;
	v9 =	vmul.f32 v9, v5  }
0xd5: {  	v8 =	vmul.f32 v8, v5;
	[tilespmem:s16+$0x0] =	vst v3;
	v10 =	vmul.f32 v10, v5  }
0xd6: {  	v3 =	vld [tilespmem:s20+$0x0];
	[tilespmem:s16+$0x20] =	vst v7;
	v7 =	vmul.f32 v11, v5;
	v5 =	vmul.f32 v6, v5  }
0xd7: {  	[tilespmem:s16+$0x10] =	vst v4  }
0xd8: {  	[tilespmem:s16+$0x30] =	vst v9  }
0xd9: {  	v6 =	vld [tilespmem:s20+$0xFFFFFFD0];
	[tilespmem:s16+$0x70] =	vst v5  }
0xda: {  	v5 =	vld [tilespmem:s20+$0xFFFFFFB0];
	[tilespmem:s16+$0x50] =	vst v8  }
0xdb: {  	v8 =	vld [tilespmem:s20+$0xFFFFFFE0];
	[tilespmem:s16+$0x60] =	vst v7  }
0xdc: {  	v7 =	vld [tilespmem:s20+$0xFFFFFFF0];
	[tilespmem:s16+$0x40] =	vst v10;
	s16 =	smov.u32 s20  }
0xdd: {  	v9 =	vld.idx.msk [tilespmem:v2+s26+$0x0], $0xffff  }
0xde: {  	v10 =	vld [tilespmem:s20+$0xFFFFFF80]  }
0xdf: {  	v11 =	vld [tilespmem:s20+$0xFFFFFFA0]  }
0xe0: {  	v12 =	vld [tilespmem:s20+$0xFFFFFF90]  }
0xe1: {  	v13 =	vld [tilespmem:s20+$0xFFFFFFC0]  }
0xe2: {  	v4 =	vld [tilespmem:s20+$0x10]  }
0xe3: {  	v7 =	vmul.f32 v7, v9;
	v10 =	vmul.f32 v10, v9  }
0xe4: {  	v8 =	vmul.f32 v8, v9;
	v11 =	vmul.f32 v11, v9  }
0xe5: {  	v5 =	vmul.f32 v5, v9;
	v12 =	vmul.f32 v12, v9;
	[tilespmem:s20+$0xFFFFFFF0] =	vst v7  }
0xe6: {  	v6 =	vmul.f32 v6, v9;
	[tilespmem:s20+$0xFFFFFF80] =	vst v10;
	v10 =	vmul.f32 v13, v9  }
0xe7: {  	[tilespmem:s20+$0xFFFFFFA0] =	vst v11  }
0xe8: {  	[tilespmem:s20+$0xFFFFFFB0] =	vst v5;
	v5 =	vor.u32 $0x1, v2  }
.Ltmp3:
0xe9: {  	[tilespmem:s20+$0xFFFFFFD0] =	vst v6;
	(pc) =	sbr.rel @p0 .LBB2_10-.Ltmp3, $4  }
0xea: {  	[tilespmem:s20+$0xFFFFFFE0] =	vst v8  }
0xeb: {  	[tilespmem:s20+$0xFFFFFF90] =	vst v12;
	v7 =	vld [tilespmem:s20+$0x20]  }
0xec: {  	[tilespmem:s20+$0xFFFFFFC0] =	vst v10;
	v6 =	vld [tilespmem:s20+$0x70]  }
0xed: {  	v5 =	vld.idx.msk [tilespmem:v5+s26+$0x0], $0xffff  }
0xee: {  	_ =	sdelay $0x1  }
0xef: {  	v2 =	vld [tilespmem:s16+$0x30];
	_ =	sdelay $0x1  }
0xf0: {  	v8 =	vld [tilespmem:s16+$0x50];
	v3 =	vmul.f32 v3, v5  }
0xf1: {  	v9 =	vld [tilespmem:s16+$0x60];
	v7 =	vmul.f32 v7, v5  }
0xf2: {  	v10 =	vld [tilespmem:s16+$0x40];
	v4 =	vmul.f32 v4, v5;
	[tilespmem:s16+$0x0] =	vst v3  }
0xf3: {  	v2 =	vmul.f32 v2, v5;
	[tilespmem:s16+$0x20] =	vst v7  }
0xf4: {  	v3 =	vmul.f32 v6, v5;
	[tilespmem:s16+$0x10] =	vst v4  }
0xf5: {  	v4 =	vmul.f32 v8, v5;
	[tilespmem:s16+$0x30] =	vst v2  }
0xf6: {  	v2 =	vmul.f32 v9, v5;
	[tilespmem:s16+$0x70] =	vst v3  }
0xf7: {  	s7 =	sshll.u32 s8, $0x7;
	v3 =	vmul.f32 v10, v5;
	[tilespmem:s16+$0x50] =	vst v4  }
0xf8: {  	s7 =	sand.u32 $0x3FFFFF80, s7;
	[tilespmem:s16+$0x60] =	vst v2  }
0xf9: {  	s7 =	sadd.s32 $0x1C00, s7;
	[tilespmem:s16+$0x40] =	vst v3  }
0xfa: {  	[spmem:s4] =	stream.indirect.scatter.add.f32 [tilespmem:s3], [sflag:$0x5], $0x80, s7, s31, $0xb8;
	v63 =	vld [tilespmem:$0x0]  }
0xfb: {  	s16 =	sadd.s32 $0x3, s17;
	s17 =	sadd.s32 $0x2, s17;
	_ =	swait.ge [sflag:s12], $0x2800  }
0xfc: {  	s20 =	smul.u32 $0x50, s17;
	[sflag:s12] =	ssyncset.done $0x0  }
0xfd: {  	s8 =	sshll.u32 s16, $0x7;
	[sflag:s12] =	ssyncadd.s32 $0xFFFFD800  }
0xfe: {  	v2 =	vmov s20;
	[tilespmem:s21], [sflag:$0x1] =	stream.indirect.gather [hbm4b:s6+s31], $0x80, s8, s31, $0xb8;
	v63 =	vld [tilespmem:$0x0]  }
0xff: {  	_ =	swait.ge [sflag:s13], $0x2800  }
0x100: {  	[sflag:s13] =	ssyncset.done $0x0  }
0x101: {  	s19 =	simm.s32 $0x9880;
	[sflag:s13] =	ssyncadd.s32 $0xFFFFD800  }
0x102: {  	v4 =	vld [tilespmem:s19+$0xFFFFFFF0]  }
0x103: {  	v7 =	vld.idx.msk [tilespmem:v2+s26+$0x0], $0xffff  }
0x104: {  	v8 =	vld [tilespmem:s19+$0xFFFFFF80]  }
0x105: {  	v60 =	vld [tilespmem:s19+$0xFFFFFFA0]  }
0x106: {  	v6 =	vld [tilespmem:s19+$0xFFFFFFB0]  }
0x107: {  	v5 =	vld [tilespmem:s19+$0xFFFFFFD0]  }
0x108: {  	v61 =	vld [tilespmem:s19+$0xFFFFFFE0];
	v13 =	vmul.f32 v4, v7  }
0x109: {  	v11 =	vld [tilespmem:s19+$0xFFFFFF90];
	v8 =	vmul.f32 v8, v7  }
0x10a: {  	v12 =	vld [tilespmem:s19+$0xFFFFFFC0];
	v9 =	vmul.f32 v60, v7;
	[tilespmem:s19+$0xFFFFFFF0] =	vst v13  }
0x10b: {  	v6 =	vmul.f32 v6, v7;
	[tilespmem:s19+$0xFFFFFF80] =	vst v8  }
0x10c: {  	v5 =	vmul.f32 v5, v7;
	[tilespmem:s19+$0xFFFFFFA0] =	vst v9  }
0x10d: {  	v62 =	vor.u32 $0x1, v2;
	v8 =	vmul.f32 v61, v7;
	[tilespmem:s19+$0xFFFFFFB0] =	vst v6  }
0x10e: {  	v3 =	vld [tilespmem:s19+$0x0];
	v6 =	vmul.f32 v11, v7;
	[tilespmem:s19+$0xFFFFFFD0] =	vst v5  }
0x10f: {  	v4 =	vld [tilespmem:s19+$0x10];
	v5 =	vmul.f32 v12, v7;
	[tilespmem:s19+$0xFFFFFFE0] =	vst v8  }
0x110: {  	v7 =	vld [tilespmem:s19+$0x20];
	[tilespmem:s19+$0xFFFFFF90] =	vst v6  }
0x111: {  	[tilespmem:s19+$0xFFFFFFC0] =	vst v5;
	v6 =	vld [tilespmem:s19+$0x70]  }
0x112: {  	s7 =	simm.s32 $0x9880;
	s20 =	simm.s32 $0x0;
	v5 =	vld.idx.msk [tilespmem:v62+s26+$0x0], $0xffff  }
.LBB2_12:
0x113: {  	s20 =	sadd.s32 $0x2, s20;
	v8 =	vld [tilespmem:s19+$0x50];
	v2 =	vadd.s32 $0x2, v2;
	s7 =	sadd.s32 $0x100, s7  }
0x114: {  	p0 =	slt.u32 s20, $0x4E;
	v9 =	vld [tilespmem:s19+$0x30]  }
0x115: {  	v10 =	vld [tilespmem:s19+$0x40]  }
0x116: {  	v11 =	vld [tilespmem:s19+$0x60];
	_ =	sdelay $0x1  }
0x117: {  	v3 =	vmul.f32 v3, v5;
	v4 =	vmul.f32 v4, v5  }
0x118: {  	v7 =	vmul.f32 v7, v5;
	v9 =	vmul.f32 v9, v5  }
0x119: {  	v8 =	vmul.f32 v8, v5;
	[tilespmem:s19+$0x0] =	vst v3;
	v10 =	vmul.f32 v10, v5  }
0x11a: {  	v3 =	vld [tilespmem:s7+$0x0];
	[tilespmem:s19+$0x20] =	vst v7;
	v7 =	vmul.f32 v11, v5;
	v5 =	vmul.f32 v6, v5  }
0x11b: {  	[tilespmem:s19+$0x10] =	vst v4  }
0x11c: {  	[tilespmem:s19+$0x30] =	vst v9  }
0x11d: {  	v6 =	vld [tilespmem:s7+$0xFFFFFFD0];
	[tilespmem:s19+$0x70] =	vst v5  }
0x11e: {  	v5 =	vld [tilespmem:s7+$0xFFFFFFB0];
	[tilespmem:s19+$0x50] =	vst v8  }
0x11f: {  	v8 =	vld [tilespmem:s7+$0xFFFFFFE0];
	[tilespmem:s19+$0x60] =	vst v7  }
0x120: {  	v7 =	vld [tilespmem:s7+$0xFFFFFFF0];
	[tilespmem:s19+$0x40] =	vst v10;
	s19 =	smov.u32 s7  }
0x121: {  	v9 =	vld.idx.msk [tilespmem:v2+s26+$0x0], $0xffff  }
0x122: {  	v10 =	vld [tilespmem:s7+$0xFFFFFF80]  }
0x123: {  	v11 =	vld [tilespmem:s7+$0xFFFFFFA0]  }
0x124: {  	v12 =	vld [tilespmem:s7+$0xFFFFFF90]  }
0x125: {  	v13 =	vld [tilespmem:s7+$0xFFFFFFC0]  }
0x126: {  	v4 =	vld [tilespmem:s7+$0x10]  }
0x127: {  	v7 =	vmul.f32 v7, v9;
	v10 =	vmul.f32 v10, v9  }
0x128: {  	v8 =	vmul.f32 v8, v9;
	v11 =	vmul.f32 v11, v9  }
0x129: {  	v5 =	vmul.f32 v5, v9;
	v12 =	vmul.f32 v12, v9;
	[tilespmem:s7+$0xFFFFFFF0] =	vst v7  }
0x12a: {  	v6 =	vmul.f32 v6, v9;
	[tilespmem:s7+$0xFFFFFF80] =	vst v10;
	v10 =	vmul.f32 v13, v9  }
0x12b: {  	[tilespmem:s7+$0xFFFFFFA0] =	vst v11  }
0x12c: {  	[tilespmem:s7+$0xFFFFFFB0] =	vst v5;
	v5 =	vor.u32 $0x1, v2  }
.Ltmp4:
0x12d: {  	[tilespmem:s7+$0xFFFFFFD0] =	vst v6;
	(pc) =	sbr.rel @p0 .LBB2_12-.Ltmp4, $4  }
0x12e: {  	[tilespmem:s7+$0xFFFFFFE0] =	vst v8  }
0x12f: {  	[tilespmem:s7+$0xFFFFFF90] =	vst v12;
	v7 =	vld [tilespmem:s7+$0x20]  }
0x130: {  	[tilespmem:s7+$0xFFFFFFC0] =	vst v10;
	v6 =	vld [tilespmem:s7+$0x70]  }
0x131: {  	v5 =	vld.idx.msk [tilespmem:v5+s26+$0x0], $0xffff  }
0x132: {  	_ =	sdelay $0x1  }
0x133: {  	v2 =	vld [tilespmem:s19+$0x30];
	_ =	sdelay $0x1  }
0x134: {  	v8 =	vld [tilespmem:s19+$0x50];
	v3 =	vmul.f32 v3, v5  }
0x135: {  	v9 =	vld [tilespmem:s19+$0x60];
	v7 =	vmul.f32 v7, v5  }
0x136: {  	v10 =	vld [tilespmem:s19+$0x40];
	v4 =	vmul.f32 v4, v5;
	[tilespmem:s19+$0x0] =	vst v3  }
0x137: {  	v2 =	vmul.f32 v2, v5;
	[tilespmem:s19+$0x20] =	vst v7  }
0x138: {  	v3 =	vmul.f32 v6, v5;
	[tilespmem:s19+$0x10] =	vst v4  }
0x139: {  	v4 =	vmul.f32 v8, v5;
	[tilespmem:s19+$0x30] =	vst v2  }
0x13a: {  	v2 =	vmul.f32 v9, v5;
	[tilespmem:s19+$0x70] =	vst v3  }
0x13b: {  	s7 =	sshll.u32 s17, $0x7;
	v3 =	vmul.f32 v10, v5;
	[tilespmem:s19+$0x50] =	vst v4  }
0x13c: {  	s7 =	sand.u32 $0x3FFFFF80, s7;
	[tilespmem:s19+$0x60] =	vst v2  }
0x13d: {  	s7 =	sadd.s32 $0x1C00, s7;
	[tilespmem:s19+$0x40] =	vst v3;
	s19 =	smul.u32 $0x600, s2  }
0x13e: {  	[spmem:s4] =	stream.indirect.scatter.add.f32 [tilespmem:s10], [sflag:$0x6], $0x80, s7, s31, $0xb8;
	v63 =	vld [tilespmem:$0x0]  }
0x13f: {  	_ =	swait.ge [sflag:s14], $0x2800  }
0x140: {  	s20 =	smul.u32 $0x50, s16;
	s17 =	sshra.s32 s19, $0x2;
	[sflag:s14] =	ssyncset.done $0x0  }
0x141: {  	s7 =	sadd.s32 $0x200, s17;
	[sflag:s14] =	ssyncadd.s32 $0xFFFFD800  }
0x142: {  	v2 =	vmov s20;
	[tilespmem:s3], [sflag:$0x2] =	stream.indirect.gather [hbm4b:s6+s31], $0x80, s7, s31, $0xb8;
	v63 =	vld [tilespmem:$0x0]  }
0x143: {  	_ =	swait.ge [sflag:s0], $0x2800  }
0x144: {  	[sflag:s0] =	ssyncset.done $0x0  }
0x145: {  	s16 =	simm.s32 $0x4880;
	[sflag:s0] =	ssyncadd.s32 $0xFFFFD800  }
0x146: {  	v4 =	vld [tilespmem:s16+$0xFFFFFFF0]  }
0x147: {  	v7 =	vld.idx.msk [tilespmem:v2+s26+$0x0], $0xffff  }
0x148: {  	v8 =	vld [tilespmem:s16+$0xFFFFFF80]  }
0x149: {  	v60 =	vld [tilespmem:s16+$0xFFFFFFA0]  }
0x14a: {  	v6 =	vld [tilespmem:s16+$0xFFFFFFB0]  }
0x14b: {  	v5 =	vld [tilespmem:s16+$0xFFFFFFD0]  }
0x14c: {  	v61 =	vld [tilespmem:s16+$0xFFFFFFE0];
	v13 =	vmul.f32 v4, v7  }
0x14d: {  	v11 =	vld [tilespmem:s16+$0xFFFFFF90];
	v8 =	vmul.f32 v8, v7  }
0x14e: {  	v12 =	vld [tilespmem:s16+$0xFFFFFFC0];
	v9 =	vmul.f32 v60, v7;
	[tilespmem:s16+$0xFFFFFFF0] =	vst v13  }
0x14f: {  	v6 =	vmul.f32 v6, v7;
	[tilespmem:s16+$0xFFFFFF80] =	vst v8  }
0x150: {  	v5 =	vmul.f32 v5, v7;
	[tilespmem:s16+$0xFFFFFFA0] =	vst v9  }
0x151: {  	v62 =	vor.u32 $0x1, v2;
	v8 =	vmul.f32 v61, v7;
	[tilespmem:s16+$0xFFFFFFB0] =	vst v6  }
0x152: {  	v3 =	vld [tilespmem:s16+$0x0];
	v6 =	vmul.f32 v11, v7;
	[tilespmem:s16+$0xFFFFFFD0] =	vst v5  }
0x153: {  	v4 =	vld [tilespmem:s16+$0x10];
	v5 =	vmul.f32 v12, v7;
	[tilespmem:s16+$0xFFFFFFE0] =	vst v8  }
0x154: {  	v7 =	vld [tilespmem:s16+$0x20];
	[tilespmem:s16+$0xFFFFFF90] =	vst v6  }
0x155: {  	[tilespmem:s16+$0xFFFFFFC0] =	vst v5;
	v6 =	vld [tilespmem:s16+$0x70]  }
0x156: {  	s19 =	simm.s32 $0x0;
	s7 =	simm.s32 $0x4880;
	v5 =	vld.idx.msk [tilespmem:v62+s26+$0x0], $0xffff  }
.LBB2_14:
0x157: {  	s19 =	sadd.s32 $0x2, s19;
	v8 =	vld [tilespmem:s16+$0x50];
	v2 =	vadd.s32 $0x2, v2;
	s7 =	sadd.s32 $0x100, s7  }
0x158: {  	p0 =	slt.u32 s19, $0x4E;
	v9 =	vld [tilespmem:s16+$0x30]  }
0x159: {  	v10 =	vld [tilespmem:s16+$0x40]  }
0x15a: {  	v11 =	vld [tilespmem:s16+$0x60];
	_ =	sdelay $0x1  }
0x15b: {  	v3 =	vmul.f32 v3, v5;
	v4 =	vmul.f32 v4, v5  }
0x15c: {  	v7 =	vmul.f32 v7, v5;
	v9 =	vmul.f32 v9, v5  }
0x15d: {  	v8 =	vmul.f32 v8, v5;
	[tilespmem:s16+$0x0] =	vst v3;
	v10 =	vmul.f32 v10, v5  }
0x15e: {  	v3 =	vld [tilespmem:s7+$0x0];
	[tilespmem:s16+$0x20] =	vst v7;
	v7 =	vmul.f32 v11, v5;
	v5 =	vmul.f32 v6, v5  }
0x15f: {  	[tilespmem:s16+$0x10] =	vst v4  }
0x160: {  	[tilespmem:s16+$0x30] =	vst v9  }
0x161: {  	v6 =	vld [tilespmem:s7+$0xFFFFFFD0];
	[tilespmem:s16+$0x70] =	vst v5  }
0x162: {  	v5 =	vld [tilespmem:s7+$0xFFFFFFB0];
	[tilespmem:s16+$0x50] =	vst v8  }
0x163: {  	v8 =	vld [tilespmem:s7+$0xFFFFFFE0];
	[tilespmem:s16+$0x60] =	vst v7  }
0x164: {  	v7 =	vld [tilespmem:s7+$0xFFFFFFF0];
	[tilespmem:s16+$0x40] =	vst v10;
	s16 =	smov.u32 s7  }
0x165: {  	v9 =	vld.idx.msk [tilespmem:v2+s26+$0x0], $0xffff  }
0x166: {  	v10 =	vld [tilespmem:s7+$0xFFFFFF80]  }
0x167: {  	v11 =	vld [tilespmem:s7+$0xFFFFFFA0]  }
0x168: {  	v12 =	vld [tilespmem:s7+$0xFFFFFF90]  }
0x169: {  	v13 =	vld [tilespmem:s7+$0xFFFFFFC0]  }
0x16a: {  	v4 =	vld [tilespmem:s7+$0x10]  }
0x16b: {  	v7 =	vmul.f32 v7, v9;
	v10 =	vmul.f32 v10, v9  }
0x16c: {  	v8 =	vmul.f32 v8, v9;
	v11 =	vmul.f32 v11, v9  }
0x16d: {  	v5 =	vmul.f32 v5, v9;
	v12 =	vmul.f32 v12, v9;
	[tilespmem:s7+$0xFFFFFFF0] =	vst v7  }
0x16e: {  	v6 =	vmul.f32 v6, v9;
	[tilespmem:s7+$0xFFFFFF80] =	vst v10;
	v10 =	vmul.f32 v13, v9  }
0x16f: {  	[tilespmem:s7+$0xFFFFFFA0] =	vst v11  }
0x170: {  	[tilespmem:s7+$0xFFFFFFB0] =	vst v5;
	v5 =	vor.u32 $0x1, v2  }
.Ltmp5:
0x171: {  	[tilespmem:s7+$0xFFFFFFD0] =	vst v6;
	(pc) =	sbr.rel @p0 .LBB2_14-.Ltmp5, $4  }
0x172: {  	[tilespmem:s7+$0xFFFFFFE0] =	vst v8  }
0x173: {  	[tilespmem:s7+$0xFFFFFF90] =	vst v12;
	v7 =	vld [tilespmem:s7+$0x20]  }
0x174: {  	[tilespmem:s7+$0xFFFFFFC0] =	vst v10;
	v6 =	vld [tilespmem:s7+$0x70]  }
0x175: {  	v5 =	vld.idx.msk [tilespmem:v5+s26+$0x0], $0xffff  }
0x176: {  	_ =	sdelay $0x1  }
0x177: {  	v2 =	vld [tilespmem:s16+$0x30]  }
0x178: {  	v8 =	vld [tilespmem:s16+$0x50]  }
0x179: {  	v3 =	vmul.f32 v3, v5  }
0x17a: {  	v9 =	vld [tilespmem:s16+$0x60];
	v7 =	vmul.f32 v7, v5  }
0x17b: {  	v10 =	vld [tilespmem:s16+$0x40];
	v4 =	vmul.f32 v4, v5;
	[tilespmem:s16+$0x0] =	vst v3  }
0x17c: {  	v2 =	vmul.f32 v2, v5;
	[tilespmem:s16+$0x20] =	vst v7  }
0x17d: {  	v62 =	vmul.f32 v8, v5;
	[tilespmem:s16+$0x10] =	vst v4  }
0x17e: {  	v3 =	vmul.f32 v6, v5;
	[tilespmem:s16+$0x30] =	vst v2  }
0x17f: {  	v2 =	vmul.f32 v9, v5;
	[tilespmem:s16+$0x50] =	vst v62  }
0x180: {  	[tilespmem:s16+$0x70] =	vst v3;
	v3 =	vmul.f32 v10, v5  }
0x181: {  	s2 =	sadd.s32 $0x1, s2;
	[tilespmem:s16+$0x60] =	vst v2  }
0x182: {  	s7 =	sadd.s32 $0x1C00, s8;
	p0 =	sne.s32 s2, $0xF;
	[tilespmem:s16+$0x40] =	vst v3  }
0x183: {  	[spmem:s4] =	stream.indirect.scatter.add.f32 [tilespmem:s21], [sflag:$0x4], $0x80, s7, s31, $0xb8;
	v63 =	vld [tilespmem:$0x0]  }
.Ltmp6:
0x184: {  	_ = 	snop;
	(pc) =	sbr.rel @p0 .LBB2_9-.Ltmp6, $4  }
0x185: {  	_ =	swait.ge [sflag:s15], $0x2800  }
0x186: {  	[sflag:s15] =	ssyncset.done $0x0  }
0x187: {  	s20 =	sadd.s32 $0x280, s17;
	[sflag:s15] =	ssyncadd.s32 $0xFFFFD800  }
0x188: {  	[tilespmem:s10], [sflag:$0x3] =	stream.indirect.gather [hbm4b:s6+s31], $0x80, s20, s31, $0xb8;
	v63 =	vld [tilespmem:$0x0]  }
0x189: {  	v2 =	vimm.s32 $0xE60  }
0x18a: {  	_ =	swait.ge [sflag:s11], $0x2800  }
0x18b: {  	[sflag:s11] =	ssyncset.done $0x0  }
0x18c: {  	s2 =	simm.s32 $0x7080;
	[sflag:s11] =	ssyncadd.s32 $0xFFFFD800  }
0x18d: {  	v4 =	vld [tilespmem:s2+$0xFFFFFFF0]  }
0x18e: {  	v7 =	vld.idx.msk [tilespmem:v2+s26+$0x0], $0xffff  }
0x18f: {  	v8 =	vld [tilespmem:s2+$0xFFFFFF80]  }
0x190: {  	v9 =	vld [tilespmem:s2+$0xFFFFFFA0]  }
0x191: {  	v6 =	vld [tilespmem:s2+$0xFFFFFFB0]  }
0x192: {  	v5 =	vld [tilespmem:s2+$0xFFFFFFD0]  }
0x193: {  	v10 =	vld [tilespmem:s2+$0xFFFFFFE0];
	v13 =	vmul.f32 v4, v7  }
0x194: {  	v11 =	vld [tilespmem:s2+$0xFFFFFF90];
	v8 =	vmul.f32 v8, v7  }
0x195: {  	v12 =	vld [tilespmem:s2+$0xFFFFFFC0];
	v9 =	vmul.f32 v9, v7;
	[tilespmem:s2+$0xFFFFFFF0] =	vst v13  }
0x196: {  	v6 =	vmul.f32 v6, v7;
	[tilespmem:s2+$0xFFFFFF80] =	vst v8  }
0x197: {  	v5 =	vmul.f32 v5, v7;
	[tilespmem:s2+$0xFFFFFFA0] =	vst v9  }
0x198: {  	v62 =	vor.u32 $0x1, v2;
	v8 =	vmul.f32 v10, v7;
	[tilespmem:s2+$0xFFFFFFB0] =	vst v6  }
0x199: {  	v3 =	vld [tilespmem:s2+$0x0];
	v6 =	vmul.f32 v11, v7;
	[tilespmem:s2+$0xFFFFFFD0] =	vst v5  }
0x19a: {  	v4 =	vld [tilespmem:s2+$0x10];
	v5 =	vmul.f32 v12, v7;
	[tilespmem:s2+$0xFFFFFFE0] =	vst v8  }
0x19b: {  	v7 =	vld [tilespmem:s2+$0x20];
	[tilespmem:s2+$0xFFFFFF90] =	vst v6  }
0x19c: {  	[tilespmem:s2+$0xFFFFFFC0] =	vst v5;
	v6 =	vld [tilespmem:s2+$0x70]  }
0x19d: {  	s8 =	simm.s32 $0x0;
	s7 =	simm.s32 $0x7080;
	v5 =	vld.idx.msk [tilespmem:v62+s26+$0x0], $0xffff  }
.LBB2_17:
0x19e: {  	s8 =	sadd.s32 $0x2, s8;
	v8 =	vld [tilespmem:s2+$0x50];
	v2 =	vadd.s32 $0x2, v2;
	s7 =	sadd.s32 $0x100, s7  }
0x19f: {  	p0 =	slt.u32 s8, $0x4E;
	v9 =	vld [tilespmem:s2+$0x30]  }
0x1a0: {  	v10 =	vld [tilespmem:s2+$0x40]  }
0x1a1: {  	v11 =	vld [tilespmem:s2+$0x60];
	_ =	sdelay $0x1  }
0x1a2: {  	v3 =	vmul.f32 v3, v5;
	v4 =	vmul.f32 v4, v5  }
0x1a3: {  	v7 =	vmul.f32 v7, v5;
	v9 =	vmul.f32 v9, v5  }
0x1a4: {  	v8 =	vmul.f32 v8, v5;
	[tilespmem:s2+$0x0] =	vst v3;
	v10 =	vmul.f32 v10, v5  }
0x1a5: {  	v3 =	vld [tilespmem:s7+$0x0];
	[tilespmem:s2+$0x20] =	vst v7;
	v7 =	vmul.f32 v11, v5;
	v5 =	vmul.f32 v6, v5  }
0x1a6: {  	[tilespmem:s2+$0x10] =	vst v4  }
0x1a7: {  	[tilespmem:s2+$0x30] =	vst v9  }
0x1a8: {  	v6 =	vld [tilespmem:s7+$0xFFFFFFD0];
	[tilespmem:s2+$0x70] =	vst v5  }
0x1a9: {  	v5 =	vld [tilespmem:s7+$0xFFFFFFB0];
	[tilespmem:s2+$0x50] =	vst v8  }
0x1aa: {  	v8 =	vld [tilespmem:s7+$0xFFFFFFE0];
	[tilespmem:s2+$0x60] =	vst v7  }
0x1ab: {  	v7 =	vld [tilespmem:s7+$0xFFFFFFF0];
	[tilespmem:s2+$0x40] =	vst v10;
	s2 =	smov.u32 s7  }
0x1ac: {  	v9 =	vld.idx.msk [tilespmem:v2+s26+$0x0], $0xffff  }
0x1ad: {  	v10 =	vld [tilespmem:s7+$0xFFFFFF80]  }
0x1ae: {  	v11 =	vld [tilespmem:s7+$0xFFFFFFA0]  }
0x1af: {  	v12 =	vld [tilespmem:s7+$0xFFFFFF90]  }
0x1b0: {  	v13 =	vld [tilespmem:s7+$0xFFFFFFC0]  }
0x1b1: {  	v4 =	vld [tilespmem:s7+$0x10]  }
0x1b2: {  	v7 =	vmul.f32 v7, v9;
	v10 =	vmul.f32 v10, v9  }
0x1b3: {  	v8 =	vmul.f32 v8, v9;
	v11 =	vmul.f32 v11, v9  }
0x1b4: {  	v5 =	vmul.f32 v5, v9;
	v12 =	vmul.f32 v12, v9;
	[tilespmem:s7+$0xFFFFFFF0] =	vst v7  }
0x1b5: {  	v6 =	vmul.f32 v6, v9;
	[tilespmem:s7+$0xFFFFFF80] =	vst v10;
	v10 =	vmul.f32 v13, v9  }
0x1b6: {  	[tilespmem:s7+$0xFFFFFFA0] =	vst v11  }
0x1b7: {  	[tilespmem:s7+$0xFFFFFFB0] =	vst v5;
	v5 =	vor.u32 $0x1, v2  }
.Ltmp7:
0x1b8: {  	[tilespmem:s7+$0xFFFFFFD0] =	vst v6;
	(pc) =	sbr.rel @p0 .LBB2_17-.Ltmp7, $4  }
0x1b9: {  	[tilespmem:s7+$0xFFFFFFE0] =	vst v8  }
0x1ba: {  	[tilespmem:s7+$0xFFFFFF90] =	vst v12;
	v7 =	vld [tilespmem:s7+$0x20]  }
0x1bb: {  	[tilespmem:s7+$0xFFFFFFC0] =	vst v10;
	v6 =	vld [tilespmem:s7+$0x70]  }
0x1bc: {  	v5 =	vld.idx.msk [tilespmem:v5+s26+$0x0], $0xffff  }
0x1bd: {  	_ =	sdelay $0x1  }
0x1be: {  	v2 =	vld [tilespmem:s2+$0x30];
	_ =	sdelay $0x1  }
0x1bf: {  	v8 =	vld [tilespmem:s2+$0x50];
	v3 =	vmul.f32 v3, v5  }
0x1c0: {  	v9 =	vld [tilespmem:s2+$0x60];
	v7 =	vmul.f32 v7, v5  }
0x1c1: {  	v10 =	vld [tilespmem:s2+$0x40];
	v4 =	vmul.f32 v4, v5;
	[tilespmem:s2+$0x0] =	vst v3  }
0x1c2: {  	v2 =	vmul.f32 v2, v5;
	[tilespmem:s2+$0x20] =	vst v7  }
0x1c3: {  	v3 =	vmul.f32 v6, v5;
	[tilespmem:s2+$0x10] =	vst v4  }
0x1c4: {  	v4 =	vmul.f32 v8, v5;
	[tilespmem:s2+$0x30] =	vst v2  }
0x1c5: {  	v2 =	vmul.f32 v9, v5;
	[tilespmem:s2+$0x70] =	vst v3  }
0x1c6: {  	v3 =	vmul.f32 v10, v5;
	[tilespmem:s2+$0x50] =	vst v4  }
0x1c7: {  	[tilespmem:s2+$0x60] =	vst v2  }
0x1c8: {  	s19 =	simm.s32 $0x3300;
	[tilespmem:s2+$0x40] =	vst v3  }
0x1c9: {  	[spmem:s4] =	stream.indirect.scatter.add.f32 [tilespmem:s3], [sflag:$0x5], $0x80, s19, s31, $0xb8;
	v63 =	vld [tilespmem:$0x0]  }
0x1ca: {  	_ =	swait.ge [sflag:s12], $0x2800  }
0x1cb: {  	[sflag:s12] =	ssyncset.done $0x0  }
0x1cc: {  	s20 =	simm.s32 $0x1800;
	[sflag:s12] =	ssyncadd.s32 $0xFFFFD800  }
0x1cd: {  	v2 =	vimm.s32 $0xEB0;
	[tilespmem:s21], [sflag:$0x1] =	stream.indirect.gather [hbm4b:s6+s31], $0x80, s20, s31, $0xb8;
	v63 =	vld [tilespmem:$0x0]  }
0x1ce: {  	_ =	swait.ge [sflag:s13], $0x2800  }
0x1cf: {  	[sflag:s13] =	ssyncset.done $0x0  }
0x1d0: {  	s2 =	simm.s32 $0x9880;
	[sflag:s13] =	ssyncadd.s32 $0xFFFFD800  }
0x1d1: {  	v4 =	vld [tilespmem:s2+$0xFFFFFFF0]  }
0x1d2: {  	v7 =	vld.idx.msk [tilespmem:v2+s26+$0x0], $0xffff  }
0x1d3: {  	v8 =	vld [tilespmem:s2+$0xFFFFFF80]  }
0x1d4: {  	v60 =	vld [tilespmem:s2+$0xFFFFFFA0]  }
0x1d5: {  	v6 =	vld [tilespmem:s2+$0xFFFFFFB0]  }
0x1d6: {  	v5 =	vld [tilespmem:s2+$0xFFFFFFD0]  }
0x1d7: {  	v61 =	vld [tilespmem:s2+$0xFFFFFFE0];
	v13 =	vmul.f32 v4, v7  }
0x1d8: {  	v11 =	vld [tilespmem:s2+$0xFFFFFF90];
	v8 =	vmul.f32 v8, v7  }
0x1d9: {  	v12 =	vld [tilespmem:s2+$0xFFFFFFC0];
	v9 =	vmul.f32 v60, v7;
	[tilespmem:s2+$0xFFFFFFF0] =	vst v13  }
0x1da: {  	v6 =	vmul.f32 v6, v7;
	[tilespmem:s2+$0xFFFFFF80] =	vst v8  }
0x1db: {  	v5 =	vmul.f32 v5, v7;
	[tilespmem:s2+$0xFFFFFFA0] =	vst v9  }
0x1dc: {  	v62 =	vor.u32 $0x1, v2;
	v8 =	vmul.f32 v61, v7;
	[tilespmem:s2+$0xFFFFFFB0] =	vst v6  }
0x1dd: {  	v3 =	vld [tilespmem:s2+$0x0];
	v6 =	vmul.f32 v11, v7;
	[tilespmem:s2+$0xFFFFFFD0] =	vst v5  }
0x1de: {  	v4 =	vld [tilespmem:s2+$0x10];
	v5 =	vmul.f32 v12, v7;
	[tilespmem:s2+$0xFFFFFFE0] =	vst v8  }
0x1df: {  	v7 =	vld [tilespmem:s2+$0x20];
	[tilespmem:s2+$0xFFFFFF90] =	vst v6  }
0x1e0: {  	[tilespmem:s2+$0xFFFFFFC0] =	vst v5;
	v6 =	vld [tilespmem:s2+$0x70]  }
0x1e1: {  	s8 =	simm.s32 $0x0;
	s7 =	simm.s32 $0x9880;
	v5 =	vld.idx.msk [tilespmem:v62+s26+$0x0], $0xffff  }
.LBB2_19:
0x1e2: {  	s8 =	sadd.s32 $0x2, s8;
	v8 =	vld [tilespmem:s2+$0x50];
	v2 =	vadd.s32 $0x2, v2;
	s7 =	sadd.s32 $0x100, s7  }
0x1e3: {  	p0 =	slt.u32 s8, $0x4E;
	v9 =	vld [tilespmem:s2+$0x30]  }
0x1e4: {  	v10 =	vld [tilespmem:s2+$0x40]  }
0x1e5: {  	v11 =	vld [tilespmem:s2+$0x60];
	_ =	sdelay $0x1  }
0x1e6: {  	v3 =	vmul.f32 v3, v5;
	v4 =	vmul.f32 v4, v5  }
0x1e7: {  	v7 =	vmul.f32 v7, v5;
	v9 =	vmul.f32 v9, v5  }
0x1e8: {  	v8 =	vmul.f32 v8, v5;
	[tilespmem:s2+$0x0] =	vst v3;
	v10 =	vmul.f32 v10, v5  }
0x1e9: {  	v3 =	vld [tilespmem:s7+$0x0];
	[tilespmem:s2+$0x20] =	vst v7;
	v7 =	vmul.f32 v11, v5;
	v5 =	vmul.f32 v6, v5  }
0x1ea: {  	[tilespmem:s2+$0x10] =	vst v4  }
0x1eb: {  	[tilespmem:s2+$0x30] =	vst v9  }
0x1ec: {  	v6 =	vld [tilespmem:s7+$0xFFFFFFD0];
	[tilespmem:s2+$0x70] =	vst v5  }
0x1ed: {  	v5 =	vld [tilespmem:s7+$0xFFFFFFB0];
	[tilespmem:s2+$0x50] =	vst v8  }
0x1ee: {  	v8 =	vld [tilespmem:s7+$0xFFFFFFE0];
	[tilespmem:s2+$0x60] =	vst v7  }
0x1ef: {  	v7 =	vld [tilespmem:s7+$0xFFFFFFF0];
	[tilespmem:s2+$0x40] =	vst v10;
	s2 =	smov.u32 s7  }
0x1f0: {  	v9 =	vld.idx.msk [tilespmem:v2+s26+$0x0], $0xffff  }
0x1f1: {  	v10 =	vld [tilespmem:s7+$0xFFFFFF80]  }
0x1f2: {  	v11 =	vld [tilespmem:s7+$0xFFFFFFA0]  }
0x1f3: {  	v12 =	vld [tilespmem:s7+$0xFFFFFF90]  }
0x1f4: {  	v13 =	vld [tilespmem:s7+$0xFFFFFFC0]  }
0x1f5: {  	v4 =	vld [tilespmem:s7+$0x10]  }
0x1f6: {  	v7 =	vmul.f32 v7, v9;
	v10 =	vmul.f32 v10, v9  }
0x1f7: {  	v8 =	vmul.f32 v8, v9;
	v11 =	vmul.f32 v11, v9  }
0x1f8: {  	v5 =	vmul.f32 v5, v9;
	v12 =	vmul.f32 v12, v9;
	[tilespmem:s7+$0xFFFFFFF0] =	vst v7  }
0x1f9: {  	v6 =	vmul.f32 v6, v9;
	[tilespmem:s7+$0xFFFFFF80] =	vst v10;
	v10 =	vmul.f32 v13, v9  }
0x1fa: {  	[tilespmem:s7+$0xFFFFFFA0] =	vst v11  }
0x1fb: {  	[tilespmem:s7+$0xFFFFFFB0] =	vst v5;
	v5 =	vor.u32 $0x1, v2  }
.Ltmp8:
0x1fc: {  	[tilespmem:s7+$0xFFFFFFD0] =	vst v6;
	(pc) =	sbr.rel @p0 .LBB2_19-.Ltmp8, $4  }
0x1fd: {  	[tilespmem:s7+$0xFFFFFFE0] =	vst v8  }
0x1fe: {  	[tilespmem:s7+$0xFFFFFF90] =	vst v12;
	v7 =	vld [tilespmem:s7+$0x20]  }
0x1ff: {  	[tilespmem:s7+$0xFFFFFFC0] =	vst v10;
	v6 =	vld [tilespmem:s7+$0x70]  }
0x200: {  	v5 =	vld.idx.msk [tilespmem:v5+s26+$0x0], $0xffff  }
0x201: {  	_ =	sdelay $0x1  }
0x202: {  	v2 =	vld [tilespmem:s2+$0x30];
	_ =	sdelay $0x1  }
0x203: {  	v8 =	vld [tilespmem:s2+$0x50];
	v3 =	vmul.f32 v3, v5  }
0x204: {  	v9 =	vld [tilespmem:s2+$0x60];
	v7 =	vmul.f32 v7, v5  }
0x205: {  	v10 =	vld [tilespmem:s2+$0x40];
	v4 =	vmul.f32 v4, v5;
	[tilespmem:s2+$0x0] =	vst v3  }
0x206: {  	v2 =	vmul.f32 v2, v5;
	[tilespmem:s2+$0x20] =	vst v7  }
0x207: {  	v3 =	vmul.f32 v6, v5;
	[tilespmem:s2+$0x10] =	vst v4  }
0x208: {  	v4 =	vmul.f32 v8, v5;
	[tilespmem:s2+$0x30] =	vst v2  }
0x209: {  	v2 =	vmul.f32 v9, v5;
	[tilespmem:s2+$0x70] =	vst v3  }
0x20a: {  	v3 =	vmul.f32 v10, v5;
	[tilespmem:s2+$0x50] =	vst v4  }
0x20b: {  	[tilespmem:s2+$0x60] =	vst v2  }
0x20c: {  	s19 =	simm.s32 $0x3380;
	[tilespmem:s2+$0x40] =	vst v3  }
0x20d: {  	[spmem:s4] =	stream.indirect.scatter.add.f32 [tilespmem:s10], [sflag:$0x6], $0x80, s19, s31, $0xb8;
	v63 =	vld [tilespmem:$0x0]  }
0x20e: {  	_ =	swait.ge [sflag:s14], $0x2800  }
0x20f: {  	[sflag:s14] =	ssyncset.done $0x0  }
0x210: {  	s20 =	simm.s32 $0x1880;
	[sflag:s14] =	ssyncadd.s32 $0xFFFFD800  }
0x211: {  	v2 =	vimm.s32 $0xF00;
	[tilespmem:s3], [sflag:$0x2] =	stream.indirect.gather [hbm4b:s6+s31], $0x80, s20, s31, $0xb8;
	v63 =	vld [tilespmem:$0x0]  }
0x212: {  	_ =	swait.ge [sflag:s0], $0x2800  }
0x213: {  	[sflag:s0] =	ssyncset.done $0x0  }
0x214: {  	s2 =	simm.s32 $0x4880;
	[sflag:s0] =	ssyncadd.s32 $0xFFFFD800  }
0x215: {  	v4 =	vld [tilespmem:s2+$0xFFFFFFF0]  }
0x216: {  	v7 =	vld.idx.msk [tilespmem:v2+s26+$0x0], $0xffff  }
0x217: {  	v8 =	vld [tilespmem:s2+$0xFFFFFF80]  }
0x218: {  	v60 =	vld [tilespmem:s2+$0xFFFFFFA0]  }
0x219: {  	v6 =	vld [tilespmem:s2+$0xFFFFFFB0]  }
0x21a: {  	v5 =	vld [tilespmem:s2+$0xFFFFFFD0]  }
0x21b: {  	v61 =	vld [tilespmem:s2+$0xFFFFFFE0];
	v13 =	vmul.f32 v4, v7  }
0x21c: {  	v11 =	vld [tilespmem:s2+$0xFFFFFF90];
	v8 =	vmul.f32 v8, v7  }
0x21d: {  	v12 =	vld [tilespmem:s2+$0xFFFFFFC0];
	v9 =	vmul.f32 v60, v7;
	[tilespmem:s2+$0xFFFFFFF0] =	vst v13  }
0x21e: {  	v6 =	vmul.f32 v6, v7;
	[tilespmem:s2+$0xFFFFFF80] =	vst v8  }
0x21f: {  	v5 =	vmul.f32 v5, v7;
	[tilespmem:s2+$0xFFFFFFA0] =	vst v9  }
0x220: {  	v62 =	vor.u32 $0x1, v2;
	v8 =	vmul.f32 v61, v7;
	[tilespmem:s2+$0xFFFFFFB0] =	vst v6  }
0x221: {  	v3 =	vld [tilespmem:s2+$0x0];
	v6 =	vmul.f32 v11, v7;
	[tilespmem:s2+$0xFFFFFFD0] =	vst v5  }
0x222: {  	v4 =	vld [tilespmem:s2+$0x10];
	v5 =	vmul.f32 v12, v7;
	[tilespmem:s2+$0xFFFFFFE0] =	vst v8  }
0x223: {  	v7 =	vld [tilespmem:s2+$0x20];
	[tilespmem:s2+$0xFFFFFF90] =	vst v6  }
0x224: {  	[tilespmem:s2+$0xFFFFFFC0] =	vst v5;
	v6 =	vld [tilespmem:s2+$0x70]  }
0x225: {  	s8 =	simm.s32 $0x0;
	s7 =	simm.s32 $0x4880;
	v5 =	vld.idx.msk [tilespmem:v62+s26+$0x0], $0xffff  }
.LBB2_21:
0x226: {  	s8 =	sadd.s32 $0x2, s8;
	v8 =	vld [tilespmem:s2+$0x50];
	v2 =	vadd.s32 $0x2, v2;
	s7 =	sadd.s32 $0x100, s7  }
0x227: {  	p0 =	slt.u32 s8, $0x4E;
	v9 =	vld [tilespmem:s2+$0x30]  }
0x228: {  	v10 =	vld [tilespmem:s2+$0x40]  }
0x229: {  	v11 =	vld [tilespmem:s2+$0x60];
	_ =	sdelay $0x1  }
0x22a: {  	v3 =	vmul.f32 v3, v5;
	v4 =	vmul.f32 v4, v5  }
0x22b: {  	v7 =	vmul.f32 v7, v5;
	v9 =	vmul.f32 v9, v5  }
0x22c: {  	v8 =	vmul.f32 v8, v5;
	[tilespmem:s2+$0x0] =	vst v3;
	v10 =	vmul.f32 v10, v5  }
0x22d: {  	v3 =	vld [tilespmem:s7+$0x0];
	[tilespmem:s2+$0x20] =	vst v7;
	v7 =	vmul.f32 v11, v5;
	v5 =	vmul.f32 v6, v5  }
0x22e: {  	[tilespmem:s2+$0x10] =	vst v4  }
0x22f: {  	[tilespmem:s2+$0x30] =	vst v9  }
0x230: {  	v6 =	vld [tilespmem:s7+$0xFFFFFFD0];
	[tilespmem:s2+$0x70] =	vst v5  }
0x231: {  	v5 =	vld [tilespmem:s7+$0xFFFFFFB0];
	[tilespmem:s2+$0x50] =	vst v8  }
0x232: {  	v8 =	vld [tilespmem:s7+$0xFFFFFFE0];
	[tilespmem:s2+$0x60] =	vst v7  }
0x233: {  	v7 =	vld [tilespmem:s7+$0xFFFFFFF0];
	[tilespmem:s2+$0x40] =	vst v10;
	s2 =	smov.u32 s7  }
0x234: {  	v9 =	vld.idx.msk [tilespmem:v2+s26+$0x0], $0xffff  }
0x235: {  	v10 =	vld [tilespmem:s7+$0xFFFFFF80]  }
0x236: {  	v11 =	vld [tilespmem:s7+$0xFFFFFFA0]  }
0x237: {  	v12 =	vld [tilespmem:s7+$0xFFFFFF90]  }
0x238: {  	v13 =	vld [tilespmem:s7+$0xFFFFFFC0]  }
0x239: {  	v4 =	vld [tilespmem:s7+$0x10]  }
0x23a: {  	v7 =	vmul.f32 v7, v9;
	v10 =	vmul.f32 v10, v9  }
0x23b: {  	v8 =	vmul.f32 v8, v9;
	v11 =	vmul.f32 v11, v9  }
0x23c: {  	v5 =	vmul.f32 v5, v9;
	v12 =	vmul.f32 v12, v9;
	[tilespmem:s7+$0xFFFFFFF0] =	vst v7  }
0x23d: {  	v6 =	vmul.f32 v6, v9;
	[tilespmem:s7+$0xFFFFFF80] =	vst v10;
	v10 =	vmul.f32 v13, v9  }
0x23e: {  	[tilespmem:s7+$0xFFFFFFA0] =	vst v11  }
0x23f: {  	[tilespmem:s7+$0xFFFFFFB0] =	vst v5;
	v5 =	vor.u32 $0x1, v2  }
.Ltmp9:
0x240: {  	[tilespmem:s7+$0xFFFFFFD0] =	vst v6;
	(pc) =	sbr.rel @p0 .LBB2_21-.Ltmp9, $4  }
0x241: {  	[tilespmem:s7+$0xFFFFFFE0] =	vst v8  }
0x242: {  	[tilespmem:s7+$0xFFFFFF90] =	vst v12;
	v7 =	vld [tilespmem:s7+$0x20]  }
0x243: {  	[tilespmem:s7+$0xFFFFFFC0] =	vst v10;
	v6 =	vld [tilespmem:s7+$0x70]  }
0x244: {  	v5 =	vld.idx.msk [tilespmem:v5+s26+$0x0], $0xffff  }
0x245: {  	_ =	sdelay $0x1  }
0x246: {  	v2 =	vld [tilespmem:s2+$0x30];
	_ =	sdelay $0x1  }
0x247: {  	v8 =	vld [tilespmem:s2+$0x50];
	v3 =	vmul.f32 v3, v5  }
0x248: {  	v9 =	vld [tilespmem:s2+$0x60];
	v7 =	vmul.f32 v7, v5  }
0x249: {  	v10 =	vld [tilespmem:s2+$0x40];
	v4 =	vmul.f32 v4, v5;
	[tilespmem:s2+$0x0] =	vst v3  }
0x24a: {  	v2 =	vmul.f32 v2, v5;
	[tilespmem:s2+$0x20] =	vst v7  }
0x24b: {  	v3 =	vmul.f32 v6, v5;
	[tilespmem:s2+$0x10] =	vst v4  }
0x24c: {  	v4 =	vmul.f32 v8, v5;
	[tilespmem:s2+$0x30] =	vst v2  }
0x24d: {  	v2 =	vmul.f32 v9, v5;
	[tilespmem:s2+$0x70] =	vst v3  }
0x24e: {  	v3 =	vmul.f32 v10, v5;
	[tilespmem:s2+$0x50] =	vst v4  }
0x24f: {  	[tilespmem:s2+$0x60] =	vst v2  }
0x250: {  	s20 =	simm.s32 $0x3400;
	[tilespmem:s2+$0x40] =	vst v3  }
0x251: {  	[spmem:s4] =	stream.indirect.scatter.add.f32 [tilespmem:s21], [sflag:$0x4], $0x80, s20, s31, $0xb8;
	v63 =	vld [tilespmem:$0x0]  }
0x252: {  	_ =	swait.ge [sflag:s15], $0x2800  }
0x253: {  	[sflag:s15] =	ssyncset.done $0x0  }
0x254: {  	v2 =	vimm.s32 $0xF50;
	[sflag:s15] =	ssyncadd.s32 $0xFFFFD800  }
0x255: {  	_ =	swait.ge [sflag:s11], $0x2800  }
0x256: {  	[sflag:s11] =	ssyncset.done $0x0  }
0x257: {  	s2 =	simm.s32 $0x7080;
	[sflag:s11] =	ssyncadd.s32 $0xFFFFD800  }
0x258: {  	v4 =	vld [tilespmem:s2+$0xFFFFFFF0]  }
0x259: {  	v7 =	vld.idx.msk [tilespmem:v2+s26+$0x0], $0xffff  }
0x25a: {  	v8 =	vld [tilespmem:s2+$0xFFFFFF80]  }
0x25b: {  	v60 =	vld [tilespmem:s2+$0xFFFFFFA0]  }
0x25c: {  	v6 =	vld [tilespmem:s2+$0xFFFFFFB0]  }
0x25d: {  	v5 =	vld [tilespmem:s2+$0xFFFFFFD0]  }
0x25e: {  	v61 =	vld [tilespmem:s2+$0xFFFFFFE0];
	v13 =	vmul.f32 v4, v7  }
0x25f: {  	v11 =	vld [tilespmem:s2+$0xFFFFFF90];
	v8 =	vmul.f32 v8, v7  }
0x260: {  	v12 =	vld [tilespmem:s2+$0xFFFFFFC0];
	v9 =	vmul.f32 v60, v7;
	[tilespmem:s2+$0xFFFFFFF0] =	vst v13  }
0x261: {  	v6 =	vmul.f32 v6, v7;
	[tilespmem:s2+$0xFFFFFF80] =	vst v8  }
0x262: {  	v5 =	vmul.f32 v5, v7;
	[tilespmem:s2+$0xFFFFFFA0] =	vst v9  }
0x263: {  	v62 =	vor.u32 $0x1, v2;
	v8 =	vmul.f32 v61, v7;
	[tilespmem:s2+$0xFFFFFFB0] =	vst v6  }
0x264: {  	v3 =	vld [tilespmem:s2+$0x0];
	v6 =	vmul.f32 v11, v7;
	[tilespmem:s2+$0xFFFFFFD0] =	vst v5  }
0x265: {  	v4 =	vld [tilespmem:s2+$0x10];
	v5 =	vmul.f32 v12, v7;
	[tilespmem:s2+$0xFFFFFFE0] =	vst v8  }
0x266: {  	v7 =	vld [tilespmem:s2+$0x20];
	[tilespmem:s2+$0xFFFFFF90] =	vst v6  }
0x267: {  	[tilespmem:s2+$0xFFFFFFC0] =	vst v5;
	v6 =	vld [tilespmem:s2+$0x70]  }
0x268: {  	s8 =	simm.s32 $0x0;
	s7 =	simm.s32 $0x7080;
	v5 =	vld.idx.msk [tilespmem:v62+s26+$0x0], $0xffff  }
.LBB2_23:
0x269: {  	s8 =	sadd.s32 $0x2, s8;
	v8 =	vld [tilespmem:s2+$0x50];
	v2 =	vadd.s32 $0x2, v2;
	s7 =	sadd.s32 $0x100, s7  }
0x26a: {  	p0 =	slt.u32 s8, $0x4E;
	v9 =	vld [tilespmem:s2+$0x30]  }
0x26b: {  	v10 =	vld [tilespmem:s2+$0x40]  }
0x26c: {  	v11 =	vld [tilespmem:s2+$0x60];
	_ =	sdelay $0x1  }
0x26d: {  	v3 =	vmul.f32 v3, v5;
	v4 =	vmul.f32 v4, v5  }
0x26e: {  	v7 =	vmul.f32 v7, v5;
	v9 =	vmul.f32 v9, v5  }
0x26f: {  	v8 =	vmul.f32 v8, v5;
	[tilespmem:s2+$0x0] =	vst v3;
	v10 =	vmul.f32 v10, v5  }
0x270: {  	v3 =	vld [tilespmem:s7+$0x0];
	[tilespmem:s2+$0x20] =	vst v7;
	v7 =	vmul.f32 v11, v5;
	v5 =	vmul.f32 v6, v5  }
0x271: {  	[tilespmem:s2+$0x10] =	vst v4  }
0x272: {  	[tilespmem:s2+$0x30] =	vst v9  }
0x273: {  	v6 =	vld [tilespmem:s7+$0xFFFFFFD0];
	[tilespmem:s2+$0x70] =	vst v5  }
0x274: {  	v5 =	vld [tilespmem:s7+$0xFFFFFFB0];
	[tilespmem:s2+$0x50] =	vst v8  }
0x275: {  	v8 =	vld [tilespmem:s7+$0xFFFFFFE0];
	[tilespmem:s2+$0x60] =	vst v7  }
0x276: {  	v7 =	vld [tilespmem:s7+$0xFFFFFFF0];
	[tilespmem:s2+$0x40] =	vst v10;
	s2 =	smov.u32 s7  }
0x277: {  	v9 =	vld.idx.msk [tilespmem:v2+s26+$0x0], $0xffff  }
0x278: {  	v10 =	vld [tilespmem:s7+$0xFFFFFF80]  }
0x279: {  	v11 =	vld [tilespmem:s7+$0xFFFFFFA0]  }
0x27a: {  	v12 =	vld [tilespmem:s7+$0xFFFFFF90]  }
0x27b: {  	v13 =	vld [tilespmem:s7+$0xFFFFFFC0]  }
0x27c: {  	v4 =	vld [tilespmem:s7+$0x10]  }
0x27d: {  	v7 =	vmul.f32 v7, v9;
	v10 =	vmul.f32 v10, v9  }
0x27e: {  	v8 =	vmul.f32 v8, v9;
	v11 =	vmul.f32 v11, v9  }
0x27f: {  	v5 =	vmul.f32 v5, v9;
	v12 =	vmul.f32 v12, v9;
	[tilespmem:s7+$0xFFFFFFF0] =	vst v7  }
0x280: {  	v6 =	vmul.f32 v6, v9;
	[tilespmem:s7+$0xFFFFFF80] =	vst v10;
	v10 =	vmul.f32 v13, v9  }
0x281: {  	[tilespmem:s7+$0xFFFFFFA0] =	vst v11  }
0x282: {  	[tilespmem:s7+$0xFFFFFFB0] =	vst v5;
	v5 =	vor.u32 $0x1, v2  }
.Ltmp10:
0x283: {  	[tilespmem:s7+$0xFFFFFFD0] =	vst v6;
	(pc) =	sbr.rel @p0 .LBB2_23-.Ltmp10, $4  }
0x284: {  	[tilespmem:s7+$0xFFFFFFE0] =	vst v8  }
0x285: {  	[tilespmem:s7+$0xFFFFFF90] =	vst v12;
	v7 =	vld [tilespmem:s7+$0x20]  }
0x286: {  	[tilespmem:s7+$0xFFFFFFC0] =	vst v10;
	v6 =	vld [tilespmem:s7+$0x70]  }
0x287: {  	v5 =	vld.idx.msk [tilespmem:v5+s26+$0x0], $0xffff  }
0x288: {  	_ =	sdelay $0x1  }
0x289: {  	v2 =	vld [tilespmem:s2+$0x30]  }
0x28a: {  	v8 =	vld [tilespmem:s2+$0x50]  }
0x28b: {  	v3 =	vmul.f32 v3, v5  }
0x28c: {  	v9 =	vld [tilespmem:s2+$0x60];
	v7 =	vmul.f32 v7, v5  }
0x28d: {  	v10 =	vld [tilespmem:s2+$0x40];
	v4 =	vmul.f32 v4, v5;
	[tilespmem:s2+$0x0] =	vst v3  }
0x28e: {  	v2 =	vmul.f32 v2, v5;
	[tilespmem:s2+$0x20] =	vst v7  }
0x28f: {  	v62 =	vmul.f32 v8, v5;
	[tilespmem:s2+$0x10] =	vst v4  }
0x290: {  	v3 =	vmul.f32 v6, v5;
	[tilespmem:s2+$0x30] =	vst v2  }
0x291: {  	v2 =	vmul.f32 v9, v5;
	[tilespmem:s2+$0x50] =	vst v62  }
0x292: {  	[tilespmem:s2+$0x70] =	vst v3;
	v3 =	vmul.f32 v10, v5  }
0x293: {  	[tilespmem:s2+$0x60] =	vst v2  }
0x294: {  	[tilespmem:s2+$0x40] =	vst v3  }
0x295: {  	[spmem:s4] =	stream.indirect.scatter.add.f32 [tilespmem:s3], [sflag:$0x5], $0x80, s22, s31, $0xb8;
	v63 =	vld [tilespmem:$0x0]  }
0x296: {  	_ =	swait.ge [sflag:s12], $0x2800  }
0x297: {  	[sflag:s12] =	ssyncset.done $0x0  }
0x298: {  	s1 =	sadd.s32 $0x1, s1;
	[sflag:s12] =	ssyncadd.s32 $0xFFFFD800  }
0x299: {  	s16 =	smul.u32 $0x1C00, s1;
	_ =	swait.ge [sflag:s14], $0x2800  }
0x29a: {  	[sflag:s14] =	ssyncset.done $0x0  }
0x29b: {  	s2 =	sadd.s32 s9, s16;
	[sflag:s14] =	ssyncadd.s32 $0xFFFFD800  }
0x29c: {  	s2 =	sshrl.u32 s2, $0x3;
	s7 =	rddreg [dreg:$0x0]  }
0x29d: {  	s17 =	rddreg [dreg:$0x1];
	s7 =	sadd.s32 s7, s2  }
0x29e: {  	[tilespmem:s5], [sflag:$0x7] =	stream.linear.gather [hbm4b:s7+s5], $0x1900, $0x38;
	v63 =	vld [tilespmem:$0x0]  }
0x29f: {  	p0 =	sne.s32 s1, $0x5;
	s2 =	sadd.s32 s17, s2  }
0x2a0: {  	[tilespmem:s23], [sflag:$0x8] =	stream.linear.gather [hbm4b:s2+s5], $0x1900, $0x38;
	v63 =	vld [tilespmem:$0x0]  }
.Ltmp11:
0x2a1: {  	s19 =	sshll.u32 s1, $0x9;
	(pc) =	sbr.rel @p0 .LBB2_4-.Ltmp11, $4  }
0x2a2: {  	s2 =	sand.u32 $0x1000, s19  }
0x2a3: {  	s20 =	sshll.u32 s1, $0x4;
	s2 =	sadd.s32 s2, s18  }
0x2a4: {  	s2 =	sadd.s32 s20, s2  }
0x2a5: {  	[tilespmem:s26], [sflag:$0x9] =	stream.strided.gather [hbm4b:s2+s24], $0x1000, s25, s24, $0x38;
	v63 =	vld [tilespmem:$0x0]  }
0x2a6: {  	_ =	swait.ge [sflag:s28], $0x1900  }
0x2a7: {  	[sflag:s28] =	ssyncset.done $0x0  }
0x2a8: {  	[sflag:s28] =	ssyncadd.s32 $0xFFFFE700  }
0x2a9: {  	_ =	swait.ge [sflag:s29], $0x1900  }
0x2aa: {  	[sflag:s29] =	ssyncset.done $0x0  }
0x2ab: {  	[sflag:s29] =	ssyncadd.s32 $0xFFFFE700  }
0x2ac: {  	_ =	swait.ge [sflag:s30], $0x1000  }
0x2ad: {  	[sflag:s30] =	ssyncset.done $0x0  }
0x2ae: {  	[sflag:s30] =	ssyncadd.s32 $0xFFFFF000  }
0x2af: {  	s1 =	stileid.u32;
	[bflag:$0x0] =	sbarrier.arrive $0xFFFF  }
0x2b0: {  	s1 =	sshll.u32 s1, $0x6;
	s7 =	rddreg [dreg:$0x5]  }
0x2b1: {  	s1 =	sor.u32 $0x1C0A, s1;
	s8 =	rddreg [dreg:$0xf];
	s2 =	sshrl.u32 s7, $0x3  }
0x2b2: {  	[hbm:s8], [sflag:s1] =	dma.local [spmem:s2], $0x2800  }
0x2b3: {  	s8 =	simm.s32 $0xA  }
0x2b4: {  	_ =	swait.ge [sflag:s8], $0x2800  }
0x2b5: {  	s19 =	rddreg [dreg:$0x11]  }
0x2b6: {  	s20 =	rddreg [dreg:$0x10];
	s2 =	sadd.s32 $0x1, s19  }
0x2b7: {  	p0 =	sne.s32 s2, s20  }
.Ltmp12:
0x2b8: {  	_ = 	snop;
	(pc) =	sbr.rel @p0 .LBB2_1-.Ltmp12, $3  }
0x2b9: {  	_ =	sdelay $0x1  }
0x2ba: {  	[sflag:s8] =	ssyncset.done $0x0  }
0x2bb: {  	[sflag:s8] =	ssyncadd.s32 $0xFFFFD800  }
0x2bc: {  	_ =	sfence.sel $0x180000  }
0x2bd: {  	[bflag:$0x0] =	sbarrier.arrive $0xFFFF  }
0x2be: {  	_ =	strace $0x9000004A  }
0x2bf: {  	s0 =	stileid.u32;
	[bflag:$0x2] =	sbarrier.arrive $0xFFFF  }
0x2c0: {  	p0 =	sne.s32 s0, $0x0;
	s0 =	rddreg [dreg:$0x4]  }
0x2c1: {  	s0 =	sadd.s32 @!p0 $0x100000, s0  }
0x2c2: {  	[sflag:s0] =	ssyncadd.tile.s32 @!p0 $0x1;
	_ =	shalt  }
.Lfunc_end2:
_tile_overlayer_lowered:
.L_overlay_start_2:
0x2c3: {  	(tag) =	ssettag $0x2  }
0x2c4: {  	s0 =	rddreg [dreg:$0x0];
	s2 =	stileid.u32  }
0x2c5: {  	s1 =	rddreg [dreg:$0x1];
	p0 =	sne.s32 s2, $0x0  }
0x2c6: {  	s3 =	rddreg [dreg:$0x2];
	[bflag:$0x3] =	sbarrier.arrive $0xFFFF;
	s2 =	simm.s32 @!p0 $0x1C0A  }
0x2c7: {  	[timem:s3], [sflag:s2] =	dma.local @!p0 [hbm:s0], s1  }
0x2c8: {  	s0 =	simm.s32 @!p0 $0xA  }
0x2c9: {  	_ =	swait.ge @!p0 [sflag:s0], s1  }
0x2ca: {  	s1 =	ssub.s32 @!p0 $0x0, s1;
	[sflag:s0] =	ssyncset.done @!p0 $0x0  }
0x2cb: {  	[sflag:s0] =	ssyncadd.s32 @!p0 s1  }
0x2cc: {  	[bflag:$0x3] =	sbarrier.arrive $0xFFFF  }
0x2cd: {  	_ =	shalt  }

// kernel: kernel.7.cloned.1.call-start
scs
__scs_entry_jumppad:
0x0: {  	(pc) =	sbr.rel $0x88, $3  }
0x1: {  	(tag) =	ssettag $0x0;
	lr =	simm.s32 $0x1  }
0x2: {  	[smem:$0x3F83] =	sst lr;
	_ =	strace $0xD0000000  }
0x3: {  	_ = 	snop  }
0x4: {  	_ = 	snop  }
0x5: {  	_ = 	snop  }
0x6: {  	_ = 	snop  }
0x7: {  	_ = 	snop  }
__scs_overlays_trampoline_lowered:
0x8: {  	[smem:$0x3F92] =	sst s0  }
0x9: {  	[smem:$0x3F93] =	sst s1  }
0xa: {  	[smem:$0x3F94] =	sst s2  }
0xb: {  	[smem:$0x3F95] =	sst s3  }
0xc: {  	[smem:$0x3F96] =	sst s4  }
0xd: {  	[smem:$0x3F97] =	sst s5  }
0xe: {  	[smem:$0x3F98] =	sst s6  }
0xf: {  	[smem:$0x3F99] =	sst s7  }
0x10: {  	[smem:$0x3F9A] =	sst s8  }
0x11: {  	[smem:$0x3F9B] =	sst s9;
	s0 =	simm.s32 @!p0 $0x0  }
0x12: {  	s1 =	sld [smem:$0x3F81];
	s0 =	simm.s32 @p0 $0x1  }
0x13: {  	[smem:$0x3F9C] =	sst s0;
	s0 =	simm.s32 @!p1 $0x0  }
0x14: {  	s2 =	sld [smem:$0x3F80];
	s0 =	simm.s32 @p1 $0x1  }
0x15: {  	[smem:$0x3F9D] =	sst s0;
	s0 =	simm.s32 @!p2 $0x0  }
0x16: {  	s3 =	sld [smem:$0x3FDB];
	s0 =	simm.s32 @p2 $0x1  }
0x17: {  	s4 =	simm.s32 $0x1BF5;
	[smem:$0x3F9F] =	sst s0  }
0x18: {  	s0 =	sld [smem:$0x3F82];
	_ =	swait.ge [sflag:s4], $0x0  }
0x19: {  	s7 =	sld [smem:$0x3F83]  }
0x1a: {  	s8 =	sadd.s32 $0xFFFFE003, lr  }
0x1b: {  	s9 =	sadd.s32 $0xFFFFFEF7, lr;
	s5 =	simm.s32 $0xFFFFFFFF;
	p2 =	slt.u32 s8, $0xFFFFF086  }
0x1c: {  	p1 =	slt.u32 s9, $0xF7A;
	s5 =	simm.s32 @!p2 $0x0  }
0x1d: {  	s5 =	simm.s32 @p1 $0x1;
	p0 =	seq.s32 s7, s2  }
0x1e: {  	s7 =	smul.u32 @!p0 $0xF7A, s2;
	p2 =	seq.s32 @!p0 s5, $0x0  }
0x1f: {  	s9 =	smul.u32 $0xF7A, s1;
	s8 =	simm.s32 @!p0 $0x1BF5;
	p2 =	por !p2, p0  }
0x20: {  	[sflag:s8] =	ssyncset.s32 @!p0 $0xFFFFF086;
	s6 =	sadd.s32 @!p0 s3, s7;
	s7 =	simm.s32 @!p0 $0x108  }
0x21: {  	s3 =	sadd.s32 s3, s9;
	s6 =	sadd.s32 @!p0 $0x88, s6;
	s7 =	simm.s32 @p2 $0x1082  }
0x22: {  	[simem:s7], [sflag:s8] =	dma.local @!p0 [hbm:s6], $0xF7A  }
0x23: {  	s9 =	sor.u32 $0xD0000000, s2;
	s6 =	simm.s32 $0x108;
	_ =	swait.ge @!p0 [sflag:s8], $0x0  }
0x24: {  	s3 =	sadd.s32 $0x88, s3;
	s6 =	simm.s32 @!p1 $0x1082;
	[sflag:s4] =	ssyncset.s32 $0xFFFFF086  }
0x25: {  	[simem:s6], [sflag:s4] =	dma.local [hbm:s3], $0xF7A  }
0x26: {  	[smem:$0x3F83] =	sst s1;
	(tag) =	ssettag s2;
	_ =	strace s9  }
0x27: {  	s1 =	sld [smem:$0x3F93]  }
0x28: {  	s2 =	sld [smem:$0x3F94]  }
0x29: {  	s4 =	sld [smem:$0x3F96]  }
0x2a: {  	p0 =	seq.s32 s5, $0x0;
	s5 =	sld [smem:$0x3F97]  }
0x2b: {  	s6 =	sld [smem:$0x3F98]  }
0x2c: {  	s7 =	sld [smem:$0x3F99]  }
0x2d: {  	s3 =	simm.s32 $0x108;
	s8 =	sld [smem:$0x3F9A]  }
0x2e: {  	s3 =	simm.s32 @!p0 $0x1082;
	s9 =	sld [smem:$0x3F9B]  }
0x2f: {  	lr =	sadd.s32 s0, s3;
	s0 =	sld [smem:$0x3F92]  }
0x30: {  	s3 =	sld [smem:$0x3F95]  }
0x31: {  	[smem:$0x3F9E] =	sst s10  }
0x32: {  	s10 =	sld [smem:$0x3F9C];
	_ =	sdelay $0x3  }
0x33: {  	p0 =	seq.s32 s10, $0x1;
	s10 =	sld [smem:$0x3F9E];
	_ =	sdelay $0x3  }
0x34: {  	[smem:$0x3F9E] =	sst s10  }
0x35: {  	s10 =	sld [smem:$0x3F9D];
	_ =	sdelay $0x3  }
0x36: {  	p1 =	seq.s32 s10, $0x1;
	s10 =	sld [smem:$0x3F9E];
	_ =	sdelay $0x3  }
0x37: {  	[smem:$0x3F9E] =	sst s10  }
0x38: {  	s10 =	sld [smem:$0x3F9F]  }
0x39: {  	_ = 	snop;
	(pc) =	sbr.ind lr, $3  }
0x3a: {  	_ = 	snop  }
0x3b: {  	_ = 	snop  }
0x3c: {  	p2 =	seq.s32 s10, $0x1;
	s10 =	sld [smem:$0x3F9E]  }
0x3d: {  	_ =	shalt  }
0x3e: {  	_ =	shalt  }
0x3f: {  	_ =	shalt  }
0x40: {  	_ =	shalt  }
0x41: {  	_ =	shalt  }
0x42: {  	_ =	shalt  }
0x43: {  	_ =	shalt  }
0x44: {  	_ =	shalt  }
0x45: {  	_ =	shalt  }
0x46: {  	_ =	shalt  }
0x47: {  	_ =	shalt  }
0x48: {  	_ =	shalt  }
0x49: {  	_ =	shalt  }
0x4a: {  	_ =	shalt  }
0x4b: {  	_ =	shalt  }
0x4c: {  	_ =	shalt  }
0x4d: {  	_ =	shalt  }
0x4e: {  	_ =	shalt  }
0x4f: {  	_ =	shalt  }
0x50: {  	_ =	shalt  }
0x51: {  	_ =	shalt  }
0x52: {  	_ =	shalt  }
0x53: {  	_ =	shalt  }
0x54: {  	_ =	shalt  }
0x55: {  	_ =	shalt  }
0x56: {  	_ =	shalt  }
0x57: {  	_ =	shalt  }
0x58: {  	_ =	shalt  }
0x59: {  	_ =	shalt  }
0x5a: {  	_ =	shalt  }
0x5b: {  	_ =	shalt  }
0x5c: {  	_ =	shalt  }
0x5d: {  	_ =	shalt  }
0x5e: {  	_ =	shalt  }
0x5f: {  	_ =	shalt  }
0x60: {  	_ =	shalt  }
0x61: {  	_ =	shalt  }
0x62: {  	_ =	shalt  }
0x63: {  	_ =	shalt  }
0x64: {  	_ =	shalt  }
0x65: {  	_ =	shalt  }
0x66: {  	_ =	shalt  }
0x67: {  	_ =	shalt  }
0x68: {  	_ =	shalt  }
0x69: {  	_ =	shalt  }
0x6a: {  	_ =	shalt  }
0x6b: {  	_ =	shalt  }
0x6c: {  	_ =	shalt  }
0x6d: {  	_ =	shalt  }
0x6e: {  	_ =	shalt  }
0x6f: {  	_ =	shalt  }
0x70: {  	_ =	shalt  }
0x71: {  	_ =	shalt  }
0x72: {  	_ =	shalt  }
0x73: {  	_ =	shalt  }
0x74: {  	_ =	shalt  }
0x75: {  	_ =	shalt  }
0x76: {  	_ =	shalt  }
0x77: {  	_ =	shalt  }
0x78: {  	_ =	shalt  }
0x79: {  	_ =	shalt  }
0x7a: {  	_ =	shalt  }
0x7b: {  	_ =	shalt  }
0x7c: {  	_ =	shalt  }
0x7d: {  	_ =	shalt  }
0x7e: {  	_ =	shalt  }
0x7f: {  	_ =	shalt  }
0x80: {  	_ =	shalt  }
0x81: {  	_ =	shalt  }
0x82: {  	_ =	shalt  }
0x83: {  	_ =	shalt  }
0x84: {  	_ =	shalt  }
0x85: {  	_ =	shalt  }
0x86: {  	_ =	shalt  }
0x87: {  	_ =	shalt  }
.Lfunc_end0:
.L_simem_size_0:
called_computation_lowered:
.L_overlay_start_0:
0x88: {  	s2 =	sld [smem:$0x3FD9]  }
0x89: {  	s3 =	sld [smem:$0x3FFE];
	_ =	sdelay $0x1  }
0x8a: {  	s1 =	srdreg.scid  }
0x8b: {  	s0 =	sand.u32 $0x1, s1  }
0x8c: {  	s17 =	sshll.u32 s0, $0xA;
	s2 =	sadd.s32 s3, s2  }
0x8d: {  	s2 =	sadd.s32 s2, s17  }
0x8e: {  	[smem:$0x3FAA] =	sst s2  }
0x8f: {  	_ = 	snop  }
0x90: {  	s2 =	sld [smem:$0x3FC7];
	(tm) =	ssettm $0x1  }
0x91: {  	s18 =	sld [smem:$0x3FFB];
	_ =	sdelay $0x3  }
0x92: {  	_ =	strace s18  }
0x93: {  	s3 =	sld [smem:$0x3FFC];
	_ =	sdelay $0x3  }
0x94: {  	_ =	strace s3  }
0x95: {  	s3 =	sld [smem:$0x3FFD];
	_ =	sdelay $0x3  }
0x96: {  	_ =	strace s3  }
0x97: {  	_ =	strace $0x8FFFFFFF  }
0x98: {  	s19 =	sld [smem:$0x3FDB];
	_ =	sdelay $0x1  }
0x99: {  	s4 =	simm.s32 $_scs_section_size  }
0x9a: {  	s5 =	simm.s32 $_size__tile_overlayer_lowered;
	s6 =	simm.s32 $_tile_overlayer_lowered  }
0x9b: {  	s22 =	simm.s32 $0x1BFF;
	s21 =	sshll.u32 s6, $0x1;
	s3 =	sadd.s32 s4, s19  }
0x9c: {  	s7 =	simm.s32 $0x0;
	s20 =	sshll.u32 s5, $0x1;
	s5 =	sadd.s32 s21, s3  }
0x9d: {  	[timem:s7], [sflag:s22] =	dma.local [hbm:s5], s20  }
0x9e: {  	_ =	swait.ge [sflag:s22], s20  }
0x9f: {  	s4 =	ssub.s32 $0x0, s20;
	[sflag:s22] =	ssyncset.done $0x0  }
0xa0: {  	[sflag:s22] =	ssyncadd.s32 s4;
	_ =	sdelay $0x1  }
0xa1: {  	s23 =	simm.s32 $0x1B8B  }
0xa2: {  	_ =	swait.ge [sflag:s23], $0x1  }
0xa3: {  	[sflag:s23] =	ssyncset.done $0x0  }
0xa4: {  	s25 =	simm.s32 $0x1B8E;
	s24 =	sld [smem:$0x3FFE];
	[sflag:s23] =	ssyncadd.s32 $0xFFFFFFFF  }
0xa5: {  	s26 =	simm.s32 $execute0_lowered;
	[smem:$0x3FD2] =	sst s25  }
0xa6: {  	s5 =	sshll.u32 s26, $0x1;
	_ =	strace $0x80000046;
	[dreg:$0x1] =	wrdreg $0xFFFFFFFF  }
0xa7: {  	s28 =	simm.s32 $_size_execute0_lowered;
	s3 =	sadd.s32 s3, s5;
	[dreg:$0x0] =	wrdreg $0x0  }
0xa8: {  	s5 =	sshll.u32 s28, $0x1;
	[dreg:$0x2] =	wrdreg s3  }
0xa9: {  	[dreg:$0x3] =	wrdreg s5  }
0xaa: {  	[dreg:$0x4] =	wrdreg $0xC0  }
0xab: {  	_ =	task [dreg:s7], $0x5FFFF  }
0xac: {  	[dreg:$0x1] =	wrdreg $0xFFFFFFFF  }
0xad: {  	[dreg:$0x0] =	wrdreg $0x60  }
0xae: {  	[dreg:$0x2] =	wrdreg s24  }
0xaf: {  	[dreg:$0x3] =	wrdreg s2  }
0xb0: {  	[dreg:$0x4] =	wrdreg $0x9  }
0xb1: {  	_ =	task.clear_ibuf [dreg:s7], $0x5FFFF;
	_ =	strace $0x90000046  }
0xb2: {  	s29 =	simm.s32 $0x9;
	_ =	strace $0x80000048  }
0xb3: {  	_ =	swait.ge [sflag:s29], $0x1  }
0xb4: {  	[sflag:s29] =	ssyncadd.s32 $0xFFFFFFFF  }
0xb5: {  	_ =	strace $0x90000048  }
0xb6: {  	_ =	sfence  }
0xb7: {  	s30 =	sld [smem:$0x0];
	_ =	sdelay $0x2  }
0xb8: {  	s31 =	sshll.u32 s1, $0xD;
	s1 =	sshrl.u32 s1, $0x2  }
0xb9: {  	s3 =	sand.u32 $0x4000, s31;
	s1 =	sadd.s32 s1, s30  }
0xba: {  	s0 =	sor.u32 s3, s0;
	s1 =	sshll.u32 s1, $0x11  }
0xbb: {  	s0 =	sor.u32 s1, s0  }
0xbc: {  	s0 =	sadd.s32 $0x8F2B, s0  }
0xbd: {  	[sflag:s0] =	ssyncadd.remote.s32 $0x1  }
0xbe: {  	_ =	sfence.sel $0xFFFF  }
0xbf: {  	[dreg:$0x0] =	wrdreg $0xFFFFFFFF;
	(pc) =	sbr.abs _section_cstart, $3  }
0xc0: {  	[dreg:$0x1] =	wrdreg $0xFFFFFFFF  }
0xc1: {  	_ =	task.clear_ibuf [dreg:s7], $0x2FFFF;
	_ =	strace $0x9FFFFFFF  }
0xc2: {  	(tm) =	ssettm $0x7FFFFFFF  }
0xc3: {  	_ =	shalt  }
tec
execute0_lowered:
.L_overlay_start_1:
0x0: {  	(tag) =	ssettag $0x1  }
0x1: {  	s3 =	rddreg [dreg:$0x0]  }
0x2: {  	s1 =	srdreg.scid;
	s0 =	stileid.u32  }
0x3: {  	s4 =	rddreg [dreg:$0x1];
	s10 =	simm.s32 $0x80;
	s11 =	simm.s32 $0x400  }
0x4: {  	s12 =	simm.s32 $0x0;
	s5 =	sand.u32 $0x1, s1;
	s2 =	sshll.u32 s0, $0x1  }
0x5: {  	s1 =	rddreg [dreg:$0x2];
	s7 =	sshrl.u32 s0, $0x2;
	s6 =	sor.u32 s5, s2  }
0x6: {  	s2 =	simm.s32 $0x0;
	s7 =	smul.u32 $0x14000, s7;
	s5 =	ssub.s32 $0x2, s5  }
0x7: {  	s8 =	sshll.u32 s6, $0x7;
	[smem:$0x7FF] =	sst s2;
	s6 =	smul.u32 $0x4E2, s6  }
0x8: {  	s9 =	sshrl.u32 s5, $0x1;
	s8 =	sand.u32 $0x380, s8;
	_ =	strace $0x80000047  }
0x9: {  	s9 =	ssub.s32 s5, s9;
	s7 =	sor.u32 s7, s8;
	s31 =	sadd.s32 s6, s3  }
0xa: {  	s4 =	sadd.s32 s4, s6;
	s6 =	smax.u32 s9, $0x1;
	s7 =	sshrl.u32 s7, $0x3  }
0xb: {  	s8 =	simm.s32 $0x2780;
	s9 =	simm.s32 $0x4F00;
	s7 =	sadd.s32 s7, s3  }
0xc: {  	v0 =	vimm.f32 $0.0e+00;
	s3 =	sadd.s32 $0x5A00, s31;
	s5 =	sadd.s32 $0xF800, s7;
	s7 =	simm.s32 $0x1  }
.LBB2_1:
0xd: {  	[tilespmem:s2], [sflag:$0x1] =	stream.linear.gather [hbm4b:s3+s2], $0x2710, $0x38;
	[tilespmem:$0x7700] =	vst v63  }
0xe: {  	_ =	swait.ge [sflag:s7], $0x2710  }
0xf: {  	[sflag:s7] =	ssyncset.done $0x0  }
0x10: {  	[sflag:s7] =	ssyncadd.s32 $0xFFFFD8F0  }
0x11: {  	[tilespmem:s8], [sflag:$0x1] =	stream.linear.gather [hbm4b:s4+s2], $0x2710, $0x38;
	[tilespmem:$0x7700] =	vst v63  }
0x12: {  	_ =	swait.ge [sflag:s7], $0x2710  }
0x13: {  	[sflag:s7] =	ssyncset.done $0x0  }
0x14: {  	s13 =	simm.s32 $0x0;
	[sflag:s7] =	ssyncadd.s32 $0xFFFFD8F0  }
.LBB2_2:
0x15: {  	p0 =	sne.s32 s13, $0x9FC0  }
.Ltmp0:
0x16: {  	_ = 	snop;
	(pc) =	sbr.rel @p0 .LBB2_2-.Ltmp0, $3  }
0x17: {  	_ =	sdelay $0x1  }
0x18: {  	s14 =	sshra.s32 s13, $0x2  }
0x19: {  	s13 =	sadd.s32 $0x40, s13;
	[tilespmem:s14+$0x4F00] =	vst v0  }
0x1a: {  	s14 =	simm.s32 $0x0;
	s13 =	simm.s32 $0x40  }
.LBB2_4:
0x1b: {  	p0 =	sne.s32 s13, $0x9C00;
	v1 =	vld [tilespmem:s14+$0x0];
	_ =	sdelay $0x2  }
0x1c: {  	v2 =	vld [tilespmem:s14+$0x2780]  }
.Ltmp1:
0x1d: {  	(pc) =	sbr.rel @p0 .LBB2_4-.Ltmp1, $2  }
0x1e: {  	_ =	sdelay $0x2  }
0x1f: {  	s14 =	sshra.s32 s13, $0x2;
	s13 =	sadd.s32 $0x40, s13;
	[tilespmem:v1+s9+$0x0] =	vst.idx.add.f32.msk $0xffff, v2  }
0x20: {  	v1 =	vld [tilespmem:s14+$0x0];
	_ =	sdelay $0x2  }
0x21: {  	v2 =	vld [tilespmem:s14+$0x2780];
	_ =	sdelay $0x2  }
0x22: {  	s12 =	sadd.s32 $0x1, s12  }
0x23: {  	p0 =	sne.s32 s12, s6  }
.Ltmp2:
0x24: {  	[tilespmem:v1+s9+$0x0] =	vst.idx.add.f32.msk $0xffff, v2;
	(pc) =	sbr.rel @p0 .LBB2_1-.Ltmp2, $4  }
0x25: {  	[hbm4b:s5+s10] =	stream.strided.scatter [tilespmem:s9], [sflag:$0x1], $0x2800, s11, s10, $0x38;
	[tilespmem:$0x7700] =	vst v63  }
0x26: {  	_ =	swait.ge [sflag:s7], $0x2800  }
0x27: {  	[sflag:s7] =	ssyncset.done $0x0  }
0x28: {  	[sflag:s7] =	ssyncadd.s32 $0xFFFFD800  }
0x29: {  	_ =	sfence.sel $0x180000  }
0x2a: {  	[bflag:$0x0] =	sbarrier.arrive $0xFFFF  }
0x2b: {  	p0 =	sne.s32 s0, $0x0;
	_ =	strace $0x90000047  }
0x2c: {  	s0 =	sadd.s32 @!p0 $0x100000, s1;
	[bflag:$0x2] =	sbarrier.arrive $0xFFFF  }
0x2d: {  	[sflag:s0] =	ssyncadd.tile.s32 @!p0 $0x1;
	_ =	shalt  }
.Lfunc_end2:
_tile_overlayer_lowered:
.L_overlay_start_2:
0x2e: {  	(tag) =	ssettag $0x2  }
0x2f: {  	s0 =	rddreg [dreg:$0x0];
	s2 =	stileid.u32  }
0x30: {  	s1 =	rddreg [dreg:$0x1];
	p0 =	sne.s32 s2, $0x0  }
0x31: {  	s3 =	rddreg [dreg:$0x2];
	[bflag:$0x3] =	sbarrier.arrive $0xFFFF;
	s2 =	simm.s32 @!p0 $0x1C01  }
0x32: {  	[timem:s3], [sflag:s2] =	dma.local @!p0 [hbm:s0], s1  }
0x33: {  	s0 =	simm.s32 @!p0 $0x1  }
0x34: {  	_ =	swait.ge @!p0 [sflag:s0], s1  }
0x35: {  	s1 =	ssub.s32 @!p0 $0x0, s1;
	[sflag:s0] =	ssyncset.done @!p0 $0x0  }
0x36: {  	[sflag:s0] =	ssyncadd.s32 @!p0 s1  }
0x37: {  	[bflag:$0x3] =	sbarrier.arrive $0xFFFF  }
0x38: {  	_ =	shalt  }

</sc_bundles>
